<compile_context>
chip_gen: v7x
topology: tpu7x:2x2x1
jax: 0.10.2.dev20260603
libtpu: 0.0.44.dev20260713+nightly
codegen_flags: <defaults>
</compile_context>

<pallas_src>
import functools
import math

import jax
import jax.numpy as jnp
from jax import lax
from jax.experimental import pallas as pl
from jax.experimental.pallas import tpu as pltpu
from jax.experimental.pallas import tpu_sc as plsc

_B = 16384
_D = 16
_PERIOD = 365.25
_NC, _NS = 2, 16
_NW = _NC * _NS
_NTILE = 7813
_RANGE = 245
_WT = 6
_NWIN = 41
_MAXC = _NTILE - _WT
_FLT = 784

_mesh = plsc.VectorSubcoreMesh(core_axis_name="c", subcore_axis_name="s")
_lane = lambda: lax.broadcasted_iota(jnp.int32, (16,), 0)


def _splat(v):
    return jax.lax.broadcast(v, (16,))


def _take(v, i):
    return lax.gather(
        v, i.reshape(16, 1),
        lax.GatherDimensionNumbers(
            offset_dims=(), collapsed_slice_dims=(0,), start_index_map=(0,)),
        slice_sizes=(1,),
        mode=lax.GatherScatterMode.PROMISE_IN_BOUNDS)


@functools.partial(
    pl.kernel,
    mesh=_mesh,
    out_type=jax.ShapeDtypeStruct((_B * 2 * _D,), jnp.float32),
    scratch_types=[
        pltpu.VMEM((_B,), jnp.int32),
        pltpu.VMEM((_FLT + 16,), jnp.int32),
        pltpu.VMEM((_FLT + 16,), jnp.int32),
        pltpu.VMEM((_D, _WT * 128), jnp.float32),
        pltpu.VMEM((_D, _WT * 128), jnp.float32),
        pltpu.VMEM((_D, _WT * 128), jnp.float32),
        pltpu.VMEM((_D, _WT * 128), jnp.float32),
        pltpu.VMEM((_D, _WT * 128), jnp.float32),
        pltpu.VMEM((_D, _WT * 128), jnp.float32),
        pltpu.VMEM(((_FLT + 16) * 2 * _D,), jnp.float32),
        pltpu.VMEM((256,), jnp.float32),
        pltpu.SemaphoreType.DMA,
        pltpu.SemaphoreType.DMA,
        pltpu.SemaphoreType.DMA,
        pltpu.SemaphoreType.DMA,
        pltpu.SemaphoreType.DMA,
        pltpu.SemaphoreType.DMA,
        pltpu.SemaphoreType.DMA,
    ],
    compiler_params=pltpu.CompilerParams(needs_layout_passes=False),
)
def _sc_gather(idx_hbm, a_hbm, b_hbm, o_hbm,
               ids_v, flt_v, wl_v, ba0, bb0, ba1, bb1, ba2, bb2,
               ca_v, dummy_v,
               sa0, sb0, sa1, sb1, sa2, sb2, so):
    wid = lax.axis_index("s") * _NC + lax.axis_index("c")
    lo = wid * _RANGE
    lane = _lane()

    def filt(g_, off):
        v = ids_v[pl.ds(g_ * 16, 16)]
        roff = v - lo * 128
        m = (roff >= 0) & (roff < _RANGE * 128)
        packed = (roff << 14) | (g_ * 16 + lane)
        plsc.store_compressed(
            flt_v.at[pl.ds(jnp.minimum(off, _FLT), 16)], packed, mask=m)
        cnt = plsc.all_reduce_population_count(m)
        return off + cnt[0]

    def fire(w, ba, bb, sa, sb):
        cs = pl.multiple_of(jnp.minimum(lo + w * _WT, _MAXC) * 128, 128)
        pltpu.async_copy(a_hbm.at[:, pl.ds(cs, _WT * 128)], ba, sa)
        pltpu.async_copy(b_hbm.at[:, pl.ds(cs, _WT * 128)], bb, sb)

    def drain(ba, bb, sa, sb):
        pltpu.make_async_copy(a_hbm.at[:, pl.ds(0, _WT * 128)], ba, sa).wait()
        pltpu.make_async_copy(b_hbm.at[:, pl.ds(0, _WT * 128)], bb, sb).wait()

    def extract(w, ba, bb, n, m0):
        cs_t = jnp.minimum(lo + w * _WT, _MAXC)
        sbase = cs_t - lo

        def scan(g_, off):
            p = flt_v[pl.ds(g_ * 16, 16)]
            ro = p >> 14
            m = (ro >= sbase * 128) & (ro < (sbase + _WT) * 128) & (
                g_ * 16 + lane < n)
            plsc.store_compressed(wl_v.at[pl.ds(off, 16)], p, mask=m)
            cnt = plsc.all_reduce_population_count(m)
            return off + cnt[0]

        nw = lax.fori_loop(0, (n + 15) // 16, scan, 0)

        def one(k, m_):
            ch = wl_v[pl.ds((k // 16) * 16, 16)]
            e = _take(ch, _splat(k % 16))
            col = (e >> 14) - sbase * 128
            bpos = e & 16383
            va = plsc.load_gather(ba, [lane, col])
            vb = plsc.load_gather(bb, [lane, col])
            slot = m_ * 32
            dst = _splat(slot) + lane
            plsc.store_scatter(ca_v, [dst], va)
            plsc.store_scatter(ca_v, [dst + 16], vb)
            off = pl.multiple_of(bpos[0] * 32, 32)
            pltpu.async_copy(ca_v.at[pl.ds(slot, 32)], o_hbm.at[pl.ds(off, 32)], so)
            return m_ + 1

        return lax.fori_loop(0, nw, one, m0)

    bufs = ((ba0, bb0, sa0, sb0), (ba1, bb1, sa1, sb1), (ba2, bb2, sa2, sb2))
    for j, (ba, bb, sa, sb) in enumerate(bufs):
        fire(j, ba, bb, sa, sb)

    pltpu.sync_copy(idx_hbm, ids_v)
    n = jnp.minimum(lax.fori_loop(0, _B // 16, filt, 0), _FLT)

    def wbody(k, m_):
        for j, (ba, bb, sa, sb) in enumerate(bufs):
            w = 3 * k + j
            drain(ba, bb, sa, sb)
            m_ = extract(w, ba, bb, n, m_)

            @pl.when(w + 3 < _NWIN)
            def _():
                fire(w + 3, ba, bb, sa, sb)

        return m_

    m = lax.fori_loop(0, _NWIN // 3, wbody, 0)
    drain(ba0, bb0, sa0, sb0)
    m = extract(_NWIN - 2, ba0, bb0, n, m)
    drain(ba1, bb1, sa1, sb1)
    m = extract(_NWIN - 1, ba1, bb1, n, m)

    def drain8(q, _):
        pltpu.make_async_copy(o_hbm.at[pl.ds(0, 256)], dummy_v, so).wait()
        return 0

    def drain1(q, _):
        pltpu.make_async_copy(
            o_hbm.at[pl.ds(0, 32)], dummy_v.at[pl.ds(0, 32)], so).wait()
        return 0

    lax.fori_loop(0, m // 8, drain8, 0)
    lax.fori_loop(0, m % 8, drain1, 0)


_ROWS = _B * 2 * _D // 128
_BR = 512


def _tc_combine(t_ref, c_ref, o_ref):
    li = lax.broadcasted_iota(jnp.int32, (128, 4), 0)
    ji = lax.broadcasted_iota(jnp.int32, (128, 4), 1)
    s = (li // 32 == ji).astype(jnp.float32)
    lit = lax.broadcasted_iota(jnp.int32, (4, 128), 1)
    jit = lax.broadcasted_iota(jnp.int32, (4, 128), 0)
    st = (lit // 32 == jit).astype(jnp.float32)
    t = jnp.dot(t_ref[...], st, preferred_element_type=jnp.float32)
    ln = lax.broadcasted_iota(jnp.int32, (_BR, 128), 1)
    n = (ln % 16 + 1).astype(jnp.float32)
    x = (2.0 * math.pi / _PERIOD) * (n * t)
    feat = jnp.where(ln % 32 < 16, jnp.cos(x), jnp.sin(x))
    acc = feat * c_ref[...]
    o_ref[...] = jnp.dot(acc, s, preferred_element_type=jnp.float32)


def kernel(t, id, a_table, b_table):
    idx = id.reshape(-1).astype(jnp.int32)
    rc = _sc_gather(idx, a_table.T, b_table.T)
    out2 = pl.pallas_call(
        _tc_combine,
        grid=(_ROWS // _BR,),
        in_specs=[
            pl.BlockSpec((_BR, 4), lambda i: (i, 0)),
            pl.BlockSpec((_BR, 128), lambda i: (i, 0)),
        ],
        out_specs=pl.BlockSpec((_BR, 4), lambda i: (i, 0)),
        out_shape=jax.ShapeDtypeStruct((_ROWS, 4), jnp.float32),
    )(t.reshape(_ROWS, 4), rc.reshape(_ROWS, 128))
    return out2.reshape(_B, 1)

# --- scband reference (transcript-rebuilt; emitter-appended) ---
"""Pipeline reference for scband-seasonality-33973191311672 (READ-ONLY COPY).

The authoritative reference and input builder live on the scoring server;
editing this copy changes nothing except your own understanding.
"""

import jax, jax.numpy as jnp
import numpy as np

N_ITEMS = 1000000
ORDER = 16
PERIOD = 365.25
BATCH = 16384

def setup_inputs(seed: int = 0) -> dict:
    key = jax.random.key(seed)
    k1, k2, k3, k4 = jax.random.split(key, 4)
    t = jax.random.normal(k1, (BATCH, 1), dtype=jnp.float32)
    id = jax.random.randint(k2, (BATCH, 1), 0, N_ITEMS, dtype=jnp.int64) if jax.config.jax_enable_x64 else jax.random.randint(k2, (BATCH, 1), 0, N_ITEMS, dtype=jnp.int32)
    # learned parameters: two embedding tables (a_n and b_n Fourier coefficients per item)
    a_table = jax.random.normal(k3, (N_ITEMS, ORDER), dtype=jnp.float32) * 0.05
    b_table = jax.random.normal(k4, (N_ITEMS, ORDER), dtype=jnp.float32) * 0.05
    return {"t": t, "id": id, "a_table": a_table, "b_table": b_table}

def reference(t, id, a_table, b_table):
    # keras Embedding on id[B,1] -> [B,1,order], Reshape((order,)) -> [B,order]
    idx = id.reshape(-1)
    a_n = jnp.take(a_table, idx, axis=0)  # [B, order]
    b_n = jnp.take(b_table, idx, axis=0)  # [B, order]
    n = (jnp.arange(ORDER, dtype=jnp.float32) + 1.0)[None, :]  # [1, order]
    x = 2.0 * np.pi * (t * n) / PERIOD  # [B, order] via broadcast of t[B,1]
    out = jnp.sum(jnp.cos(x) * a_n, axis=1, keepdims=True) + jnp.sum(jnp.sin(x) * b_n, axis=1, keepdims=True)
    return out  # [B, 1]

if __name__ == "__main__":
    import jax
    _d = setup_inputs()
    print(jax.jit(kernel)(*tuple(_d.values())))

</pallas_src>

<mosaic_0001>
#map = affine_map<(d0, d1) -> (0)>
#map1 = affine_map<(d0, d1) -> (0, 0)>
module attributes {stable_mosaic.version = 14 : i64} {
  func.func @_sc_gather(%arg0: i32, %arg1: i32, %arg2: memref<16384xi32, #tpu.memory_space<hbm>>, %arg3: memref<16x1000000xf32, #tpu.memory_space<hbm>>, %arg4: memref<16x1000000xf32, #tpu.memory_space<hbm>>, %arg5: memref<524288xf32, #tpu.memory_space<hbm>>, %arg6: memref<16384xi32, #tpu.memory_space<vmem>>, %arg7: memref<800xi32, #tpu.memory_space<vmem>>, %arg8: memref<800xi32, #tpu.memory_space<vmem>>, %arg9: memref<16x768xf32, #tpu.memory_space<vmem>>, %arg10: memref<16x768xf32, #tpu.memory_space<vmem>>, %arg11: memref<16x768xf32, #tpu.memory_space<vmem>>, %arg12: memref<16x768xf32, #tpu.memory_space<vmem>>, %arg13: memref<16x768xf32, #tpu.memory_space<vmem>>, %arg14: memref<16x768xf32, #tpu.memory_space<vmem>>, %arg15: memref<25600xf32, #tpu.memory_space<vmem>>, %arg16: memref<256xf32, #tpu.memory_space<vmem>>, %arg17: memref<!tpu.dma_semaphore, #tpu.memory_space<semaphore_mem>>, %arg18: memref<!tpu.dma_semaphore, #tpu.memory_space<semaphore_mem>>, %arg19: memref<!tpu.dma_semaphore, #tpu.memory_space<semaphore_mem>>, %arg20: memref<!tpu.dma_semaphore, #tpu.memory_space<semaphore_mem>>, %arg21: memref<!tpu.dma_semaphore, #tpu.memory_space<semaphore_mem>>, %arg22: memref<!tpu.dma_semaphore, #tpu.memory_space<semaphore_mem>>, %arg23: memref<!tpu.dma_semaphore, #tpu.memory_space<semaphore_mem>>) attributes {dimension_semantics = [#tpu.dimension_semantics<core_parallel>, #tpu.dimension_semantics<subcore_parallel>], iteration_bounds = array<i64: 2, 16>, scalar_prefetch = 0 : i64, scratch_operands = 18 : i64, tpu.core_type = #tpu.core_type<sc_vector_subcore>, window_params = [{transform_indices = #map}, {transform_indices = #map1}, {transform_indices = #map1}, {transform_indices = #map}]} {
    %mul3A = arith.constant 2 : i32
    %mul3A_0 = arith.muli %arg1, %mul3A : i32
    %add3A = arith.addi %mul3A_0, %arg0 : i32
    %mul3A_1 = arith.constant 245 : i32
    %mul3A_2 = arith.muli %add3A, %mul3A_1 : i32
    %iota3A = tpu.iota {dimensions = array<i32: 0>} : vector<16xi32>
    %add3A_3 = arith.constant 0 : i32
    %add3A_4 = arith.addi %mul3A_2, %add3A_3 : i32
    %min3A = arith.constant 7807 : i32
    %min3A_5 = arith.minsi %add3A_4, %min3A : i32
    %mul3A_6 = arith.constant 128 : i32
    %mul3A_7 = arith.muli %min3A_5, %mul3A_6 : i32
    %multiple_of3A = tpu.assume_multiple %mul3A_7, 128 : i32
    %dma_start3A = arith.constant 0 : i32
    %dma_start3A_8 = tpu.memref_slice %arg3[%dma_start3A, %multiple_of3A] : memref<16x1000000xf32, #tpu.memory_space<hbm>> -> memref<16x768xf32, #tpu.memory_space<hbm>>
    %dma_start3A_9 = arith.constant 0 : i32
    %dma_start3A_10 = tpu.memref_slice %arg3[%dma_start3A_9, %multiple_of3A] : memref<16x1000000xf32, #tpu.memory_space<hbm>> -> memref<16x768xf32, #tpu.memory_space<hbm>>
    tpu.enqueue_dma source(%dma_start3A_10 : memref<16x768xf32, #tpu.memory_space<hbm>>) target(%arg9 : memref<16x768xf32, #tpu.memory_space<vmem>>) target_semaphore(%arg17 : memref<!tpu.dma_semaphore, #tpu.memory_space<semaphore_mem>>)
    %dma_start3A_11 = arith.constant 0 : i32
    %dma_start3A_12 = tpu.memref_slice %arg4[%dma_start3A_11, %multiple_of3A] : memref<16x1000000xf32, #tpu.memory_space<hbm>> -> memref<16x768xf32, #tpu.memory_space<hbm>>
    %dma_start3A_13 = arith.constant 0 : i32
    %dma_start3A_14 = tpu.memref_slice %arg4[%dma_start3A_13, %multiple_of3A] : memref<16x1000000xf32, #tpu.memory_space<hbm>> -> memref<16x768xf32, #tpu.memory_space<hbm>>
    tpu.enqueue_dma source(%dma_start3A_14 : memref<16x768xf32, #tpu.memory_space<hbm>>) target(%arg10 : memref<16x768xf32, #tpu.memory_space<vmem>>) target_semaphore(%arg18 : memref<!tpu.dma_semaphore, #tpu.memory_space<semaphore_mem>>)
    %add3A_15 = arith.constant 6 : i32
    %add3A_16 = arith.addi %mul3A_2, %add3A_15 : i32
    %min3A_17 = arith.constant 7807 : i32
    %min3A_18 = arith.minsi %add3A_16, %min3A_17 : i32
    %mul3A_19 = arith.constant 128 : i32
    %mul3A_20 = arith.muli %min3A_18, %mul3A_19 : i32
    %multiple_of3A_21 = tpu.assume_multiple %mul3A_20, 128 : i32
    %dma_start3A_22 = arith.constant 0 : i32
    %dma_start3A_23 = tpu.memref_slice %arg3[%dma_start3A_22, %multiple_of3A_21] : memref<16x1000000xf32, #tpu.memory_space<hbm>> -> memref<16x768xf32, #tpu.memory_space<hbm>>
    %dma_start3A_24 = arith.constant 0 : i32
    %dma_start3A_25 = tpu.memref_slice %arg3[%dma_start3A_24, %multiple_of3A_21] : memref<16x1000000xf32, #tpu.memory_space<hbm>> -> memref<16x768xf32, #tpu.memory_space<hbm>>
    tpu.enqueue_dma source(%dma_start3A_25 : memref<16x768xf32, #tpu.memory_space<hbm>>) target(%arg11 : memref<16x768xf32, #tpu.memory_space<vmem>>) target_semaphore(%arg19 : memref<!tpu.dma_semaphore, #tpu.memory_space<semaphore_mem>>)
    %dma_start3A_26 = arith.constant 0 : i32
    %dma_start3A_27 = tpu.memref_slice %arg4[%dma_start3A_26, %multiple_of3A_21] : memref<16x1000000xf32, #tpu.memory_space<hbm>> -> memref<16x768xf32, #tpu.memory_space<hbm>>
    %dma_start3A_28 = arith.constant 0 : i32
    %dma_start3A_29 = tpu.memref_slice %arg4[%dma_start3A_28, %multiple_of3A_21] : memref<16x1000000xf32, #tpu.memory_space<hbm>> -> memref<16x768xf32, #tpu.memory_space<hbm>>
    tpu.enqueue_dma source(%dma_start3A_29 : memref<16x768xf32, #tpu.memory_space<hbm>>) target(%arg12 : memref<16x768xf32, #tpu.memory_space<vmem>>) target_semaphore(%arg20 : memref<!tpu.dma_semaphore, #tpu.memory_space<semaphore_mem>>)
    %add3A_30 = arith.constant 12 : i32
    %add3A_31 = arith.addi %mul3A_2, %add3A_30 : i32
    %min3A_32 = arith.constant 7807 : i32
    %min3A_33 = arith.minsi %add3A_31, %min3A_32 : i32
    %mul3A_34 = arith.constant 128 : i32
    %mul3A_35 = arith.muli %min3A_33, %mul3A_34 : i32
    %multiple_of3A_36 = tpu.assume_multiple %mul3A_35, 128 : i32
    %dma_start3A_37 = arith.constant 0 : i32
    %dma_start3A_38 = tpu.memref_slice %arg3[%dma_start3A_37, %multiple_of3A_36] : memref<16x1000000xf32, #tpu.memory_space<hbm>> -> memref<16x768xf32, #tpu.memory_space<hbm>>
    %dma_start3A_39 = arith.constant 0 : i32
    %dma_start3A_40 = tpu.memref_slice %arg3[%dma_start3A_39, %multiple_of3A_36] : memref<16x1000000xf32, #tpu.memory_space<hbm>> -> memref<16x768xf32, #tpu.memory_space<hbm>>
    tpu.enqueue_dma source(%dma_start3A_40 : memref<16x768xf32, #tpu.memory_space<hbm>>) target(%arg13 : memref<16x768xf32, #tpu.memory_space<vmem>>) target_semaphore(%arg21 : memref<!tpu.dma_semaphore, #tpu.memory_space<semaphore_mem>>)
    %dma_start3A_41 = arith.constant 0 : i32
    %dma_start3A_42 = tpu.memref_slice %arg4[%dma_start3A_41, %multiple_of3A_36] : memref<16x1000000xf32, #tpu.memory_space<hbm>> -> memref<16x768xf32, #tpu.memory_space<hbm>>
    %dma_start3A_43 = arith.constant 0 : i32
    %dma_start3A_44 = tpu.memref_slice %arg4[%dma_start3A_43, %multiple_of3A_36] : memref<16x1000000xf32, #tpu.memory_space<hbm>> -> memref<16x768xf32, #tpu.memory_space<hbm>>
    tpu.enqueue_dma source(%dma_start3A_44 : memref<16x768xf32, #tpu.memory_space<hbm>>) target(%arg14 : memref<16x768xf32, #tpu.memory_space<vmem>>) target_semaphore(%arg22 : memref<!tpu.dma_semaphore, #tpu.memory_space<semaphore_mem>>)
    "tpu.region"() ({
      %run_scoped3A = tpu.sem_alloc : memref<!tpu.dma_semaphore, #tpu.memory_space<semaphore_mem>>
      tpu.enqueue_dma source(%arg2 : memref<16384xi32, #tpu.memory_space<hbm>>) target(%arg6 : memref<16384xi32, #tpu.memory_space<vmem>>) target_semaphore(%run_scoped3A : memref<!tpu.dma_semaphore, #tpu.memory_space<semaphore_mem>>)
      tpu.wait_dma2 semaphore(%run_scoped3A : memref<!tpu.dma_semaphore, #tpu.memory_space<semaphore_mem>>) src(%arg2 : memref<16384xi32, #tpu.memory_space<hbm>>) dst(%arg6 : memref<16384xi32, #tpu.memory_space<vmem>>)
      tpu.yield
    }) : () -> ()
    %scan3A = arith.constant 0 : i32
    %scan3A_45 = arith.constant 0 : i32
    %scan3A_46 = arith.constant 1024 : i32
    %scan3A_47 = arith.addi %scan3A_45, %scan3A_46 : i32
    %scan3A_48 = arith.constant 1 : i32
    %scan3A_49 = scf.for %scan3A_244 = %scan3A_45 to %scan3A_47 step %scan3A_48 iter_args(%scan3A_245 = %scan3A) -> (i32)  : i32 {
      %mul3A_246 = arith.constant 16 : i32
      %mul3A_247 = arith.muli %scan3A_244, %mul3A_246 : i32
      %get3A = arith.index_cast %mul3A_247 : i32 to index
      %get3A_248 = tpu.vector_load %arg6[%get3A] {strides = array<i32>} : memref<16384xi32, #tpu.memory_space<vmem>>, vector<16xi32>,
      %mul3A_249 = arith.constant 128 : i32
      %mul3A_250 = arith.muli %mul3A_2, %mul3A_249 : i32
      %sub3A_251 = vector.broadcast %mul3A_250 : i32 to vector<16xi32>
      %sub3A_252 = arith.subi %get3A_248, %sub3A_251 : vector<16xi32>
      %ge3A = arith.constant 0 : i32
      %ge3A_253 = vector.broadcast %ge3A : i32 to vector<16xi32>
      %ge3A_254 = arith.cmpi sge, %sub3A_252, %ge3A_253 : vector<16xi32>
      %lt3A_255 = arith.constant 31360 : i32
      %lt3A_256 = vector.broadcast %lt3A_255 : i32 to vector<16xi32>
      %lt3A_257 = arith.cmpi slt, %sub3A_252, %lt3A_256 : vector<16xi32>
      %and3A_258 = arith.andi %ge3A_254, %lt3A_257 : vector<16xi1>
      %shift_left3A = arith.constant 14 : i32
      %shift_left3A_259 = vector.broadcast %shift_left3A : i32 to vector<16xi32>
      %shift_left3A_260 = arith.shli %sub3A_252, %shift_left3A_259 : vector<16xi32>
      %mul3A_261 = arith.constant 16 : i32
      %mul3A_262 = arith.muli %scan3A_244, %mul3A_261 : i32
      %add3A_263 = vector.broadcast %mul3A_262 : i32 to vector<16xi32>
      %add3A_264 = arith.addi %add3A_263, %iota3A : vector<16xi32>
      %or3A = arith.ori %shift_left3A_260, %add3A_264 : vector<16xi32>
      %min3A_265 = arith.constant 784 : i32
      %min3A_266 = arith.minsi %scan3A_245, %min3A_265 : i32
      %swap3A = arith.index_cast %min3A_266 : i32 to index
      %swap3A_267 = tpu.vector_load %arg7[%swap3A] masked %and3A_258 {strides = array<i32>} : memref<800xi32, #tpu.memory_space<vmem>>, vector<16xi32>, vector<16xi1>
      tpu.vector_store %arg7[%swap3A], %or3A masked %and3A_258 {strides = array<i32>} : memref<800xi32, #tpu.memory_space<vmem>>, vector<16xi32>, vector<16xi1>
      %all_reduce_population_count3A = tpu.all_reduce %and3A_258 {dim = 0 : i64, kind = #tpu.reduction_kind<sum>} : vector<16xi1> -> vector<16xi32>
      %slice3A = vector.extract_strided_slice %all_reduce_population_count3A {offsets = [0], sizes = [1], strides = [1]} : vector<16xi32> to vector<1xi32>
      %squeeze3A = vector.extract %slice3A[0] : i32 from vector<1xi32>
      %add3A_268 = arith.addi %scan3A_245, %squeeze3A : i32
      scf.yield %add3A_268 : i32
    }
    %scan3A_50 = arith.constant 1024 : i32
    %min3A_51 = arith.constant 784 : i32
    %min3A_52 = arith.minsi %scan3A_49, %min3A_51 : i32
    %scan3A_53 = arith.constant 0 : i32
    %scan3A_54 = arith.constant 0 : i32
    %scan3A_55 = arith.constant 13 : i32
    %scan3A_56 = arith.addi %scan3A_54, %scan3A_55 : i32
    %scan3A_57 = arith.constant 1 : i32
    %scan3A_58 = scf.for %scan3A_244 = %scan3A_54 to %scan3A_56 step %scan3A_57 iter_args(%scan3A_245 = %scan3A_53) -> (i32)  : i32 {
      %mul3A_246 = arith.constant 3 : i32
      %mul3A_247 = arith.muli %mul3A_246, %scan3A_244 : i32
      %add3A_248 = arith.constant 0 : i32
      %add3A_249 = arith.addi %mul3A_247, %add3A_248 : i32
      %dma_wait3A_250 = arith.constant 0 : i32
      %dma_wait3A_251 = arith.constant 0 : i32
      %dma_wait3A_252 = tpu.memref_slice %arg3[%dma_wait3A_250, %dma_wait3A_251] : memref<16x1000000xf32, #tpu.memory_space<hbm>> -> memref<16x768xf32, #tpu.memory_space<hbm>>
      %dma_wait3A_253 = arith.constant 0 : i32
      %dma_wait3A_254 = arith.constant 0 : i32
      %dma_wait3A_255 = tpu.memref_slice %arg3[%dma_wait3A_253, %dma_wait3A_254] : memref<16x1000000xf32, #tpu.memory_space<hbm>> -> memref<16x768xf32, #tpu.memory_space<hbm>>
      tpu.wait_dma2 semaphore(%arg17 : memref<!tpu.dma_semaphore, #tpu.memory_space<semaphore_mem>>) src(%dma_wait3A_255 : memref<16x768xf32, #tpu.memory_space<hbm>>) dst(%arg9 : memref<16x768xf32, #tpu.memory_space<vmem>>)
      %dma_wait3A_256 = arith.constant 0 : i32
      %dma_wait3A_257 = arith.constant 0 : i32
      %dma_wait3A_258 = tpu.memref_slice %arg4[%dma_wait3A_256, %dma_wait3A_257] : memref<16x1000000xf32, #tpu.memory_space<hbm>> -> memref<16x768xf32, #tpu.memory_space<hbm>>
      %dma_wait3A_259 = arith.constant 0 : i32
      %dma_wait3A_260 = arith.constant 0 : i32
      %dma_wait3A_261 = tpu.memref_slice %arg4[%dma_wait3A_259, %dma_wait3A_260] : memref<16x1000000xf32, #tpu.memory_space<hbm>> -> memref<16x768xf32, #tpu.memory_space<hbm>>
      tpu.wait_dma2 semaphore(%arg18 : memref<!tpu.dma_semaphore, #tpu.memory_space<semaphore_mem>>) src(%dma_wait3A_261 : memref<16x768xf32, #tpu.memory_space<hbm>>) dst(%arg10 : memref<16x768xf32, #tpu.memory_space<vmem>>)
      %mul3A_262 = arith.constant 6 : i32
      %mul3A_263 = arith.muli %add3A_249, %mul3A_262 : i32
      %add3A_264 = arith.addi %mul3A_2, %mul3A_263 : i32
      %min3A_265 = arith.constant 7807 : i32
      %min3A_266 = arith.minsi %add3A_264, %min3A_265 : i32
      %sub3A_267 = arith.subi %min3A_266, %mul3A_2 : i32
      %add3A_268 = arith.constant 15 : i32
      %add3A_269 = arith.addi %min3A_52, %add3A_268 : i32
      %jit3A_270 = arith.constant 16 : i32
      %div3A_271 = arith.divsi %add3A_269, %jit3A_270 : i32
      %sign3A_272 = arith.constant 0 : i32
      %sign3A_273 = arith.cmpi sgt, %add3A_269, %sign3A_272 : i32
      %sign3A_274 = arith.extui %sign3A_273 : i1 to i32
      %sign3A_275 = arith.constant 0 : i32
      %sign3A_276 = arith.cmpi slt, %add3A_269, %sign3A_275 : i32
      %sign3A_277 = arith.extui %sign3A_276 : i1 to i32
      %sign3A_278 = arith.subi %sign3A_274, %sign3A_277 : i32
      %sign3A_279 = arith.constant 0 : i32
      %sign3A_280 = arith.cmpi sgt, %jit3A_270, %sign3A_279 : i32
      %sign3A_281 = arith.extui %sign3A_280 : i1 to i32
      %sign3A_282 = arith.constant 0 : i32
      %sign3A_283 = arith.cmpi slt, %jit3A_270, %sign3A_282 : i32
      %sign3A_284 = arith.extui %sign3A_283 : i1 to i32
      %sign3A_285 = arith.subi %sign3A_281, %sign3A_284 : i32
      %ne3A_286 = arith.cmpi ne, %sign3A_278, %sign3A_285 : i32
      %rem3A_287 = arith.remsi %add3A_269, %jit3A_270 : i32
      %ne3A_288 = arith.constant 0 : i32
      %ne3A_289 = arith.cmpi ne, %rem3A_287, %ne3A_288 : i32
      %and3A_290 = arith.andi %ne3A_286, %ne3A_289 : i1
      %sub3A_291 = arith.constant 1 : i32
      %sub3A_292 = arith.subi %div3A_271, %sub3A_291 : i32
      %select_n3A_293 = arith.select %and3A_290, %sub3A_292, %div3A_271 : i32
      %while3A_294 = arith.constant 0 : i32
      %while3A_295 = arith.constant 0 : i32
      %while3A_296 = arith.subi %select_n3A_293, %while3A_294 : i32
      %while3A_297 = arith.addi %while3A_294, %while3A_296 : i32
      %while3A_298 = arith.constant 1 : i32
      %while3A_299 = arith.divsi %while3A_296, %while3A_298 : i32
      %while3A_300 = arith.muli %while3A_299, %while3A_298 : i32
      %while3A_301 = arith.addi %while3A_294, %while3A_300 : i32
      %while3A_302 = arith.constant 1 : i32
      %while3A_303 = scf.for %while3A_478 = %while3A_294 to %while3A_301 step %while3A_302 iter_args(%while3A_479 = %while3A_295) -> (i32)  : i32 {
        %mul3A_480 = arith.constant 16 : i32
        %mul3A_481 = arith.muli %while3A_478, %mul3A_480 : i32
        %get3A = arith.index_cast %mul3A_481 : i32 to index
        %get3A_482 = tpu.vector_load %arg7[%get3A] {strides = array<i32>} : memref<800xi32, #tpu.memory_space<vmem>>, vector<16xi32>,
        %shift_right_arithmetic3A = arith.constant 14 : i32
        %shift_right_arithmetic3A_483 = vector.broadcast %shift_right_arithmetic3A : i32 to vector<16xi32>
        %shift_right_arithmetic3A_484 = arith.shrsi %get3A_482, %shift_right_arithmetic3A_483 : vector<16xi32>
        %mul3A_485 = arith.constant 128 : i32
        %mul3A_486 = arith.muli %sub3A_267, %mul3A_485 : i32
        %ge3A = vector.broadcast %mul3A_486 : i32 to vector<16xi32>
        %ge3A_487 = arith.cmpi sge, %shift_right_arithmetic3A_484, %ge3A : vector<16xi32>
        %add3A_488 = arith.constant 6 : i32
        %add3A_489 = arith.addi %sub3A_267, %add3A_488 : i32
        %mul3A_490 = arith.constant 128 : i32
        %mul3A_491 = arith.muli %add3A_489, %mul3A_490 : i32
        %lt3A_492 = vector.broadcast %mul3A_491 : i32 to vector<16xi32>
        %lt3A_493 = arith.cmpi slt, %shift_right_arithmetic3A_484, %lt3A_492 : vector<16xi32>
        %and3A_494 = arith.andi %ge3A_487, %lt3A_493 : vector<16xi1>
        %mul3A_495 = arith.constant 16 : i32
        %mul3A_496 = arith.muli %while3A_478, %mul3A_495 : i32
        %add3A_497 = vector.broadcast %mul3A_496 : i32 to vector<16xi32>
        %add3A_498 = arith.addi %add3A_497, %iota3A : vector<16xi32>
        %lt3A_499 = vector.broadcast %min3A_52 : i32 to vector<16xi32>
        %lt3A_500 = arith.cmpi slt, %add3A_498, %lt3A_499 : vector<16xi32>
        %and3A_501 = arith.andi %and3A_494, %lt3A_500 : vector<16xi1>
        %swap3A = arith.index_cast %while3A_479 : i32 to index
        %swap3A_502 = tpu.vector_load %arg8[%swap3A] masked %and3A_501 {strides = array<i32>} : memref<800xi32, #tpu.memory_space<vmem>>, vector<16xi32>, vector<16xi1>
        tpu.vector_store %arg8[%swap3A], %get3A_482 masked %and3A_501 {strides = array<i32>} : memref<800xi32, #tpu.memory_space<vmem>>, vector<16xi32>, vector<16xi1>
        %all_reduce_population_count3A = tpu.all_reduce %and3A_501 {dim = 0 : i64, kind = #tpu.reduction_kind<sum>} : vector<16xi1> -> vector<16xi32>
        %slice3A = vector.extract_strided_slice %all_reduce_population_count3A {offsets = [0], sizes = [1], strides = [1]} : vector<16xi32> to vector<1xi32>
        %squeeze3A = vector.extract %slice3A[0] : i32 from vector<1xi32>
        %add3A_503 = arith.addi %while3A_479, %squeeze3A : i32
        scf.yield %add3A_503 : i32
      }
      %while3A_304 = arith.constant 1 : i32
      %while3A_305 = scf.for %while3A_478 = %while3A_301 to %while3A_297 step %while3A_304 iter_args(%while3A_479 = %while3A_303) -> (i32)  : i32 {
        %mul3A_480 = arith.constant 16 : i32
        %mul3A_481 = arith.muli %while3A_478, %mul3A_480 : i32
        %get3A = arith.index_cast %mul3A_481 : i32 to index
        %get3A_482 = tpu.vector_load %arg7[%get3A] {strides = array<i32>} : memref<800xi32, #tpu.memory_space<vmem>>, vector<16xi32>,
        %shift_right_arithmetic3A = arith.constant 14 : i32
        %shift_right_arithmetic3A_483 = vector.broadcast %shift_right_arithmetic3A : i32 to vector<16xi32>
        %shift_right_arithmetic3A_484 = arith.shrsi %get3A_482, %shift_right_arithmetic3A_483 : vector<16xi32>
        %mul3A_485 = arith.constant 128 : i32
        %mul3A_486 = arith.muli %sub3A_267, %mul3A_485 : i32
        %ge3A = vector.broadcast %mul3A_486 : i32 to vector<16xi32>
        %ge3A_487 = arith.cmpi sge, %shift_right_arithmetic3A_484, %ge3A : vector<16xi32>
        %add3A_488 = arith.constant 6 : i32
        %add3A_489 = arith.addi %sub3A_267, %add3A_488 : i32
        %mul3A_490 = arith.constant 128 : i32
        %mul3A_491 = arith.muli %add3A_489, %mul3A_490 : i32
        %lt3A_492 = vector.broadcast %mul3A_491 : i32 to vector<16xi32>
        %lt3A_493 = arith.cmpi slt, %shift_right_arithmetic3A_484, %lt3A_492 : vector<16xi32>
        %and3A_494 = arith.andi %ge3A_487, %lt3A_493 : vector<16xi1>
        %mul3A_495 = arith.constant 16 : i32
        %mul3A_496 = arith.muli %while3A_478, %mul3A_495 : i32
        %add3A_497 = vector.broadcast %mul3A_496 : i32 to vector<16xi32>
        %add3A_498 = arith.addi %add3A_497, %iota3A : vector<16xi32>
        %lt3A_499 = vector.broadcast %min3A_52 : i32 to vector<16xi32>
        %lt3A_500 = arith.cmpi slt, %add3A_498, %lt3A_499 : vector<16xi32>
        %and3A_501 = arith.andi %and3A_494, %lt3A_500 : vector<16xi1>
        %swap3A = arith.index_cast %while3A_479 : i32 to index
        %swap3A_502 = tpu.vector_load %arg8[%swap3A] masked %and3A_501 {strides = array<i32>} : memref<800xi32, #tpu.memory_space<vmem>>, vector<16xi32>, vector<16xi1>
        tpu.vector_store %arg8[%swap3A], %get3A_482 masked %and3A_501 {strides = array<i32>} : memref<800xi32, #tpu.memory_space<vmem>>, vector<16xi32>, vector<16xi1>
        %all_reduce_population_count3A = tpu.all_reduce %and3A_501 {dim = 0 : i64, kind = #tpu.reduction_kind<sum>} : vector<16xi1> -> vector<16xi32>
        %slice3A = vector.extract_strided_slice %all_reduce_population_count3A {offsets = [0], sizes = [1], strides = [1]} : vector<16xi32> to vector<1xi32>
        %squeeze3A = vector.extract %slice3A[0] : i32 from vector<1xi32>
        %add3A_503 = arith.addi %while3A_479, %squeeze3A : i32
        scf.yield %add3A_503 : i32
      }
      %while3A_306 = arith.constant 0 : i32
      %while3A_307 = arith.subi %while3A_305, %while3A_306 : i32
      %while3A_308 = arith.addi %while3A_306, %while3A_307 : i32
      %while3A_309 = arith.constant 1 : i32
      %while3A_310 = arith.divsi %while3A_307, %while3A_309 : i32
      %while3A_311 = arith.muli %while3A_310, %while3A_309 : i32
      %while3A_312 = arith.addi %while3A_306, %while3A_311 : i32
      %while3A_313 = arith.constant 1 : i32
      %while3A_314 = scf.for %while3A_478 = %while3A_306 to %while3A_312 step %while3A_313 iter_args(%while3A_479 = %scan3A_245) -> (i32)  : i32 {
        %jit3A_480 = arith.constant 16 : i32
        %div3A_481 = arith.divsi %while3A_478, %jit3A_480 : i32
        %sign3A_482 = arith.constant 0 : i32
        %sign3A_483 = arith.cmpi sgt, %while3A_478, %sign3A_482 : i32
        %sign3A_484 = arith.extui %sign3A_483 : i1 to i32
        %sign3A_485 = arith.constant 0 : i32
        %sign3A_486 = arith.cmpi slt, %while3A_478, %sign3A_485 : i32
        %sign3A_487 = arith.extui %sign3A_486 : i1 to i32
        %sign3A_488 = arith.subi %sign3A_484, %sign3A_487 : i32
        %sign3A_489 = arith.constant 0 : i32
        %sign3A_490 = arith.cmpi sgt, %jit3A_480, %sign3A_489 : i32
        %sign3A_491 = arith.extui %sign3A_490 : i1 to i32
        %sign3A_492 = arith.constant 0 : i32
        %sign3A_493 = arith.cmpi slt, %jit3A_480, %sign3A_492 : i32
        %sign3A_494 = arith.extui %sign3A_493 : i1 to i32
        %sign3A_495 = arith.subi %sign3A_491, %sign3A_494 : i32
        %ne3A_496 = arith.cmpi ne, %sign3A_488, %sign3A_495 : i32
        %rem3A_497 = arith.remsi %while3A_478, %jit3A_480 : i32
        %ne3A_498 = arith.constant 0 : i32
        %ne3A_499 = arith.cmpi ne, %rem3A_497, %ne3A_498 : i32
        %and3A_500 = arith.andi %ne3A_496, %ne3A_499 : i1
        %sub3A_501 = arith.constant 1 : i32
        %sub3A_502 = arith.subi %div3A_481, %sub3A_501 : i32
        %select_n3A_503 = arith.select %and3A_500, %sub3A_502, %div3A_481 : i32
        %mul3A_504 = arith.constant 16 : i32
        %mul3A_505 = arith.muli %select_n3A_503, %mul3A_504 : i32
        %get3A = arith.index_cast %mul3A_505 : i32 to index
        %get3A_506 = tpu.vector_load %arg8[%get3A] {strides = array<i32>} : memref<800xi32, #tpu.memory_space<vmem>>, vector<16xi32>,
        %jit3A_507 = arith.constant 16 : i32
        %eq3A_508 = arith.constant 0 : i32
        %eq3A_509 = arith.cmpi eq, %jit3A_507, %eq3A_508 : i32
        %jit3A_510 = arith.constant 1 : i32
        %select_n3A_511 = arith.select %eq3A_509, %jit3A_510, %jit3A_507 : i32
        %rem3A_512 = arith.remsi %while3A_478, %select_n3A_511 : i32
        %ne3A_513 = arith.constant 0 : i32
        %ne3A_514 = arith.cmpi ne, %rem3A_512, %ne3A_513 : i32
        %lt3A_515 = arith.constant 0 : i32
        %lt3A_516 = arith.cmpi slt, %rem3A_512, %lt3A_515 : i32
        %lt3A_517 = arith.constant 0 : i32
        %lt3A_518 = arith.cmpi slt, %select_n3A_511, %lt3A_517 : i32
        %ne3A_519 = arith.xori %lt3A_516, %lt3A_518 : i1
        %and3A_520 = arith.andi %ne3A_519, %ne3A_514 : i1
        %add3A_521 = arith.addi %rem3A_512, %select_n3A_511 : i32
        %select_n3A_522 = arith.select %and3A_520, %add3A_521, %rem3A_512 : i32
        %broadcast_in_dim3A = vector.broadcast %select_n3A_522 : i32 to vector<16xi32>
        %reshape3A = vector.shape_cast %broadcast_in_dim3A : vector<16xi32> to vector<16x1xi32>
        %gather3A = vector.shape_cast %reshape3A : vector<16x1xi32> to vector<16xi32>
        %gather3A_523 = tpu.dynamic_gather %get3A_506[%gather3A] in [0] : vector<16xi32>, vector<16xi32> -> vector<16xi32>
        %shift_right_arithmetic3A = arith.constant 14 : i32
        %shift_right_arithmetic3A_524 = vector.broadcast %shift_right_arithmetic3A : i32 to vector<16xi32>
        %shift_right_arithmetic3A_525 = arith.shrsi %gather3A_523, %shift_right_arithmetic3A_524 : vector<16xi32>
        %mul3A_526 = arith.constant 128 : i32
        %mul3A_527 = arith.muli %sub3A_267, %mul3A_526 : i32
        %sub3A_528 = vector.broadcast %mul3A_527 : i32 to vector<16xi32>
        %sub3A_529 = arith.subi %shift_right_arithmetic3A_525, %sub3A_528 : vector<16xi32>
        %and3A_530 = arith.constant 16383 : i32
        %and3A_531 = vector.broadcast %and3A_530 : i32 to vector<16xi32>
        %and3A_532 = arith.andi %gather3A_523, %and3A_531 : vector<16xi32>
        %gather3A_533 = tpu.vector_load_idx %arg9[%iota3A, %sub3A_529] : memref<16x768xf32, #tpu.memory_space<vmem>>[vector<16xi32>, vector<16xi32>], vector<16xf32>,
        %gather3A_534 = tpu.vector_load_idx %arg10[%iota3A, %sub3A_529] : memref<16x768xf32, #tpu.memory_space<vmem>>[vector<16xi32>, vector<16xi32>], vector<16xf32>,
        %mul3A_535 = arith.constant 32 : i32
        %mul3A_536 = arith.muli %while3A_479, %mul3A_535 : i32
        %broadcast_in_dim3A_537 = vector.broadcast %mul3A_536 : i32 to vector<16xi32>
        %add3A_538 = arith.addi %broadcast_in_dim3A_537, %iota3A : vector<16xi32>
        tpu.vector_store_idx %arg15[%add3A_538], %gather3A_533 : memref<25600xf32, #tpu.memory_space<vmem>>[vector<16xi32>], vector<16xf32>,
        %add3A_539 = arith.constant 16 : i32
        %add3A_540 = vector.broadcast %add3A_539 : i32 to vector<16xi32>
        %add3A_541 = arith.addi %add3A_538, %add3A_540 : vector<16xi32>
        tpu.vector_store_idx %arg15[%add3A_541], %gather3A_534 : memref<25600xf32, #tpu.memory_space<vmem>>[vector<16xi32>], vector<16xf32>,
        %slice3A = vector.extract_strided_slice %and3A_532 {offsets = [0], sizes = [1], strides = [1]} : vector<16xi32> to vector<1xi32>
        %squeeze3A = vector.extract %slice3A[0] : i32 from vector<1xi32>
        %mul3A_542 = arith.constant 32 : i32
        %mul3A_543 = arith.muli %squeeze3A, %mul3A_542 : i32
        %multiple_of3A_544 = tpu.assume_multiple %mul3A_543, 32 : i32
        %dma_start3A_545 = tpu.memref_slice %arg15[%mul3A_536] : memref<25600xf32, #tpu.memory_space<vmem>> -> memref<32xf32, #tpu.memory_space<vmem>>
        %dma_start3A_546 = tpu.memref_slice %arg5[%multiple_of3A_544] : memref<524288xf32, #tpu.memory_space<hbm>> -> memref<32xf32, #tpu.memory_space<hbm>>
        %dma_start3A_547 = tpu.memref_slice %arg5[%multiple_of3A_544] : memref<524288xf32, #tpu.memory_space<hbm>> -> memref<32xf32, #tpu.memory_space<hbm>>
        %dma_start3A_548 = tpu.memref_slice %arg15[%mul3A_536] : memref<25600xf32, #tpu.memory_space<vmem>> -> memref<32xf32, #tpu.memory_space<vmem>>
        tpu.enqueue_dma source(%dma_start3A_548 : memref<32xf32, #tpu.memory_space<vmem>>) target(%dma_start3A_547 : memref<32xf32, #tpu.memory_space<hbm>>) target_semaphore(%arg23 : memref<!tpu.dma_semaphore, #tpu.memory_space<semaphore_mem>>)
        %add3A_549 = arith.constant 1 : i32
        %add3A_550 = arith.addi %while3A_479, %add3A_549 : i32
        scf.yield %add3A_550 : i32
      }
      %while3A_315 = arith.constant 1 : i32
      %while3A_316 = scf.for %while3A_478 = %while3A_312 to %while3A_308 step %while3A_315 iter_args(%while3A_479 = %while3A_314) -> (i32)  : i32 {
        %jit3A_480 = arith.constant 16 : i32
        %div3A_481 = arith.divsi %while3A_478, %jit3A_480 : i32
        %sign3A_482 = arith.constant 0 : i32
        %sign3A_483 = arith.cmpi sgt, %while3A_478, %sign3A_482 : i32
        %sign3A_484 = arith.extui %sign3A_483 : i1 to i32
        %sign3A_485 = arith.constant 0 : i32
        %sign3A_486 = arith.cmpi slt, %while3A_478, %sign3A_485 : i32
        %sign3A_487 = arith.extui %sign3A_486 : i1 to i32
        %sign3A_488 = arith.subi %sign3A_484, %sign3A_487 : i32
        %sign3A_489 = arith.constant 0 : i32
        %sign3A_490 = arith.cmpi sgt, %jit3A_480, %sign3A_489 : i32
        %sign3A_491 = arith.extui %sign3A_490 : i1 to i32
        %sign3A_492 = arith.constant 0 : i32
        %sign3A_493 = arith.cmpi slt, %jit3A_480, %sign3A_492 : i32
        %sign3A_494 = arith.extui %sign3A_493 : i1 to i32
        %sign3A_495 = arith.subi %sign3A_491, %sign3A_494 : i32
        %ne3A_496 = arith.cmpi ne, %sign3A_488, %sign3A_495 : i32
        %rem3A_497 = arith.remsi %while3A_478, %jit3A_480 : i32
        %ne3A_498 = arith.constant 0 : i32
        %ne3A_499 = arith.cmpi ne, %rem3A_497, %ne3A_498 : i32
        %and3A_500 = arith.andi %ne3A_496, %ne3A_499 : i1
        %sub3A_501 = arith.constant 1 : i32
        %sub3A_502 = arith.subi %div3A_481, %sub3A_501 : i32
        %select_n3A_503 = arith.select %and3A_500, %sub3A_502, %div3A_481 : i32
        %mul3A_504 = arith.constant 16 : i32
        %mul3A_505 = arith.muli %select_n3A_503, %mul3A_504 : i32
        %get3A = arith.index_cast %mul3A_505 : i32 to index
        %get3A_506 = tpu.vector_load %arg8[%get3A] {strides = array<i32>} : memref<800xi32, #tpu.memory_space<vmem>>, vector<16xi32>,
        %jit3A_507 = arith.constant 16 : i32
        %eq3A_508 = arith.constant 0 : i32
        %eq3A_509 = arith.cmpi eq, %jit3A_507, %eq3A_508 : i32
        %jit3A_510 = arith.constant 1 : i32
        %select_n3A_511 = arith.select %eq3A_509, %jit3A_510, %jit3A_507 : i32
        %rem3A_512 = arith.remsi %while3A_478, %select_n3A_511 : i32
        %ne3A_513 = arith.constant 0 : i32
        %ne3A_514 = arith.cmpi ne, %rem3A_512, %ne3A_513 : i32
        %lt3A_515 = arith.constant 0 : i32
        %lt3A_516 = arith.cmpi slt, %rem3A_512, %lt3A_515 : i32
        %lt3A_517 = arith.constant 0 : i32
        %lt3A_518 = arith.cmpi slt, %select_n3A_511, %lt3A_517 : i32
        %ne3A_519 = arith.xori %lt3A_516, %lt3A_518 : i1
        %and3A_520 = arith.andi %ne3A_519, %ne3A_514 : i1
        %add3A_521 = arith.addi %rem3A_512, %select_n3A_511 : i32
        %select_n3A_522 = arith.select %and3A_520, %add3A_521, %rem3A_512 : i32
        %broadcast_in_dim3A = vector.broadcast %select_n3A_522 : i32 to vector<16xi32>
        %reshape3A = vector.shape_cast %broadcast_in_dim3A : vector<16xi32> to vector<16x1xi32>
        %gather3A = vector.shape_cast %reshape3A : vector<16x1xi32> to vector<16xi32>
        %gather3A_523 = tpu.dynamic_gather %get3A_506[%gather3A] in [0] : vector<16xi32>, vector<16xi32> -> vector<16xi32>
        %shift_right_arithmetic3A = arith.constant 14 : i32
        %shift_right_arithmetic3A_524 = vector.broadcast %shift_right_arithmetic3A : i32 to vector<16xi32>
        %shift_right_arithmetic3A_525 = arith.shrsi %gather3A_523, %shift_right_arithmetic3A_524 : vector<16xi32>
        %mul3A_526 = arith.constant 128 : i32
        %mul3A_527 = arith.muli %sub3A_267, %mul3A_526 : i32
        %sub3A_528 = vector.broadcast %mul3A_527 : i32 to vector<16xi32>
        %sub3A_529 = arith.subi %shift_right_arithmetic3A_525, %sub3A_528 : vector<16xi32>
        %and3A_530 = arith.constant 16383 : i32
        %and3A_531 = vector.broadcast %and3A_530 : i32 to vector<16xi32>
        %and3A_532 = arith.andi %gather3A_523, %and3A_531 : vector<16xi32>
        %gather3A_533 = tpu.vector_load_idx %arg9[%iota3A, %sub3A_529] : memref<16x768xf32, #tpu.memory_space<vmem>>[vector<16xi32>, vector<16xi32>], vector<16xf32>,
        %gather3A_534 = tpu.vector_load_idx %arg10[%iota3A, %sub3A_529] : memref<16x768xf32, #tpu.memory_space<vmem>>[vector<16xi32>, vector<16xi32>], vector<16xf32>,
        %mul3A_535 = arith.constant 32 : i32
        %mul3A_536 = arith.muli %while3A_479, %mul3A_535 : i32
        %broadcast_in_dim3A_537 = vector.broadcast %mul3A_536 : i32 to vector<16xi32>
        %add3A_538 = arith.addi %broadcast_in_dim3A_537, %iota3A : vector<16xi32>
        tpu.vector_store_idx %arg15[%add3A_538], %gather3A_533 : memref<25600xf32, #tpu.memory_space<vmem>>[vector<16xi32>], vector<16xf32>,
        %add3A_539 = arith.constant 16 : i32
        %add3A_540 = vector.broadcast %add3A_539 : i32 to vector<16xi32>
        %add3A_541 = arith.addi %add3A_538, %add3A_540 : vector<16xi32>
        tpu.vector_store_idx %arg15[%add3A_541], %gather3A_534 : memref<25600xf32, #tpu.memory_space<vmem>>[vector<16xi32>], vector<16xf32>,
        %slice3A = vector.extract_strided_slice %and3A_532 {offsets = [0], sizes = [1], strides = [1]} : vector<16xi32> to vector<1xi32>
        %squeeze3A = vector.extract %slice3A[0] : i32 from vector<1xi32>
        %mul3A_542 = arith.constant 32 : i32
        %mul3A_543 = arith.muli %squeeze3A, %mul3A_542 : i32
        %multiple_of3A_544 = tpu.assume_multiple %mul3A_543, 32 : i32
        %dma_start3A_545 = tpu.memref_slice %arg15[%mul3A_536] : memref<25600xf32, #tpu.memory_space<vmem>> -> memref<32xf32, #tpu.memory_space<vmem>>
        %dma_start3A_546 = tpu.memref_slice %arg5[%multiple_of3A_544] : memref<524288xf32, #tpu.memory_space<hbm>> -> memref<32xf32, #tpu.memory_space<hbm>>
        %dma_start3A_547 = tpu.memref_slice %arg5[%multiple_of3A_544] : memref<524288xf32, #tpu.memory_space<hbm>> -> memref<32xf32, #tpu.memory_space<hbm>>
        %dma_start3A_548 = tpu.memref_slice %arg15[%mul3A_536] : memref<25600xf32, #tpu.memory_space<vmem>> -> memref<32xf32, #tpu.memory_space<vmem>>
        tpu.enqueue_dma source(%dma_start3A_548 : memref<32xf32, #tpu.memory_space<vmem>>) target(%dma_start3A_547 : memref<32xf32, #tpu.memory_space<hbm>>) target_semaphore(%arg23 : memref<!tpu.dma_semaphore, #tpu.memory_space<semaphore_mem>>)
        %add3A_549 = arith.constant 1 : i32
        %add3A_550 = arith.addi %while3A_479, %add3A_549 : i32
        scf.yield %add3A_550 : i32
      }
      %add3A_317 = arith.constant 3 : i32
      %add3A_318 = arith.addi %add3A_249, %add3A_317 : i32
      %lt3A_319 = arith.constant 41 : i32
      %lt3A_320 = arith.cmpi slt, %add3A_318, %lt3A_319 : i32
      %convert_element_type3A = arith.extui %lt3A_320 : i1 to i32
      %cond3A = arith.constant 0 : i32
      %cond3A_321 = arith.cmpi ne, %convert_element_type3A, %cond3A : i32
      scf.if %cond3A_321 {
        %add3A_478 = arith.constant 3 : i32
        %add3A_479 = arith.addi %add3A_249, %add3A_478 : i32
        %mul3A_480 = arith.constant 6 : i32
        %mul3A_481 = arith.muli %add3A_479, %mul3A_480 : i32
        %add3A_482 = arith.addi %mul3A_2, %mul3A_481 : i32
        %min3A_483 = arith.constant 7807 : i32
        %min3A_484 = arith.minsi %add3A_482, %min3A_483 : i32
        %mul3A_485 = arith.constant 128 : i32
        %mul3A_486 = arith.muli %min3A_484, %mul3A_485 : i32
        %multiple_of3A_487 = tpu.assume_multiple %mul3A_486, 128 : i32
        %dma_start3A_488 = arith.constant 0 : i32
        %dma_start3A_489 = tpu.memref_slice %arg3[%dma_start3A_488, %multiple_of3A_487] : memref<16x1000000xf32, #tpu.memory_space<hbm>> -> memref<16x768xf32, #tpu.memory_space<hbm>>
        %dma_start3A_490 = arith.constant 0 : i32
        %dma_start3A_491 = tpu.memref_slice %arg3[%dma_start3A_490, %multiple_of3A_487] : memref<16x1000000xf32, #tpu.memory_space<hbm>> -> memref<16x768xf32, #tpu.memory_space<hbm>>
        tpu.enqueue_dma source(%dma_start3A_491 : memref<16x768xf32, #tpu.memory_space<hbm>>) target(%arg9 : memref<16x768xf32, #tpu.memory_space<vmem>>) target_semaphore(%arg17 : memref<!tpu.dma_semaphore, #tpu.memory_space<semaphore_mem>>)
        %dma_start3A_492 = arith.constant 0 : i32
        %dma_start3A_493 = tpu.memref_slice %arg4[%dma_start3A_492, %multiple_of3A_487] : memref<16x1000000xf32, #tpu.memory_space<hbm>> -> memref<16x768xf32, #tpu.memory_space<hbm>>
        %dma_start3A_494 = arith.constant 0 : i32
        %dma_start3A_495 = tpu.memref_slice %arg4[%dma_start3A_494, %multiple_of3A_487] : memref<16x1000000xf32, #tpu.memory_space<hbm>> -> memref<16x768xf32, #tpu.memory_space<hbm>>
        tpu.enqueue_dma source(%dma_start3A_495 : memref<16x768xf32, #tpu.memory_space<hbm>>) target(%arg10 : memref<16x768xf32, #tpu.memory_space<vmem>>) target_semaphore(%arg18 : memref<!tpu.dma_semaphore, #tpu.memory_space<semaphore_mem>>)
      } else {
      }
      %mul3A_322 = arith.constant 3 : i32
      %mul3A_323 = arith.muli %mul3A_322, %scan3A_244 : i32
      %add3A_324 = arith.constant 1 : i32
      %add3A_325 = arith.addi %mul3A_323, %add3A_324 : i32
      %dma_wait3A_326 = arith.constant 0 : i32
      %dma_wait3A_327 = arith.constant 0 : i32
      %dma_wait3A_328 = tpu.memref_slice %arg3[%dma_wait3A_326, %dma_wait3A_327] : memref<16x1000000xf32, #tpu.memory_space<hbm>> -> memref<16x768xf32, #tpu.memory_space<hbm>>
      %dma_wait3A_329 = arith.constant 0 : i32
      %dma_wait3A_330 = arith.constant 0 : i32
      %dma_wait3A_331 = tpu.memref_slice %arg3[%dma_wait3A_329, %dma_wait3A_330] : memref<16x1000000xf32, #tpu.memory_space<hbm>> -> memref<16x768xf32, #tpu.memory_space<hbm>>
      tpu.wait_dma2 semaphore(%arg19 : memref<!tpu.dma_semaphore, #tpu.memory_space<semaphore_mem>>) src(%dma_wait3A_331 : memref<16x768xf32, #tpu.memory_space<hbm>>) dst(%arg11 : memref<16x768xf32, #tpu.memory_space<vmem>>)
      %dma_wait3A_332 = arith.constant 0 : i32
      %dma_wait3A_333 = arith.constant 0 : i32
      %dma_wait3A_334 = tpu.memref_slice %arg4[%dma_wait3A_332, %dma_wait3A_333] : memref<16x1000000xf32, #tpu.memory_space<hbm>> -> memref<16x768xf32, #tpu.memory_space<hbm>>
      %dma_wait3A_335 = arith.constant 0 : i32
      %dma_wait3A_336 = arith.constant 0 : i32
      %dma_wait3A_337 = tpu.memref_slice %arg4[%dma_wait3A_335, %dma_wait3A_336] : memref<16x1000000xf32, #tpu.memory_space<hbm>> -> memref<16x768xf32, #tpu.memory_space<hbm>>
      tpu.wait_dma2 semaphore(%arg20 : memref<!tpu.dma_semaphore, #tpu.memory_space<semaphore_mem>>) src(%dma_wait3A_337 : memref<16x768xf32, #tpu.memory_space<hbm>>) dst(%arg12 : memref<16x768xf32, #tpu.memory_space<vmem>>)
      %mul3A_338 = arith.constant 6 : i32
      %mul3A_339 = arith.muli %add3A_325, %mul3A_338 : i32
      %add3A_340 = arith.addi %mul3A_2, %mul3A_339 : i32
      %min3A_341 = arith.constant 7807 : i32
      %min3A_342 = arith.minsi %add3A_340, %min3A_341 : i32
      %sub3A_343 = arith.subi %min3A_342, %mul3A_2 : i32
      %add3A_344 = arith.constant 15 : i32
      %add3A_345 = arith.addi %min3A_52, %add3A_344 : i32
      %jit3A_346 = arith.constant 16 : i32
      %div3A_347 = arith.divsi %add3A_345, %jit3A_346 : i32
      %sign3A_348 = arith.constant 0 : i32
      %sign3A_349 = arith.cmpi sgt, %add3A_345, %sign3A_348 : i32
      %sign3A_350 = arith.extui %sign3A_349 : i1 to i32
      %sign3A_351 = arith.constant 0 : i32
      %sign3A_352 = arith.cmpi slt, %add3A_345, %sign3A_351 : i32
      %sign3A_353 = arith.extui %sign3A_352 : i1 to i32
      %sign3A_354 = arith.subi %sign3A_350, %sign3A_353 : i32
      %sign3A_355 = arith.constant 0 : i32
      %sign3A_356 = arith.cmpi sgt, %jit3A_346, %sign3A_355 : i32
      %sign3A_357 = arith.extui %sign3A_356 : i1 to i32
      %sign3A_358 = arith.constant 0 : i32
      %sign3A_359 = arith.cmpi slt, %jit3A_346, %sign3A_358 : i32
      %sign3A_360 = arith.extui %sign3A_359 : i1 to i32
      %sign3A_361 = arith.subi %sign3A_357, %sign3A_360 : i32
      %ne3A_362 = arith.cmpi ne, %sign3A_354, %sign3A_361 : i32
      %rem3A_363 = arith.remsi %add3A_345, %jit3A_346 : i32
      %ne3A_364 = arith.constant 0 : i32
      %ne3A_365 = arith.cmpi ne, %rem3A_363, %ne3A_364 : i32
      %and3A_366 = arith.andi %ne3A_362, %ne3A_365 : i1
      %sub3A_367 = arith.constant 1 : i32
      %sub3A_368 = arith.subi %div3A_347, %sub3A_367 : i32
      %select_n3A_369 = arith.select %and3A_366, %sub3A_368, %div3A_347 : i32
      %while3A_370 = arith.constant 0 : i32
      %while3A_371 = arith.constant 0 : i32
      %while3A_372 = arith.subi %select_n3A_369, %while3A_370 : i32
      %while3A_373 = arith.addi %while3A_370, %while3A_372 : i32
      %while3A_374 = arith.constant 1 : i32
      %while3A_375 = arith.divsi %while3A_372, %while3A_374 : i32
      %while3A_376 = arith.muli %while3A_375, %while3A_374 : i32
      %while3A_377 = arith.addi %while3A_370, %while3A_376 : i32
      %while3A_378 = arith.constant 1 : i32
      %while3A_379 = scf.for %while3A_478 = %while3A_370 to %while3A_377 step %while3A_378 iter_args(%while3A_479 = %while3A_371) -> (i32)  : i32 {
        %mul3A_480 = arith.constant 16 : i32
        %mul3A_481 = arith.muli %while3A_478, %mul3A_480 : i32
        %get3A = arith.index_cast %mul3A_481 : i32 to index
        %get3A_482 = tpu.vector_load %arg7[%get3A] {strides = array<i32>} : memref<800xi32, #tpu.memory_space<vmem>>, vector<16xi32>,
        %shift_right_arithmetic3A = arith.constant 14 : i32
        %shift_right_arithmetic3A_483 = vector.broadcast %shift_right_arithmetic3A : i32 to vector<16xi32>
        %shift_right_arithmetic3A_484 = arith.shrsi %get3A_482, %shift_right_arithmetic3A_483 : vector<16xi32>
        %mul3A_485 = arith.constant 128 : i32
        %mul3A_486 = arith.muli %sub3A_343, %mul3A_485 : i32
        %ge3A = vector.broadcast %mul3A_486 : i32 to vector<16xi32>
        %ge3A_487 = arith.cmpi sge, %shift_right_arithmetic3A_484, %ge3A : vector<16xi32>
        %add3A_488 = arith.constant 6 : i32
        %add3A_489 = arith.addi %sub3A_343, %add3A_488 : i32
        %mul3A_490 = arith.constant 128 : i32
        %mul3A_491 = arith.muli %add3A_489, %mul3A_490 : i32
        %lt3A_492 = vector.broadcast %mul3A_491 : i32 to vector<16xi32>
        %lt3A_493 = arith.cmpi slt, %shift_right_arithmetic3A_484, %lt3A_492 : vector<16xi32>
        %and3A_494 = arith.andi %ge3A_487, %lt3A_493 : vector<16xi1>
        %mul3A_495 = arith.constant 16 : i32
        %mul3A_496 = arith.muli %while3A_478, %mul3A_495 : i32
        %add3A_497 = vector.broadcast %mul3A_496 : i32 to vector<16xi32>
        %add3A_498 = arith.addi %add3A_497, %iota3A : vector<16xi32>
        %lt3A_499 = vector.broadcast %min3A_52 : i32 to vector<16xi32>
        %lt3A_500 = arith.cmpi slt, %add3A_498, %lt3A_499 : vector<16xi32>
        %and3A_501 = arith.andi %and3A_494, %lt3A_500 : vector<16xi1>
        %swap3A = arith.index_cast %while3A_479 : i32 to index
        %swap3A_502 = tpu.vector_load %arg8[%swap3A] masked %and3A_501 {strides = array<i32>} : memref<800xi32, #tpu.memory_space<vmem>>, vector<16xi32>, vector<16xi1>
        tpu.vector_store %arg8[%swap3A], %get3A_482 masked %and3A_501 {strides = array<i32>} : memref<800xi32, #tpu.memory_space<vmem>>, vector<16xi32>, vector<16xi1>
        %all_reduce_population_count3A = tpu.all_reduce %and3A_501 {dim = 0 : i64, kind = #tpu.reduction_kind<sum>} : vector<16xi1> -> vector<16xi32>
        %slice3A = vector.extract_strided_slice %all_reduce_population_count3A {offsets = [0], sizes = [1], strides = [1]} : vector<16xi32> to vector<1xi32>
        %squeeze3A = vector.extract %slice3A[0] : i32 from vector<1xi32>
        %add3A_503 = arith.addi %while3A_479, %squeeze3A : i32
        scf.yield %add3A_503 : i32
      }
      %while3A_380 = arith.constant 1 : i32
      %while3A_381 = scf.for %while3A_478 = %while3A_377 to %while3A_373 step %while3A_380 iter_args(%while3A_479 = %while3A_379) -> (i32)  : i32 {
        %mul3A_480 = arith.constant 16 : i32
        %mul3A_481 = arith.muli %while3A_478, %mul3A_480 : i32
        %get3A = arith.index_cast %mul3A_481 : i32 to index
        %get3A_482 = tpu.vector_load %arg7[%get3A] {strides = array<i32>} : memref<800xi32, #tpu.memory_space<vmem>>, vector<16xi32>,
        %shift_right_arithmetic3A = arith.constant 14 : i32
        %shift_right_arithmetic3A_483 = vector.broadcast %shift_right_arithmetic3A : i32 to vector<16xi32>
        %shift_right_arithmetic3A_484 = arith.shrsi %get3A_482, %shift_right_arithmetic3A_483 : vector<16xi32>
        %mul3A_485 = arith.constant 128 : i32
        %mul3A_486 = arith.muli %sub3A_343, %mul3A_485 : i32
        %ge3A = vector.broadcast %mul3A_486 : i32 to vector<16xi32>
        %ge3A_487 = arith.cmpi sge, %shift_right_arithmetic3A_484, %ge3A : vector<16xi32>
        %add3A_488 = arith.constant 6 : i32
        %add3A_489 = arith.addi %sub3A_343, %add3A_488 : i32
        %mul3A_490 = arith.constant 128 : i32
        %mul3A_491 = arith.muli %add3A_489, %mul3A_490 : i32
        %lt3A_492 = vector.broadcast %mul3A_491 : i32 to vector<16xi32>
        %lt3A_493 = arith.cmpi slt, %shift_right_arithmetic3A_484, %lt3A_492 : vector<16xi32>
        %and3A_494 = arith.andi %ge3A_487, %lt3A_493 : vector<16xi1>
        %mul3A_495 = arith.constant 16 : i32
        %mul3A_496 = arith.muli %while3A_478, %mul3A_495 : i32
        %add3A_497 = vector.broadcast %mul3A_496 : i32 to vector<16xi32>
        %add3A_498 = arith.addi %add3A_497, %iota3A : vector<16xi32>
        %lt3A_499 = vector.broadcast %min3A_52 : i32 to vector<16xi32>
        %lt3A_500 = arith.cmpi slt, %add3A_498, %lt3A_499 : vector<16xi32>
        %and3A_501 = arith.andi %and3A_494, %lt3A_500 : vector<16xi1>
        %swap3A = arith.index_cast %while3A_479 : i32 to index
        %swap3A_502 = tpu.vector_load %arg8[%swap3A] masked %and3A_501 {strides = array<i32>} : memref<800xi32, #tpu.memory_space<vmem>>, vector<16xi32>, vector<16xi1>
        tpu.vector_store %arg8[%swap3A], %get3A_482 masked %and3A_501 {strides = array<i32>} : memref<800xi32, #tpu.memory_space<vmem>>, vector<16xi32>, vector<16xi1>
        %all_reduce_population_count3A = tpu.all_reduce %and3A_501 {dim = 0 : i64, kind = #tpu.reduction_kind<sum>} : vector<16xi1> -> vector<16xi32>
        %slice3A = vector.extract_strided_slice %all_reduce_population_count3A {offsets = [0], sizes = [1], strides = [1]} : vector<16xi32> to vector<1xi32>
        %squeeze3A = vector.extract %slice3A[0] : i32 from vector<1xi32>
        %add3A_503 = arith.addi %while3A_479, %squeeze3A : i32
        scf.yield %add3A_503 : i32
      }
      %while3A_382 = arith.constant 0 : i32
      %while3A_383 = arith.subi %while3A_381, %while3A_382 : i32
      %while3A_384 = arith.addi %while3A_382, %while3A_383 : i32
      %while3A_385 = arith.constant 1 : i32
      %while3A_386 = arith.divsi %while3A_383, %while3A_385 : i32
      %while3A_387 = arith.muli %while3A_386, %while3A_385 : i32
      %while3A_388 = arith.addi %while3A_382, %while3A_387 : i32
      %while3A_389 = arith.constant 1 : i32
      %while3A_390 = scf.for %while3A_478 = %while3A_382 to %while3A_388 step %while3A_389 iter_args(%while3A_479 = %while3A_316) -> (i32)  : i32 {
        %jit3A_480 = arith.constant 16 : i32
        %div3A_481 = arith.divsi %while3A_478, %jit3A_480 : i32
        %sign3A_482 = arith.constant 0 : i32
        %sign3A_483 = arith.cmpi sgt, %while3A_478, %sign3A_482 : i32
        %sign3A_484 = arith.extui %sign3A_483 : i1 to i32
        %sign3A_485 = arith.constant 0 : i32
        %sign3A_486 = arith.cmpi slt, %while3A_478, %sign3A_485 : i32
        %sign3A_487 = arith.extui %sign3A_486 : i1 to i32
        %sign3A_488 = arith.subi %sign3A_484, %sign3A_487 : i32
        %sign3A_489 = arith.constant 0 : i32
        %sign3A_490 = arith.cmpi sgt, %jit3A_480, %sign3A_489 : i32
        %sign3A_491 = arith.extui %sign3A_490 : i1 to i32
        %sign3A_492 = arith.constant 0 : i32
        %sign3A_493 = arith.cmpi slt, %jit3A_480, %sign3A_492 : i32
        %sign3A_494 = arith.extui %sign3A_493 : i1 to i32
        %sign3A_495 = arith.subi %sign3A_491, %sign3A_494 : i32
        %ne3A_496 = arith.cmpi ne, %sign3A_488, %sign3A_495 : i32
        %rem3A_497 = arith.remsi %while3A_478, %jit3A_480 : i32
        %ne3A_498 = arith.constant 0 : i32
        %ne3A_499 = arith.cmpi ne, %rem3A_497, %ne3A_498 : i32
        %and3A_500 = arith.andi %ne3A_496, %ne3A_499 : i1
        %sub3A_501 = arith.constant 1 : i32
        %sub3A_502 = arith.subi %div3A_481, %sub3A_501 : i32
        %select_n3A_503 = arith.select %and3A_500, %sub3A_502, %div3A_481 : i32
        %mul3A_504 = arith.constant 16 : i32
        %mul3A_505 = arith.muli %select_n3A_503, %mul3A_504 : i32
        %get3A = arith.index_cast %mul3A_505 : i32 to index
        %get3A_506 = tpu.vector_load %arg8[%get3A] {strides = array<i32>} : memref<800xi32, #tpu.memory_space<vmem>>, vector<16xi32>,
        %jit3A_507 = arith.constant 16 : i32
        %eq3A_508 = arith.constant 0 : i32
        %eq3A_509 = arith.cmpi eq, %jit3A_507, %eq3A_508 : i32
        %jit3A_510 = arith.constant 1 : i32
        %select_n3A_511 = arith.select %eq3A_509, %jit3A_510, %jit3A_507 : i32
        %rem3A_512 = arith.remsi %while3A_478, %select_n3A_511 : i32
        %ne3A_513 = arith.constant 0 : i32
        %ne3A_514 = arith.cmpi ne, %rem3A_512, %ne3A_513 : i32
        %lt3A_515 = arith.constant 0 : i32
        %lt3A_516 = arith.cmpi slt, %rem3A_512, %lt3A_515 : i32
        %lt3A_517 = arith.constant 0 : i32
        %lt3A_518 = arith.cmpi slt, %select_n3A_511, %lt3A_517 : i32
        %ne3A_519 = arith.xori %lt3A_516, %lt3A_518 : i1
        %and3A_520 = arith.andi %ne3A_519, %ne3A_514 : i1
        %add3A_521 = arith.addi %rem3A_512, %select_n3A_511 : i32
        %select_n3A_522 = arith.select %and3A_520, %add3A_521, %rem3A_512 : i32
        %broadcast_in_dim3A = vector.broadcast %select_n3A_522 : i32 to vector<16xi32>
        %reshape3A = vector.shape_cast %broadcast_in_dim3A : vector<16xi32> to vector<16x1xi32>
        %gather3A = vector.shape_cast %reshape3A : vector<16x1xi32> to vector<16xi32>
        %gather3A_523 = tpu.dynamic_gather %get3A_506[%gather3A] in [0] : vector<16xi32>, vector<16xi32> -> vector<16xi32>
        %shift_right_arithmetic3A = arith.constant 14 : i32
        %shift_right_arithmetic3A_524 = vector.broadcast %shift_right_arithmetic3A : i32 to vector<16xi32>
        %shift_right_arithmetic3A_525 = arith.shrsi %gather3A_523, %shift_right_arithmetic3A_524 : vector<16xi32>
        %mul3A_526 = arith.constant 128 : i32
        %mul3A_527 = arith.muli %sub3A_343, %mul3A_526 : i32
        %sub3A_528 = vector.broadcast %mul3A_527 : i32 to vector<16xi32>
        %sub3A_529 = arith.subi %shift_right_arithmetic3A_525, %sub3A_528 : vector<16xi32>
        %and3A_530 = arith.constant 16383 : i32
        %and3A_531 = vector.broadcast %and3A_530 : i32 to vector<16xi32>
        %and3A_532 = arith.andi %gather3A_523, %and3A_531 : vector<16xi32>
        %gather3A_533 = tpu.vector_load_idx %arg11[%iota3A, %sub3A_529] : memref<16x768xf32, #tpu.memory_space<vmem>>[vector<16xi32>, vector<16xi32>], vector<16xf32>,
        %gather3A_534 = tpu.vector_load_idx %arg12[%iota3A, %sub3A_529] : memref<16x768xf32, #tpu.memory_space<vmem>>[vector<16xi32>, vector<16xi32>], vector<16xf32>,
        %mul3A_535 = arith.constant 32 : i32
        %mul3A_536 = arith.muli %while3A_479, %mul3A_535 : i32
        %broadcast_in_dim3A_537 = vector.broadcast %mul3A_536 : i32 to vector<16xi32>
        %add3A_538 = arith.addi %broadcast_in_dim3A_537, %iota3A : vector<16xi32>
        tpu.vector_store_idx %arg15[%add3A_538], %gather3A_533 : memref<25600xf32, #tpu.memory_space<vmem>>[vector<16xi32>], vector<16xf32>,
        %add3A_539 = arith.constant 16 : i32
        %add3A_540 = vector.broadcast %add3A_539 : i32 to vector<16xi32>
        %add3A_541 = arith.addi %add3A_538, %add3A_540 : vector<16xi32>
        tpu.vector_store_idx %arg15[%add3A_541], %gather3A_534 : memref<25600xf32, #tpu.memory_space<vmem>>[vector<16xi32>], vector<16xf32>,
        %slice3A = vector.extract_strided_slice %and3A_532 {offsets = [0], sizes = [1], strides = [1]} : vector<16xi32> to vector<1xi32>
        %squeeze3A = vector.extract %slice3A[0] : i32 from vector<1xi32>
        %mul3A_542 = arith.constant 32 : i32
        %mul3A_543 = arith.muli %squeeze3A, %mul3A_542 : i32
        %multiple_of3A_544 = tpu.assume_multiple %mul3A_543, 32 : i32
        %dma_start3A_545 = tpu.memref_slice %arg15[%mul3A_536] : memref<25600xf32, #tpu.memory_space<vmem>> -> memref<32xf32, #tpu.memory_space<vmem>>
        %dma_start3A_546 = tpu.memref_slice %arg5[%multiple_of3A_544] : memref<524288xf32, #tpu.memory_space<hbm>> -> memref<32xf32, #tpu.memory_space<hbm>>
        %dma_start3A_547 = tpu.memref_slice %arg5[%multiple_of3A_544] : memref<524288xf32, #tpu.memory_space<hbm>> -> memref<32xf32, #tpu.memory_space<hbm>>
        %dma_start3A_548 = tpu.memref_slice %arg15[%mul3A_536] : memref<25600xf32, #tpu.memory_space<vmem>> -> memref<32xf32, #tpu.memory_space<vmem>>
        tpu.enqueue_dma source(%dma_start3A_548 : memref<32xf32, #tpu.memory_space<vmem>>) target(%dma_start3A_547 : memref<32xf32, #tpu.memory_space<hbm>>) target_semaphore(%arg23 : memref<!tpu.dma_semaphore, #tpu.memory_space<semaphore_mem>>)
        %add3A_549 = arith.constant 1 : i32
        %add3A_550 = arith.addi %while3A_479, %add3A_549 : i32
        scf.yield %add3A_550 : i32
      }
      %while3A_391 = arith.constant 1 : i32
      %while3A_392 = scf.for %while3A_478 = %while3A_388 to %while3A_384 step %while3A_391 iter_args(%while3A_479 = %while3A_390) -> (i32)  : i32 {
        %jit3A_480 = arith.constant 16 : i32
        %div3A_481 = arith.divsi %while3A_478, %jit3A_480 : i32
        %sign3A_482 = arith.constant 0 : i32
        %sign3A_483 = arith.cmpi sgt, %while3A_478, %sign3A_482 : i32
        %sign3A_484 = arith.extui %sign3A_483 : i1 to i32
        %sign3A_485 = arith.constant 0 : i32
        %sign3A_486 = arith.cmpi slt, %while3A_478, %sign3A_485 : i32
        %sign3A_487 = arith.extui %sign3A_486 : i1 to i32
        %sign3A_488 = arith.subi %sign3A_484, %sign3A_487 : i32
        %sign3A_489 = arith.constant 0 : i32
        %sign3A_490 = arith.cmpi sgt, %jit3A_480, %sign3A_489 : i32
        %sign3A_491 = arith.extui %sign3A_490 : i1 to i32
        %sign3A_492 = arith.constant 0 : i32
        %sign3A_493 = arith.cmpi slt, %jit3A_480, %sign3A_492 : i32
        %sign3A_494 = arith.extui %sign3A_493 : i1 to i32
        %sign3A_495 = arith.subi %sign3A_491, %sign3A_494 : i32
        %ne3A_496 = arith.cmpi ne, %sign3A_488, %sign3A_495 : i32
        %rem3A_497 = arith.remsi %while3A_478, %jit3A_480 : i32
        %ne3A_498 = arith.constant 0 : i32
        %ne3A_499 = arith.cmpi ne, %rem3A_497, %ne3A_498 : i32
        %and3A_500 = arith.andi %ne3A_496, %ne3A_499 : i1
        %sub3A_501 = arith.constant 1 : i32
        %sub3A_502 = arith.subi %div3A_481, %sub3A_501 : i32
        %select_n3A_503 = arith.select %and3A_500, %sub3A_502, %div3A_481 : i32
        %mul3A_504 = arith.constant 16 : i32
        %mul3A_505 = arith.muli %select_n3A_503, %mul3A_504 : i32
        %get3A = arith.index_cast %mul3A_505 : i32 to index
        %get3A_506 = tpu.vector_load %arg8[%get3A] {strides = array<i32>} : memref<800xi32, #tpu.memory_space<vmem>>, vector<16xi32>,
        %jit3A_507 = arith.constant 16 : i32
        %eq3A_508 = arith.constant 0 : i32
        %eq3A_509 = arith.cmpi eq, %jit3A_507, %eq3A_508 : i32
        %jit3A_510 = arith.constant 1 : i32
        %select_n3A_511 = arith.select %eq3A_509, %jit3A_510, %jit3A_507 : i32
        %rem3A_512 = arith.remsi %while3A_478, %select_n3A_511 : i32
        %ne3A_513 = arith.constant 0 : i32
        %ne3A_514 = arith.cmpi ne, %rem3A_512, %ne3A_513 : i32
        %lt3A_515 = arith.constant 0 : i32
        %lt3A_516 = arith.cmpi slt, %rem3A_512, %lt3A_515 : i32
        %lt3A_517 = arith.constant 0 : i32
        %lt3A_518 = arith.cmpi slt, %select_n3A_511, %lt3A_517 : i32
        %ne3A_519 = arith.xori %lt3A_516, %lt3A_518 : i1
        %and3A_520 = arith.andi %ne3A_519, %ne3A_514 : i1
        %add3A_521 = arith.addi %rem3A_512, %select_n3A_511 : i32
        %select_n3A_522 = arith.select %and3A_520, %add3A_521, %rem3A_512 : i32
        %broadcast_in_dim3A = vector.broadcast %select_n3A_522 : i32 to vector<16xi32>
        %reshape3A = vector.shape_cast %broadcast_in_dim3A : vector<16xi32> to vector<16x1xi32>
        %gather3A = vector.shape_cast %reshape3A : vector<16x1xi32> to vector<16xi32>
        %gather3A_523 = tpu.dynamic_gather %get3A_506[%gather3A] in [0] : vector<16xi32>, vector<16xi32> -> vector<16xi32>
        %shift_right_arithmetic3A = arith.constant 14 : i32
        %shift_right_arithmetic3A_524 = vector.broadcast %shift_right_arithmetic3A : i32 to vector<16xi32>
        %shift_right_arithmetic3A_525 = arith.shrsi %gather3A_523, %shift_right_arithmetic3A_524 : vector<16xi32>
        %mul3A_526 = arith.constant 128 : i32
        %mul3A_527 = arith.muli %sub3A_343, %mul3A_526 : i32
        %sub3A_528 = vector.broadcast %mul3A_527 : i32 to vector<16xi32>
        %sub3A_529 = arith.subi %shift_right_arithmetic3A_525, %sub3A_528 : vector<16xi32>
        %and3A_530 = arith.constant 16383 : i32
        %and3A_531 = vector.broadcast %and3A_530 : i32 to vector<16xi32>
        %and3A_532 = arith.andi %gather3A_523, %and3A_531 : vector<16xi32>
        %gather3A_533 = tpu.vector_load_idx %arg11[%iota3A, %sub3A_529] : memref<16x768xf32, #tpu.memory_space<vmem>>[vector<16xi32>, vector<16xi32>], vector<16xf32>,
        %gather3A_534 = tpu.vector_load_idx %arg12[%iota3A, %sub3A_529] : memref<16x768xf32, #tpu.memory_space<vmem>>[vector<16xi32>, vector<16xi32>], vector<16xf32>,
        %mul3A_535 = arith.constant 32 : i32
        %mul3A_536 = arith.muli %while3A_479, %mul3A_535 : i32
        %broadcast_in_dim3A_537 = vector.broadcast %mul3A_536 : i32 to vector<16xi32>
        %add3A_538 = arith.addi %broadcast_in_dim3A_537, %iota3A : vector<16xi32>
        tpu.vector_store_idx %arg15[%add3A_538], %gather3A_533 : memref<25600xf32, #tpu.memory_space<vmem>>[vector<16xi32>], vector<16xf32>,
        %add3A_539 = arith.constant 16 : i32
        %add3A_540 = vector.broadcast %add3A_539 : i32 to vector<16xi32>
        %add3A_541 = arith.addi %add3A_538, %add3A_540 : vector<16xi32>
        tpu.vector_store_idx %arg15[%add3A_541], %gather3A_534 : memref<25600xf32, #tpu.memory_space<vmem>>[vector<16xi32>], vector<16xf32>,
        %slice3A = vector.extract_strided_slice %and3A_532 {offsets = [0], sizes = [1], strides = [1]} : vector<16xi32> to vector<1xi32>
        %squeeze3A = vector.extract %slice3A[0] : i32 from vector<1xi32>
        %mul3A_542 = arith.constant 32 : i32
        %mul3A_543 = arith.muli %squeeze3A, %mul3A_542 : i32
        %multiple_of3A_544 = tpu.assume_multiple %mul3A_543, 32 : i32
        %dma_start3A_545 = tpu.memref_slice %arg15[%mul3A_536] : memref<25600xf32, #tpu.memory_space<vmem>> -> memref<32xf32, #tpu.memory_space<vmem>>
        %dma_start3A_546 = tpu.memref_slice %arg5[%multiple_of3A_544] : memref<524288xf32, #tpu.memory_space<hbm>> -> memref<32xf32, #tpu.memory_space<hbm>>
        %dma_start3A_547 = tpu.memref_slice %arg5[%multiple_of3A_544] : memref<524288xf32, #tpu.memory_space<hbm>> -> memref<32xf32, #tpu.memory_space<hbm>>
        %dma_start3A_548 = tpu.memref_slice %arg15[%mul3A_536] : memref<25600xf32, #tpu.memory_space<vmem>> -> memref<32xf32, #tpu.memory_space<vmem>>
        tpu.enqueue_dma source(%dma_start3A_548 : memref<32xf32, #tpu.memory_space<vmem>>) target(%dma_start3A_547 : memref<32xf32, #tpu.memory_space<hbm>>) target_semaphore(%arg23 : memref<!tpu.dma_semaphore, #tpu.memory_space<semaphore_mem>>)
        %add3A_549 = arith.constant 1 : i32
        %add3A_550 = arith.addi %while3A_479, %add3A_549 : i32
        scf.yield %add3A_550 : i32
      }
      %add3A_393 = arith.constant 3 : i32
      %add3A_394 = arith.addi %add3A_325, %add3A_393 : i32
      %lt3A_395 = arith.constant 41 : i32
      %lt3A_396 = arith.cmpi slt, %add3A_394, %lt3A_395 : i32
      %convert_element_type3A_397 = arith.extui %lt3A_396 : i1 to i32
      %cond3A_398 = arith.constant 0 : i32
      %cond3A_399 = arith.cmpi ne, %convert_element_type3A_397, %cond3A_398 : i32
      scf.if %cond3A_399 {
        %add3A_478 = arith.constant 3 : i32
        %add3A_479 = arith.addi %add3A_325, %add3A_478 : i32
        %mul3A_480 = arith.constant 6 : i32
        %mul3A_481 = arith.muli %add3A_479, %mul3A_480 : i32
        %add3A_482 = arith.addi %mul3A_2, %mul3A_481 : i32
        %min3A_483 = arith.constant 7807 : i32
        %min3A_484 = arith.minsi %add3A_482, %min3A_483 : i32
        %mul3A_485 = arith.constant 128 : i32
        %mul3A_486 = arith.muli %min3A_484, %mul3A_485 : i32
        %multiple_of3A_487 = tpu.assume_multiple %mul3A_486, 128 : i32
        %dma_start3A_488 = arith.constant 0 : i32
        %dma_start3A_489 = tpu.memref_slice %arg3[%dma_start3A_488, %multiple_of3A_487] : memref<16x1000000xf32, #tpu.memory_space<hbm>> -> memref<16x768xf32, #tpu.memory_space<hbm>>
        %dma_start3A_490 = arith.constant 0 : i32
        %dma_start3A_491 = tpu.memref_slice %arg3[%dma_start3A_490, %multiple_of3A_487] : memref<16x1000000xf32, #tpu.memory_space<hbm>> -> memref<16x768xf32, #tpu.memory_space<hbm>>
        tpu.enqueue_dma source(%dma_start3A_491 : memref<16x768xf32, #tpu.memory_space<hbm>>) target(%arg11 : memref<16x768xf32, #tpu.memory_space<vmem>>) target_semaphore(%arg19 : memref<!tpu.dma_semaphore, #tpu.memory_space<semaphore_mem>>)
        %dma_start3A_492 = arith.constant 0 : i32
        %dma_start3A_493 = tpu.memref_slice %arg4[%dma_start3A_492, %multiple_of3A_487] : memref<16x1000000xf32, #tpu.memory_space<hbm>> -> memref<16x768xf32, #tpu.memory_space<hbm>>
        %dma_start3A_494 = arith.constant 0 : i32
        %dma_start3A_495 = tpu.memref_slice %arg4[%dma_start3A_494, %multiple_of3A_487] : memref<16x1000000xf32, #tpu.memory_space<hbm>> -> memref<16x768xf32, #tpu.memory_space<hbm>>
        tpu.enqueue_dma source(%dma_start3A_495 : memref<16x768xf32, #tpu.memory_space<hbm>>) target(%arg12 : memref<16x768xf32, #tpu.memory_space<vmem>>) target_semaphore(%arg20 : memref<!tpu.dma_semaphore, #tpu.memory_space<semaphore_mem>>)
      } else {
      }
      %mul3A_400 = arith.constant 3 : i32
      %mul3A_401 = arith.muli %mul3A_400, %scan3A_244 : i32
      %add3A_402 = arith.constant 2 : i32
      %add3A_403 = arith.addi %mul3A_401, %add3A_402 : i32
      %dma_wait3A_404 = arith.constant 0 : i32
      %dma_wait3A_405 = arith.constant 0 : i32
      %dma_wait3A_406 = tpu.memref_slice %arg3[%dma_wait3A_404, %dma_wait3A_405] : memref<16x1000000xf32, #tpu.memory_space<hbm>> -> memref<16x768xf32, #tpu.memory_space<hbm>>
      %dma_wait3A_407 = arith.constant 0 : i32
      %dma_wait3A_408 = arith.constant 0 : i32
      %dma_wait3A_409 = tpu.memref_slice %arg3[%dma_wait3A_407, %dma_wait3A_408] : memref<16x1000000xf32, #tpu.memory_space<hbm>> -> memref<16x768xf32, #tpu.memory_space<hbm>>
      tpu.wait_dma2 semaphore(%arg21 : memref<!tpu.dma_semaphore, #tpu.memory_space<semaphore_mem>>) src(%dma_wait3A_409 : memref<16x768xf32, #tpu.memory_space<hbm>>) dst(%arg13 : memref<16x768xf32, #tpu.memory_space<vmem>>)
      %dma_wait3A_410 = arith.constant 0 : i32
      %dma_wait3A_411 = arith.constant 0 : i32
      %dma_wait3A_412 = tpu.memref_slice %arg4[%dma_wait3A_410, %dma_wait3A_411] : memref<16x1000000xf32, #tpu.memory_space<hbm>> -> memref<16x768xf32, #tpu.memory_space<hbm>>
      %dma_wait3A_413 = arith.constant 0 : i32
      %dma_wait3A_414 = arith.constant 0 : i32
      %dma_wait3A_415 = tpu.memref_slice %arg4[%dma_wait3A_413, %dma_wait3A_414] : memref<16x1000000xf32, #tpu.memory_space<hbm>> -> memref<16x768xf32, #tpu.memory_space<hbm>>
      tpu.wait_dma2 semaphore(%arg22 : memref<!tpu.dma_semaphore, #tpu.memory_space<semaphore_mem>>) src(%dma_wait3A_415 : memref<16x768xf32, #tpu.memory_space<hbm>>) dst(%arg14 : memref<16x768xf32, #tpu.memory_space<vmem>>)
      %mul3A_416 = arith.constant 6 : i32
      %mul3A_417 = arith.muli %add3A_403, %mul3A_416 : i32
      %add3A_418 = arith.addi %mul3A_2, %mul3A_417 : i32
      %min3A_419 = arith.constant 7807 : i32
      %min3A_420 = arith.minsi %add3A_418, %min3A_419 : i32
      %sub3A_421 = arith.subi %min3A_420, %mul3A_2 : i32
      %add3A_422 = arith.constant 15 : i32
      %add3A_423 = arith.addi %min3A_52, %add3A_422 : i32
      %jit3A_424 = arith.constant 16 : i32
      %div3A_425 = arith.divsi %add3A_423, %jit3A_424 : i32
      %sign3A_426 = arith.constant 0 : i32
      %sign3A_427 = arith.cmpi sgt, %add3A_423, %sign3A_426 : i32
      %sign3A_428 = arith.extui %sign3A_427 : i1 to i32
      %sign3A_429 = arith.constant 0 : i32
      %sign3A_430 = arith.cmpi slt, %add3A_423, %sign3A_429 : i32
      %sign3A_431 = arith.extui %sign3A_430 : i1 to i32
      %sign3A_432 = arith.subi %sign3A_428, %sign3A_431 : i32
      %sign3A_433 = arith.constant 0 : i32
      %sign3A_434 = arith.cmpi sgt, %jit3A_424, %sign3A_433 : i32
      %sign3A_435 = arith.extui %sign3A_434 : i1 to i32
      %sign3A_436 = arith.constant 0 : i32
      %sign3A_437 = arith.cmpi slt, %jit3A_424, %sign3A_436 : i32
      %sign3A_438 = arith.extui %sign3A_437 : i1 to i32
      %sign3A_439 = arith.subi %sign3A_435, %sign3A_438 : i32
      %ne3A_440 = arith.cmpi ne, %sign3A_432, %sign3A_439 : i32
      %rem3A_441 = arith.remsi %add3A_423, %jit3A_424 : i32
      %ne3A_442 = arith.constant 0 : i32
      %ne3A_443 = arith.cmpi ne, %rem3A_441, %ne3A_442 : i32
      %and3A_444 = arith.andi %ne3A_440, %ne3A_443 : i1
      %sub3A_445 = arith.constant 1 : i32
      %sub3A_446 = arith.subi %div3A_425, %sub3A_445 : i32
      %select_n3A_447 = arith.select %and3A_444, %sub3A_446, %div3A_425 : i32
      %while3A_448 = arith.constant 0 : i32
      %while3A_449 = arith.constant 0 : i32
      %while3A_450 = arith.subi %select_n3A_447, %while3A_448 : i32
      %while3A_451 = arith.addi %while3A_448, %while3A_450 : i32
      %while3A_452 = arith.constant 1 : i32
      %while3A_453 = arith.divsi %while3A_450, %while3A_452 : i32
      %while3A_454 = arith.muli %while3A_453, %while3A_452 : i32
      %while3A_455 = arith.addi %while3A_448, %while3A_454 : i32
      %while3A_456 = arith.constant 1 : i32
      %while3A_457 = scf.for %while3A_478 = %while3A_448 to %while3A_455 step %while3A_456 iter_args(%while3A_479 = %while3A_449) -> (i32)  : i32 {
        %mul3A_480 = arith.constant 16 : i32
        %mul3A_481 = arith.muli %while3A_478, %mul3A_480 : i32
        %get3A = arith.index_cast %mul3A_481 : i32 to index
        %get3A_482 = tpu.vector_load %arg7[%get3A] {strides = array<i32>} : memref<800xi32, #tpu.memory_space<vmem>>, vector<16xi32>,
        %shift_right_arithmetic3A = arith.constant 14 : i32
        %shift_right_arithmetic3A_483 = vector.broadcast %shift_right_arithmetic3A : i32 to vector<16xi32>
        %shift_right_arithmetic3A_484 = arith.shrsi %get3A_482, %shift_right_arithmetic3A_483 : vector<16xi32>
        %mul3A_485 = arith.constant 128 : i32
        %mul3A_486 = arith.muli %sub3A_421, %mul3A_485 : i32
        %ge3A = vector.broadcast %mul3A_486 : i32 to vector<16xi32>
        %ge3A_487 = arith.cmpi sge, %shift_right_arithmetic3A_484, %ge3A : vector<16xi32>
        %add3A_488 = arith.constant 6 : i32
        %add3A_489 = arith.addi %sub3A_421, %add3A_488 : i32
        %mul3A_490 = arith.constant 128 : i32
        %mul3A_491 = arith.muli %add3A_489, %mul3A_490 : i32
        %lt3A_492 = vector.broadcast %mul3A_491 : i32 to vector<16xi32>
        %lt3A_493 = arith.cmpi slt, %shift_right_arithmetic3A_484, %lt3A_492 : vector<16xi32>
        %and3A_494 = arith.andi %ge3A_487, %lt3A_493 : vector<16xi1>
        %mul3A_495 = arith.constant 16 : i32
        %mul3A_496 = arith.muli %while3A_478, %mul3A_495 : i32
        %add3A_497 = vector.broadcast %mul3A_496 : i32 to vector<16xi32>
        %add3A_498 = arith.addi %add3A_497, %iota3A : vector<16xi32>
        %lt3A_499 = vector.broadcast %min3A_52 : i32 to vector<16xi32>
        %lt3A_500 = arith.cmpi slt, %add3A_498, %lt3A_499 : vector<16xi32>
        %and3A_501 = arith.andi %and3A_494, %lt3A_500 : vector<16xi1>
        %swap3A = arith.index_cast %while3A_479 : i32 to index
        %swap3A_502 = tpu.vector_load %arg8[%swap3A] masked %and3A_501 {strides = array<i32>} : memref<800xi32, #tpu.memory_space<vmem>>, vector<16xi32>, vector<16xi1>
        tpu.vector_store %arg8[%swap3A], %get3A_482 masked %and3A_501 {strides = array<i32>} : memref<800xi32, #tpu.memory_space<vmem>>, vector<16xi32>, vector<16xi1>
        %all_reduce_population_count3A = tpu.all_reduce %and3A_501 {dim = 0 : i64, kind = #tpu.reduction_kind<sum>} : vector<16xi1> -> vector<16xi32>
        %slice3A = vector.extract_strided_slice %all_reduce_population_count3A {offsets = [0], sizes = [1], strides = [1]} : vector<16xi32> to vector<1xi32>
        %squeeze3A = vector.extract %slice3A[0] : i32 from vector<1xi32>
        %add3A_503 = arith.addi %while3A_479, %squeeze3A : i32
        scf.yield %add3A_503 : i32
      }
      %while3A_458 = arith.constant 1 : i32
      %while3A_459 = scf.for %while3A_478 = %while3A_455 to %while3A_451 step %while3A_458 iter_args(%while3A_479 = %while3A_457) -> (i32)  : i32 {
        %mul3A_480 = arith.constant 16 : i32
        %mul3A_481 = arith.muli %while3A_478, %mul3A_480 : i32
        %get3A = arith.index_cast %mul3A_481 : i32 to index
        %get3A_482 = tpu.vector_load %arg7[%get3A] {strides = array<i32>} : memref<800xi32, #tpu.memory_space<vmem>>, vector<16xi32>,
        %shift_right_arithmetic3A = arith.constant 14 : i32
        %shift_right_arithmetic3A_483 = vector.broadcast %shift_right_arithmetic3A : i32 to vector<16xi32>
        %shift_right_arithmetic3A_484 = arith.shrsi %get3A_482, %shift_right_arithmetic3A_483 : vector<16xi32>
        %mul3A_485 = arith.constant 128 : i32
        %mul3A_486 = arith.muli %sub3A_421, %mul3A_485 : i32
        %ge3A = vector.broadcast %mul3A_486 : i32 to vector<16xi32>
        %ge3A_487 = arith.cmpi sge, %shift_right_arithmetic3A_484, %ge3A : vector<16xi32>
        %add3A_488 = arith.constant 6 : i32
        %add3A_489 = arith.addi %sub3A_421, %add3A_488 : i32
        %mul3A_490 = arith.constant 128 : i32
        %mul3A_491 = arith.muli %add3A_489, %mul3A_490 : i32
        %lt3A_492 = vector.broadcast %mul3A_491 : i32 to vector<16xi32>
        %lt3A_493 = arith.cmpi slt, %shift_right_arithmetic3A_484, %lt3A_492 : vector<16xi32>
        %and3A_494 = arith.andi %ge3A_487, %lt3A_493 : vector<16xi1>
        %mul3A_495 = arith.constant 16 : i32
        %mul3A_496 = arith.muli %while3A_478, %mul3A_495 : i32
        %add3A_497 = vector.broadcast %mul3A_496 : i32 to vector<16xi32>
        %add3A_498 = arith.addi %add3A_497, %iota3A : vector<16xi32>
        %lt3A_499 = vector.broadcast %min3A_52 : i32 to vector<16xi32>
        %lt3A_500 = arith.cmpi slt, %add3A_498, %lt3A_499 : vector<16xi32>
        %and3A_501 = arith.andi %and3A_494, %lt3A_500 : vector<16xi1>
        %swap3A = arith.index_cast %while3A_479 : i32 to index
        %swap3A_502 = tpu.vector_load %arg8[%swap3A] masked %and3A_501 {strides = array<i32>} : memref<800xi32, #tpu.memory_space<vmem>>, vector<16xi32>, vector<16xi1>
        tpu.vector_store %arg8[%swap3A], %get3A_482 masked %and3A_501 {strides = array<i32>} : memref<800xi32, #tpu.memory_space<vmem>>, vector<16xi32>, vector<16xi1>
        %all_reduce_population_count3A = tpu.all_reduce %and3A_501 {dim = 0 : i64, kind = #tpu.reduction_kind<sum>} : vector<16xi1> -> vector<16xi32>
        %slice3A = vector.extract_strided_slice %all_reduce_population_count3A {offsets = [0], sizes = [1], strides = [1]} : vector<16xi32> to vector<1xi32>
        %squeeze3A = vector.extract %slice3A[0] : i32 from vector<1xi32>
        %add3A_503 = arith.addi %while3A_479, %squeeze3A : i32
        scf.yield %add3A_503 : i32
      }
      %while3A_460 = arith.constant 0 : i32
      %while3A_461 = arith.subi %while3A_459, %while3A_460 : i32
      %while3A_462 = arith.addi %while3A_460, %while3A_461 : i32
      %while3A_463 = arith.constant 1 : i32
      %while3A_464 = arith.divsi %while3A_461, %while3A_463 : i32
      %while3A_465 = arith.muli %while3A_464, %while3A_463 : i32
      %while3A_466 = arith.addi %while3A_460, %while3A_465 : i32
      %while3A_467 = arith.constant 1 : i32
      %while3A_468 = scf.for %while3A_478 = %while3A_460 to %while3A_466 step %while3A_467 iter_args(%while3A_479 = %while3A_392) -> (i32)  : i32 {
        %jit3A_480 = arith.constant 16 : i32
        %div3A_481 = arith.divsi %while3A_478, %jit3A_480 : i32
        %sign3A_482 = arith.constant 0 : i32
        %sign3A_483 = arith.cmpi sgt, %while3A_478, %sign3A_482 : i32
        %sign3A_484 = arith.extui %sign3A_483 : i1 to i32
        %sign3A_485 = arith.constant 0 : i32
        %sign3A_486 = arith.cmpi slt, %while3A_478, %sign3A_485 : i32
        %sign3A_487 = arith.extui %sign3A_486 : i1 to i32
        %sign3A_488 = arith.subi %sign3A_484, %sign3A_487 : i32
        %sign3A_489 = arith.constant 0 : i32
        %sign3A_490 = arith.cmpi sgt, %jit3A_480, %sign3A_489 : i32
        %sign3A_491 = arith.extui %sign3A_490 : i1 to i32
        %sign3A_492 = arith.constant 0 : i32
        %sign3A_493 = arith.cmpi slt, %jit3A_480, %sign3A_492 : i32
        %sign3A_494 = arith.extui %sign3A_493 : i1 to i32
        %sign3A_495 = arith.subi %sign3A_491, %sign3A_494 : i32
        %ne3A_496 = arith.cmpi ne, %sign3A_488, %sign3A_495 : i32
        %rem3A_497 = arith.remsi %while3A_478, %jit3A_480 : i32
        %ne3A_498 = arith.constant 0 : i32
        %ne3A_499 = arith.cmpi ne, %rem3A_497, %ne3A_498 : i32
        %and3A_500 = arith.andi %ne3A_496, %ne3A_499 : i1
        %sub3A_501 = arith.constant 1 : i32
        %sub3A_502 = arith.subi %div3A_481, %sub3A_501 : i32
        %select_n3A_503 = arith.select %and3A_500, %sub3A_502, %div3A_481 : i32
        %mul3A_504 = arith.constant 16 : i32
        %mul3A_505 = arith.muli %select_n3A_503, %mul3A_504 : i32
        %get3A = arith.index_cast %mul3A_505 : i32 to index
        %get3A_506 = tpu.vector_load %arg8[%get3A] {strides = array<i32>} : memref<800xi32, #tpu.memory_space<vmem>>, vector<16xi32>,
        %jit3A_507 = arith.constant 16 : i32
        %eq3A_508 = arith.constant 0 : i32
        %eq3A_509 = arith.cmpi eq, %jit3A_507, %eq3A_508 : i32
        %jit3A_510 = arith.constant 1 : i32
        %select_n3A_511 = arith.select %eq3A_509, %jit3A_510, %jit3A_507 : i32
        %rem3A_512 = arith.remsi %while3A_478, %select_n3A_511 : i32
        %ne3A_513 = arith.constant 0 : i32
        %ne3A_514 = arith.cmpi ne, %rem3A_512, %ne3A_513 : i32
        %lt3A_515 = arith.constant 0 : i32
        %lt3A_516 = arith.cmpi slt, %rem3A_512, %lt3A_515 : i32
        %lt3A_517 = arith.constant 0 : i32
        %lt3A_518 = arith.cmpi slt, %select_n3A_511, %lt3A_517 : i32
        %ne3A_519 = arith.xori %lt3A_516, %lt3A_518 : i1
        %and3A_520 = arith.andi %ne3A_519, %ne3A_514 : i1
        %add3A_521 = arith.addi %rem3A_512, %select_n3A_511 : i32
        %select_n3A_522 = arith.select %and3A_520, %add3A_521, %rem3A_512 : i32
        %broadcast_in_dim3A = vector.broadcast %select_n3A_522 : i32 to vector<16xi32>
        %reshape3A = vector.shape_cast %broadcast_in_dim3A : vector<16xi32> to vector<16x1xi32>
        %gather3A = vector.shape_cast %reshape3A : vector<16x1xi32> to vector<16xi32>
        %gather3A_523 = tpu.dynamic_gather %get3A_506[%gather3A] in [0] : vector<16xi32>, vector<16xi32> -> vector<16xi32>
        %shift_right_arithmetic3A = arith.constant 14 : i32
        %shift_right_arithmetic3A_524 = vector.broadcast %shift_right_arithmetic3A : i32 to vector<16xi32>
        %shift_right_arithmetic3A_525 = arith.shrsi %gather3A_523, %shift_right_arithmetic3A_524 : vector<16xi32>
        %mul3A_526 = arith.constant 128 : i32
        %mul3A_527 = arith.muli %sub3A_421, %mul3A_526 : i32
        %sub3A_528 = vector.broadcast %mul3A_527 : i32 to vector<16xi32>
        %sub3A_529 = arith.subi %shift_right_arithmetic3A_525, %sub3A_528 : vector<16xi32>
        %and3A_530 = arith.constant 16383 : i32
        %and3A_531 = vector.broadcast %and3A_530 : i32 to vector<16xi32>
        %and3A_532 = arith.andi %gather3A_523, %and3A_531 : vector<16xi32>
        %gather3A_533 = tpu.vector_load_idx %arg13[%iota3A, %sub3A_529] : memref<16x768xf32, #tpu.memory_space<vmem>>[vector<16xi32>, vector<16xi32>], vector<16xf32>,
        %gather3A_534 = tpu.vector_load_idx %arg14[%iota3A, %sub3A_529] : memref<16x768xf32, #tpu.memory_space<vmem>>[vector<16xi32>, vector<16xi32>], vector<16xf32>,
        %mul3A_535 = arith.constant 32 : i32
        %mul3A_536 = arith.muli %while3A_479, %mul3A_535 : i32
        %broadcast_in_dim3A_537 = vector.broadcast %mul3A_536 : i32 to vector<16xi32>
        %add3A_538 = arith.addi %broadcast_in_dim3A_537, %iota3A : vector<16xi32>
        tpu.vector_store_idx %arg15[%add3A_538], %gather3A_533 : memref<25600xf32, #tpu.memory_space<vmem>>[vector<16xi32>], vector<16xf32>,
        %add3A_539 = arith.constant 16 : i32
        %add3A_540 = vector.broadcast %add3A_539 : i32 to vector<16xi32>
        %add3A_541 = arith.addi %add3A_538, %add3A_540 : vector<16xi32>
        tpu.vector_store_idx %arg15[%add3A_541], %gather3A_534 : memref<25600xf32, #tpu.memory_space<vmem>>[vector<16xi32>], vector<16xf32>,
        %slice3A = vector.extract_strided_slice %and3A_532 {offsets = [0], sizes = [1], strides = [1]} : vector<16xi32> to vector<1xi32>
        %squeeze3A = vector.extract %slice3A[0] : i32 from vector<1xi32>
        %mul3A_542 = arith.constant 32 : i32
        %mul3A_543 = arith.muli %squeeze3A, %mul3A_542 : i32
        %multiple_of3A_544 = tpu.assume_multiple %mul3A_543, 32 : i32
        %dma_start3A_545 = tpu.memref_slice %arg15[%mul3A_536] : memref<25600xf32, #tpu.memory_space<vmem>> -> memref<32xf32, #tpu.memory_space<vmem>>
        %dma_start3A_546 = tpu.memref_slice %arg5[%multiple_of3A_544] : memref<524288xf32, #tpu.memory_space<hbm>> -> memref<32xf32, #tpu.memory_space<hbm>>
        %dma_start3A_547 = tpu.memref_slice %arg5[%multiple_of3A_544] : memref<524288xf32, #tpu.memory_space<hbm>> -> memref<32xf32, #tpu.memory_space<hbm>>
        %dma_start3A_548 = tpu.memref_slice %arg15[%mul3A_536] : memref<25600xf32, #tpu.memory_space<vmem>> -> memref<32xf32, #tpu.memory_space<vmem>>
        tpu.enqueue_dma source(%dma_start3A_548 : memref<32xf32, #tpu.memory_space<vmem>>) target(%dma_start3A_547 : memref<32xf32, #tpu.memory_space<hbm>>) target_semaphore(%arg23 : memref<!tpu.dma_semaphore, #tpu.memory_space<semaphore_mem>>)
        %add3A_549 = arith.constant 1 : i32
        %add3A_550 = arith.addi %while3A_479, %add3A_549 : i32
        scf.yield %add3A_550 : i32
      }
      %while3A_469 = arith.constant 1 : i32
      %while3A_470 = scf.for %while3A_478 = %while3A_466 to %while3A_462 step %while3A_469 iter_args(%while3A_479 = %while3A_468) -> (i32)  : i32 {
        %jit3A_480 = arith.constant 16 : i32
        %div3A_481 = arith.divsi %while3A_478, %jit3A_480 : i32
        %sign3A_482 = arith.constant 0 : i32
        %sign3A_483 = arith.cmpi sgt, %while3A_478, %sign3A_482 : i32
        %sign3A_484 = arith.extui %sign3A_483 : i1 to i32
        %sign3A_485 = arith.constant 0 : i32
        %sign3A_486 = arith.cmpi slt, %while3A_478, %sign3A_485 : i32
        %sign3A_487 = arith.extui %sign3A_486 : i1 to i32
        %sign3A_488 = arith.subi %sign3A_484, %sign3A_487 : i32
        %sign3A_489 = arith.constant 0 : i32
        %sign3A_490 = arith.cmpi sgt, %jit3A_480, %sign3A_489 : i32
        %sign3A_491 = arith.extui %sign3A_490 : i1 to i32
        %sign3A_492 = arith.constant 0 : i32
        %sign3A_493 = arith.cmpi slt, %jit3A_480, %sign3A_492 : i32
        %sign3A_494 = arith.extui %sign3A_493 : i1 to i32
        %sign3A_495 = arith.subi %sign3A_491, %sign3A_494 : i32
        %ne3A_496 = arith.cmpi ne, %sign3A_488, %sign3A_495 : i32
        %rem3A_497 = arith.remsi %while3A_478, %jit3A_480 : i32
        %ne3A_498 = arith.constant 0 : i32
        %ne3A_499 = arith.cmpi ne, %rem3A_497, %ne3A_498 : i32
        %and3A_500 = arith.andi %ne3A_496, %ne3A_499 : i1
        %sub3A_501 = arith.constant 1 : i32
        %sub3A_502 = arith.subi %div3A_481, %sub3A_501 : i32
        %select_n3A_503 = arith.select %and3A_500, %sub3A_502, %div3A_481 : i32
        %mul3A_504 = arith.constant 16 : i32
        %mul3A_505 = arith.muli %select_n3A_503, %mul3A_504 : i32
        %get3A = arith.index_cast %mul3A_505 : i32 to index
        %get3A_506 = tpu.vector_load %arg8[%get3A] {strides = array<i32>} : memref<800xi32, #tpu.memory_space<vmem>>, vector<16xi32>,
        %jit3A_507 = arith.constant 16 : i32
        %eq3A_508 = arith.constant 0 : i32
        %eq3A_509 = arith.cmpi eq, %jit3A_507, %eq3A_508 : i32
        %jit3A_510 = arith.constant 1 : i32
        %select_n3A_511 = arith.select %eq3A_509, %jit3A_510, %jit3A_507 : i32
        %rem3A_512 = arith.remsi %while3A_478, %select_n3A_511 : i32
        %ne3A_513 = arith.constant 0 : i32
        %ne3A_514 = arith.cmpi ne, %rem3A_512, %ne3A_513 : i32
        %lt3A_515 = arith.constant 0 : i32
        %lt3A_516 = arith.cmpi slt, %rem3A_512, %lt3A_515 : i32
        %lt3A_517 = arith.constant 0 : i32
        %lt3A_518 = arith.cmpi slt, %select_n3A_511, %lt3A_517 : i32
        %ne3A_519 = arith.xori %lt3A_516, %lt3A_518 : i1
        %and3A_520 = arith.andi %ne3A_519, %ne3A_514 : i1
        %add3A_521 = arith.addi %rem3A_512, %select_n3A_511 : i32
        %select_n3A_522 = arith.select %and3A_520, %add3A_521, %rem3A_512 : i32
        %broadcast_in_dim3A = vector.broadcast %select_n3A_522 : i32 to vector<16xi32>
        %reshape3A = vector.shape_cast %broadcast_in_dim3A : vector<16xi32> to vector<16x1xi32>
        %gather3A = vector.shape_cast %reshape3A : vector<16x1xi32> to vector<16xi32>
        %gather3A_523 = tpu.dynamic_gather %get3A_506[%gather3A] in [0] : vector<16xi32>, vector<16xi32> -> vector<16xi32>
        %shift_right_arithmetic3A = arith.constant 14 : i32
        %shift_right_arithmetic3A_524 = vector.broadcast %shift_right_arithmetic3A : i32 to vector<16xi32>
        %shift_right_arithmetic3A_525 = arith.shrsi %gather3A_523, %shift_right_arithmetic3A_524 : vector<16xi32>
        %mul3A_526 = arith.constant 128 : i32
        %mul3A_527 = arith.muli %sub3A_421, %mul3A_526 : i32
        %sub3A_528 = vector.broadcast %mul3A_527 : i32 to vector<16xi32>
        %sub3A_529 = arith.subi %shift_right_arithmetic3A_525, %sub3A_528 : vector<16xi32>
        %and3A_530 = arith.constant 16383 : i32
        %and3A_531 = vector.broadcast %and3A_530 : i32 to vector<16xi32>
        %and3A_532 = arith.andi %gather3A_523, %and3A_531 : vector<16xi32>
        %gather3A_533 = tpu.vector_load_idx %arg13[%iota3A, %sub3A_529] : memref<16x768xf32, #tpu.memory_space<vmem>>[vector<16xi32>, vector<16xi32>], vector<16xf32>,
        %gather3A_534 = tpu.vector_load_idx %arg14[%iota3A, %sub3A_529] : memref<16x768xf32, #tpu.memory_space<vmem>>[vector<16xi32>, vector<16xi32>], vector<16xf32>,
        %mul3A_535 = arith.constant 32 : i32
        %mul3A_536 = arith.muli %while3A_479, %mul3A_535 : i32
        %broadcast_in_dim3A_537 = vector.broadcast %mul3A_536 : i32 to vector<16xi32>
        %add3A_538 = arith.addi %broadcast_in_dim3A_537, %iota3A : vector<16xi32>
        tpu.vector_store_idx %arg15[%add3A_538], %gather3A_533 : memref<25600xf32, #tpu.memory_space<vmem>>[vector<16xi32>], vector<16xf32>,
        %add3A_539 = arith.constant 16 : i32
        %add3A_540 = vector.broadcast %add3A_539 : i32 to vector<16xi32>
        %add3A_541 = arith.addi %add3A_538, %add3A_540 : vector<16xi32>
        tpu.vector_store_idx %arg15[%add3A_541], %gather3A_534 : memref<25600xf32, #tpu.memory_space<vmem>>[vector<16xi32>], vector<16xf32>,
        %slice3A = vector.extract_strided_slice %and3A_532 {offsets = [0], sizes = [1], strides = [1]} : vector<16xi32> to vector<1xi32>
        %squeeze3A = vector.extract %slice3A[0] : i32 from vector<1xi32>
        %mul3A_542 = arith.constant 32 : i32
        %mul3A_543 = arith.muli %squeeze3A, %mul3A_542 : i32
        %multiple_of3A_544 = tpu.assume_multiple %mul3A_543, 32 : i32
        %dma_start3A_545 = tpu.memref_slice %arg15[%mul3A_536] : memref<25600xf32, #tpu.memory_space<vmem>> -> memref<32xf32, #tpu.memory_space<vmem>>
        %dma_start3A_546 = tpu.memref_slice %arg5[%multiple_of3A_544] : memref<524288xf32, #tpu.memory_space<hbm>> -> memref<32xf32, #tpu.memory_space<hbm>>
        %dma_start3A_547 = tpu.memref_slice %arg5[%multiple_of3A_544] : memref<524288xf32, #tpu.memory_space<hbm>> -> memref<32xf32, #tpu.memory_space<hbm>>
        %dma_start3A_548 = tpu.memref_slice %arg15[%mul3A_536] : memref<25600xf32, #tpu.memory_space<vmem>> -> memref<32xf32, #tpu.memory_space<vmem>>
        tpu.enqueue_dma source(%dma_start3A_548 : memref<32xf32, #tpu.memory_space<vmem>>) target(%dma_start3A_547 : memref<32xf32, #tpu.memory_space<hbm>>) target_semaphore(%arg23 : memref<!tpu.dma_semaphore, #tpu.memory_space<semaphore_mem>>)
        %add3A_549 = arith.constant 1 : i32
        %add3A_550 = arith.addi %while3A_479, %add3A_549 : i32
        scf.yield %add3A_550 : i32
      }
      %add3A_471 = arith.constant 3 : i32
      %add3A_472 = arith.addi %add3A_403, %add3A_471 : i32
      %lt3A_473 = arith.constant 41 : i32
      %lt3A_474 = arith.cmpi slt, %add3A_472, %lt3A_473 : i32
      %convert_element_type3A_475 = arith.extui %lt3A_474 : i1 to i32
      %cond3A_476 = arith.constant 0 : i32
      %cond3A_477 = arith.cmpi ne, %convert_element_type3A_475, %cond3A_476 : i32
      scf.if %cond3A_477 {
        %add3A_478 = arith.constant 3 : i32
        %add3A_479 = arith.addi %add3A_403, %add3A_478 : i32
        %mul3A_480 = arith.constant 6 : i32
        %mul3A_481 = arith.muli %add3A_479, %mul3A_480 : i32
        %add3A_482 = arith.addi %mul3A_2, %mul3A_481 : i32
        %min3A_483 = arith.constant 7807 : i32
        %min3A_484 = arith.minsi %add3A_482, %min3A_483 : i32
        %mul3A_485 = arith.constant 128 : i32
        %mul3A_486 = arith.muli %min3A_484, %mul3A_485 : i32
        %multiple_of3A_487 = tpu.assume_multiple %mul3A_486, 128 : i32
        %dma_start3A_488 = arith.constant 0 : i32
        %dma_start3A_489 = tpu.memref_slice %arg3[%dma_start3A_488, %multiple_of3A_487] : memref<16x1000000xf32, #tpu.memory_space<hbm>> -> memref<16x768xf32, #tpu.memory_space<hbm>>
        %dma_start3A_490 = arith.constant 0 : i32
        %dma_start3A_491 = tpu.memref_slice %arg3[%dma_start3A_490, %multiple_of3A_487] : memref<16x1000000xf32, #tpu.memory_space<hbm>> -> memref<16x768xf32, #tpu.memory_space<hbm>>
        tpu.enqueue_dma source(%dma_start3A_491 : memref<16x768xf32, #tpu.memory_space<hbm>>) target(%arg13 : memref<16x768xf32, #tpu.memory_space<vmem>>) target_semaphore(%arg21 : memref<!tpu.dma_semaphore, #tpu.memory_space<semaphore_mem>>)
        %dma_start3A_492 = arith.constant 0 : i32
        %dma_start3A_493 = tpu.memref_slice %arg4[%dma_start3A_492, %multiple_of3A_487] : memref<16x1000000xf32, #tpu.memory_space<hbm>> -> memref<16x768xf32, #tpu.memory_space<hbm>>
        %dma_start3A_494 = arith.constant 0 : i32
        %dma_start3A_495 = tpu.memref_slice %arg4[%dma_start3A_494, %multiple_of3A_487] : memref<16x1000000xf32, #tpu.memory_space<hbm>> -> memref<16x768xf32, #tpu.memory_space<hbm>>
        tpu.enqueue_dma source(%dma_start3A_495 : memref<16x768xf32, #tpu.memory_space<hbm>>) target(%arg14 : memref<16x768xf32, #tpu.memory_space<vmem>>) target_semaphore(%arg22 : memref<!tpu.dma_semaphore, #tpu.memory_space<semaphore_mem>>)
      } else {
      }
      scf.yield %while3A_470 : i32
    }
    %scan3A_59 = arith.constant 13 : i32
    %dma_wait3A = arith.constant 0 : i32
    %dma_wait3A_60 = arith.constant 0 : i32
    %dma_wait3A_61 = tpu.memref_slice %arg3[%dma_wait3A, %dma_wait3A_60] : memref<16x1000000xf32, #tpu.memory_space<hbm>> -> memref<16x768xf32, #tpu.memory_space<hbm>>
    %dma_wait3A_62 = arith.constant 0 : i32
    %dma_wait3A_63 = arith.constant 0 : i32
    %dma_wait3A_64 = tpu.memref_slice %arg3[%dma_wait3A_62, %dma_wait3A_63] : memref<16x1000000xf32, #tpu.memory_space<hbm>> -> memref<16x768xf32, #tpu.memory_space<hbm>>
    tpu.wait_dma2 semaphore(%arg17 : memref<!tpu.dma_semaphore, #tpu.memory_space<semaphore_mem>>) src(%dma_wait3A_64 : memref<16x768xf32, #tpu.memory_space<hbm>>) dst(%arg9 : memref<16x768xf32, #tpu.memory_space<vmem>>)
    %dma_wait3A_65 = arith.constant 0 : i32
    %dma_wait3A_66 = arith.constant 0 : i32
    %dma_wait3A_67 = tpu.memref_slice %arg4[%dma_wait3A_65, %dma_wait3A_66] : memref<16x1000000xf32, #tpu.memory_space<hbm>> -> memref<16x768xf32, #tpu.memory_space<hbm>>
    %dma_wait3A_68 = arith.constant 0 : i32
    %dma_wait3A_69 = arith.constant 0 : i32
    %dma_wait3A_70 = tpu.memref_slice %arg4[%dma_wait3A_68, %dma_wait3A_69] : memref<16x1000000xf32, #tpu.memory_space<hbm>> -> memref<16x768xf32, #tpu.memory_space<hbm>>
    tpu.wait_dma2 semaphore(%arg18 : memref<!tpu.dma_semaphore, #tpu.memory_space<semaphore_mem>>) src(%dma_wait3A_70 : memref<16x768xf32, #tpu.memory_space<hbm>>) dst(%arg10 : memref<16x768xf32, #tpu.memory_space<vmem>>)
    %add3A_71 = arith.constant 234 : i32
    %add3A_72 = arith.addi %mul3A_2, %add3A_71 : i32
    %min3A_73 = arith.constant 7807 : i32
    %min3A_74 = arith.minsi %add3A_72, %min3A_73 : i32
    %sub3A = arith.subi %min3A_74, %mul3A_2 : i32
    %add3A_75 = arith.constant 15 : i32
    %add3A_76 = arith.addi %min3A_52, %add3A_75 : i32
    %jit3A = arith.constant 16 : i32
    %div3A = arith.divsi %add3A_76, %jit3A : i32
    %sign3A = arith.constant 0 : i32
    %sign3A_77 = arith.cmpi sgt, %add3A_76, %sign3A : i32
    %sign3A_78 = arith.extui %sign3A_77 : i1 to i32
    %sign3A_79 = arith.constant 0 : i32
    %sign3A_80 = arith.cmpi slt, %add3A_76, %sign3A_79 : i32
    %sign3A_81 = arith.extui %sign3A_80 : i1 to i32
    %sign3A_82 = arith.subi %sign3A_78, %sign3A_81 : i32
    %sign3A_83 = arith.constant 0 : i32
    %sign3A_84 = arith.cmpi sgt, %jit3A, %sign3A_83 : i32
    %sign3A_85 = arith.extui %sign3A_84 : i1 to i32
    %sign3A_86 = arith.constant 0 : i32
    %sign3A_87 = arith.cmpi slt, %jit3A, %sign3A_86 : i32
    %sign3A_88 = arith.extui %sign3A_87 : i1 to i32
    %sign3A_89 = arith.subi %sign3A_85, %sign3A_88 : i32
    %ne3A = arith.cmpi ne, %sign3A_82, %sign3A_89 : i32
    %rem3A = arith.remsi %add3A_76, %jit3A : i32
    %ne3A_90 = arith.constant 0 : i32
    %ne3A_91 = arith.cmpi ne, %rem3A, %ne3A_90 : i32
    %and3A = arith.andi %ne3A, %ne3A_91 : i1
    %sub3A_92 = arith.constant 1 : i32
    %sub3A_93 = arith.subi %div3A, %sub3A_92 : i32
    %select_n3A = arith.select %and3A, %sub3A_93, %div3A : i32
    %while3A = arith.constant 0 : i32
    %while3A_94 = arith.constant 0 : i32
    %while3A_95 = arith.subi %select_n3A, %while3A : i32
    %while3A_96 = arith.addi %while3A, %while3A_95 : i32
    %while3A_97 = arith.constant 1 : i32
    %while3A_98 = arith.divsi %while3A_95, %while3A_97 : i32
    %while3A_99 = arith.muli %while3A_98, %while3A_97 : i32
    %while3A_100 = arith.addi %while3A, %while3A_99 : i32
    %while3A_101 = arith.constant 1 : i32
    %while3A_102 = scf.for %while3A_244 = %while3A to %while3A_100 step %while3A_101 iter_args(%while3A_245 = %while3A_94) -> (i32)  : i32 {
      %mul3A_246 = arith.constant 16 : i32
      %mul3A_247 = arith.muli %while3A_244, %mul3A_246 : i32
      %get3A = arith.index_cast %mul3A_247 : i32 to index
      %get3A_248 = tpu.vector_load %arg7[%get3A] {strides = array<i32>} : memref<800xi32, #tpu.memory_space<vmem>>, vector<16xi32>,
      %shift_right_arithmetic3A = arith.constant 14 : i32
      %shift_right_arithmetic3A_249 = vector.broadcast %shift_right_arithmetic3A : i32 to vector<16xi32>
      %shift_right_arithmetic3A_250 = arith.shrsi %get3A_248, %shift_right_arithmetic3A_249 : vector<16xi32>
      %mul3A_251 = arith.constant 128 : i32
      %mul3A_252 = arith.muli %sub3A, %mul3A_251 : i32
      %ge3A = vector.broadcast %mul3A_252 : i32 to vector<16xi32>
      %ge3A_253 = arith.cmpi sge, %shift_right_arithmetic3A_250, %ge3A : vector<16xi32>
      %add3A_254 = arith.constant 6 : i32
      %add3A_255 = arith.addi %sub3A, %add3A_254 : i32
      %mul3A_256 = arith.constant 128 : i32
      %mul3A_257 = arith.muli %add3A_255, %mul3A_256 : i32
      %lt3A_258 = vector.broadcast %mul3A_257 : i32 to vector<16xi32>
      %lt3A_259 = arith.cmpi slt, %shift_right_arithmetic3A_250, %lt3A_258 : vector<16xi32>
      %and3A_260 = arith.andi %ge3A_253, %lt3A_259 : vector<16xi1>
      %mul3A_261 = arith.constant 16 : i32
      %mul3A_262 = arith.muli %while3A_244, %mul3A_261 : i32
      %add3A_263 = vector.broadcast %mul3A_262 : i32 to vector<16xi32>
      %add3A_264 = arith.addi %add3A_263, %iota3A : vector<16xi32>
      %lt3A_265 = vector.broadcast %min3A_52 : i32 to vector<16xi32>
      %lt3A_266 = arith.cmpi slt, %add3A_264, %lt3A_265 : vector<16xi32>
      %and3A_267 = arith.andi %and3A_260, %lt3A_266 : vector<16xi1>
      %swap3A = arith.index_cast %while3A_245 : i32 to index
      %swap3A_268 = tpu.vector_load %arg8[%swap3A] masked %and3A_267 {strides = array<i32>} : memref<800xi32, #tpu.memory_space<vmem>>, vector<16xi32>, vector<16xi1>
      tpu.vector_store %arg8[%swap3A], %get3A_248 masked %and3A_267 {strides = array<i32>} : memref<800xi32, #tpu.memory_space<vmem>>, vector<16xi32>, vector<16xi1>
      %all_reduce_population_count3A = tpu.all_reduce %and3A_267 {dim = 0 : i64, kind = #tpu.reduction_kind<sum>} : vector<16xi1> -> vector<16xi32>
      %slice3A = vector.extract_strided_slice %all_reduce_population_count3A {offsets = [0], sizes = [1], strides = [1]} : vector<16xi32> to vector<1xi32>
      %squeeze3A = vector.extract %slice3A[0] : i32 from vector<1xi32>
      %add3A_269 = arith.addi %while3A_245, %squeeze3A : i32
      scf.yield %add3A_269 : i32
    }
    %while3A_103 = arith.constant 1 : i32
    %while3A_104 = scf.for %while3A_244 = %while3A_100 to %while3A_96 step %while3A_103 iter_args(%while3A_245 = %while3A_102) -> (i32)  : i32 {
      %mul3A_246 = arith.constant 16 : i32
      %mul3A_247 = arith.muli %while3A_244, %mul3A_246 : i32
      %get3A = arith.index_cast %mul3A_247 : i32 to index
      %get3A_248 = tpu.vector_load %arg7[%get3A] {strides = array<i32>} : memref<800xi32, #tpu.memory_space<vmem>>, vector<16xi32>,
      %shift_right_arithmetic3A = arith.constant 14 : i32
      %shift_right_arithmetic3A_249 = vector.broadcast %shift_right_arithmetic3A : i32 to vector<16xi32>
      %shift_right_arithmetic3A_250 = arith.shrsi %get3A_248, %shift_right_arithmetic3A_249 : vector<16xi32>
      %mul3A_251 = arith.constant 128 : i32
      %mul3A_252 = arith.muli %sub3A, %mul3A_251 : i32
      %ge3A = vector.broadcast %mul3A_252 : i32 to vector<16xi32>
      %ge3A_253 = arith.cmpi sge, %shift_right_arithmetic3A_250, %ge3A : vector<16xi32>
      %add3A_254 = arith.constant 6 : i32
      %add3A_255 = arith.addi %sub3A, %add3A_254 : i32
      %mul3A_256 = arith.constant 128 : i32
      %mul3A_257 = arith.muli %add3A_255, %mul3A_256 : i32
      %lt3A_258 = vector.broadcast %mul3A_257 : i32 to vector<16xi32>
      %lt3A_259 = arith.cmpi slt, %shift_right_arithmetic3A_250, %lt3A_258 : vector<16xi32>
      %and3A_260 = arith.andi %ge3A_253, %lt3A_259 : vector<16xi1>
      %mul3A_261 = arith.constant 16 : i32
      %mul3A_262 = arith.muli %while3A_244, %mul3A_261 : i32
      %add3A_263 = vector.broadcast %mul3A_262 : i32 to vector<16xi32>
      %add3A_264 = arith.addi %add3A_263, %iota3A : vector<16xi32>
      %lt3A_265 = vector.broadcast %min3A_52 : i32 to vector<16xi32>
      %lt3A_266 = arith.cmpi slt, %add3A_264, %lt3A_265 : vector<16xi32>
      %and3A_267 = arith.andi %and3A_260, %lt3A_266 : vector<16xi1>
      %swap3A = arith.index_cast %while3A_245 : i32 to index
      %swap3A_268 = tpu.vector_load %arg8[%swap3A] masked %and3A_267 {strides = array<i32>} : memref<800xi32, #tpu.memory_space<vmem>>, vector<16xi32>, vector<16xi1>
      tpu.vector_store %arg8[%swap3A], %get3A_248 masked %and3A_267 {strides = array<i32>} : memref<800xi32, #tpu.memory_space<vmem>>, vector<16xi32>, vector<16xi1>
      %all_reduce_population_count3A = tpu.all_reduce %and3A_267 {dim = 0 : i64, kind = #tpu.reduction_kind<sum>} : vector<16xi1> -> vector<16xi32>
      %slice3A = vector.extract_strided_slice %all_reduce_population_count3A {offsets = [0], sizes = [1], strides = [1]} : vector<16xi32> to vector<1xi32>
      %squeeze3A = vector.extract %slice3A[0] : i32 from vector<1xi32>
      %add3A_269 = arith.addi %while3A_245, %squeeze3A : i32
      scf.yield %add3A_269 : i32
    }
    %while3A_105 = arith.constant 0 : i32
    %while3A_106 = arith.subi %while3A_104, %while3A_105 : i32
    %while3A_107 = arith.addi %while3A_105, %while3A_106 : i32
    %while3A_108 = arith.constant 1 : i32
    %while3A_109 = arith.divsi %while3A_106, %while3A_108 : i32
    %while3A_110 = arith.muli %while3A_109, %while3A_108 : i32
    %while3A_111 = arith.addi %while3A_105, %while3A_110 : i32
    %while3A_112 = arith.constant 1 : i32
    %while3A_113 = scf.for %while3A_244 = %while3A_105 to %while3A_111 step %while3A_112 iter_args(%while3A_245 = %scan3A_58) -> (i32)  : i32 {
      %jit3A_246 = arith.constant 16 : i32
      %div3A_247 = arith.divsi %while3A_244, %jit3A_246 : i32
      %sign3A_248 = arith.constant 0 : i32
      %sign3A_249 = arith.cmpi sgt, %while3A_244, %sign3A_248 : i32
      %sign3A_250 = arith.extui %sign3A_249 : i1 to i32
      %sign3A_251 = arith.constant 0 : i32
      %sign3A_252 = arith.cmpi slt, %while3A_244, %sign3A_251 : i32
      %sign3A_253 = arith.extui %sign3A_252 : i1 to i32
      %sign3A_254 = arith.subi %sign3A_250, %sign3A_253 : i32
      %sign3A_255 = arith.constant 0 : i32
      %sign3A_256 = arith.cmpi sgt, %jit3A_246, %sign3A_255 : i32
      %sign3A_257 = arith.extui %sign3A_256 : i1 to i32
      %sign3A_258 = arith.constant 0 : i32
      %sign3A_259 = arith.cmpi slt, %jit3A_246, %sign3A_258 : i32
      %sign3A_260 = arith.extui %sign3A_259 : i1 to i32
      %sign3A_261 = arith.subi %sign3A_257, %sign3A_260 : i32
      %ne3A_262 = arith.cmpi ne, %sign3A_254, %sign3A_261 : i32
      %rem3A_263 = arith.remsi %while3A_244, %jit3A_246 : i32
      %ne3A_264 = arith.constant 0 : i32
      %ne3A_265 = arith.cmpi ne, %rem3A_263, %ne3A_264 : i32
      %and3A_266 = arith.andi %ne3A_262, %ne3A_265 : i1
      %sub3A_267 = arith.constant 1 : i32
      %sub3A_268 = arith.subi %div3A_247, %sub3A_267 : i32
      %select_n3A_269 = arith.select %and3A_266, %sub3A_268, %div3A_247 : i32
      %mul3A_270 = arith.constant 16 : i32
      %mul3A_271 = arith.muli %select_n3A_269, %mul3A_270 : i32
      %get3A = arith.index_cast %mul3A_271 : i32 to index
      %get3A_272 = tpu.vector_load %arg8[%get3A] {strides = array<i32>} : memref<800xi32, #tpu.memory_space<vmem>>, vector<16xi32>,
      %jit3A_273 = arith.constant 16 : i32
      %eq3A_274 = arith.constant 0 : i32
      %eq3A_275 = arith.cmpi eq, %jit3A_273, %eq3A_274 : i32
      %jit3A_276 = arith.constant 1 : i32
      %select_n3A_277 = arith.select %eq3A_275, %jit3A_276, %jit3A_273 : i32
      %rem3A_278 = arith.remsi %while3A_244, %select_n3A_277 : i32
      %ne3A_279 = arith.constant 0 : i32
      %ne3A_280 = arith.cmpi ne, %rem3A_278, %ne3A_279 : i32
      %lt3A_281 = arith.constant 0 : i32
      %lt3A_282 = arith.cmpi slt, %rem3A_278, %lt3A_281 : i32
      %lt3A_283 = arith.constant 0 : i32
      %lt3A_284 = arith.cmpi slt, %select_n3A_277, %lt3A_283 : i32
      %ne3A_285 = arith.xori %lt3A_282, %lt3A_284 : i1
      %and3A_286 = arith.andi %ne3A_285, %ne3A_280 : i1
      %add3A_287 = arith.addi %rem3A_278, %select_n3A_277 : i32
      %select_n3A_288 = arith.select %and3A_286, %add3A_287, %rem3A_278 : i32
      %broadcast_in_dim3A = vector.broadcast %select_n3A_288 : i32 to vector<16xi32>
      %reshape3A = vector.shape_cast %broadcast_in_dim3A : vector<16xi32> to vector<16x1xi32>
      %gather3A = vector.shape_cast %reshape3A : vector<16x1xi32> to vector<16xi32>
      %gather3A_289 = tpu.dynamic_gather %get3A_272[%gather3A] in [0] : vector<16xi32>, vector<16xi32> -> vector<16xi32>
      %shift_right_arithmetic3A = arith.constant 14 : i32
      %shift_right_arithmetic3A_290 = vector.broadcast %shift_right_arithmetic3A : i32 to vector<16xi32>
      %shift_right_arithmetic3A_291 = arith.shrsi %gather3A_289, %shift_right_arithmetic3A_290 : vector<16xi32>
      %mul3A_292 = arith.constant 128 : i32
      %mul3A_293 = arith.muli %sub3A, %mul3A_292 : i32
      %sub3A_294 = vector.broadcast %mul3A_293 : i32 to vector<16xi32>
      %sub3A_295 = arith.subi %shift_right_arithmetic3A_291, %sub3A_294 : vector<16xi32>
      %and3A_296 = arith.constant 16383 : i32
      %and3A_297 = vector.broadcast %and3A_296 : i32 to vector<16xi32>
      %and3A_298 = arith.andi %gather3A_289, %and3A_297 : vector<16xi32>
      %gather3A_299 = tpu.vector_load_idx %arg9[%iota3A, %sub3A_295] : memref<16x768xf32, #tpu.memory_space<vmem>>[vector<16xi32>, vector<16xi32>], vector<16xf32>,
      %gather3A_300 = tpu.vector_load_idx %arg10[%iota3A, %sub3A_295] : memref<16x768xf32, #tpu.memory_space<vmem>>[vector<16xi32>, vector<16xi32>], vector<16xf32>,
      %mul3A_301 = arith.constant 32 : i32
      %mul3A_302 = arith.muli %while3A_245, %mul3A_301 : i32
      %broadcast_in_dim3A_303 = vector.broadcast %mul3A_302 : i32 to vector<16xi32>
      %add3A_304 = arith.addi %broadcast_in_dim3A_303, %iota3A : vector<16xi32>
      tpu.vector_store_idx %arg15[%add3A_304], %gather3A_299 : memref<25600xf32, #tpu.memory_space<vmem>>[vector<16xi32>], vector<16xf32>,
      %add3A_305 = arith.constant 16 : i32
      %add3A_306 = vector.broadcast %add3A_305 : i32 to vector<16xi32>
      %add3A_307 = arith.addi %add3A_304, %add3A_306 : vector<16xi32>
      tpu.vector_store_idx %arg15[%add3A_307], %gather3A_300 : memref<25600xf32, #tpu.memory_space<vmem>>[vector<16xi32>], vector<16xf32>,
      %slice3A = vector.extract_strided_slice %and3A_298 {offsets = [0], sizes = [1], strides = [1]} : vector<16xi32> to vector<1xi32>
      %squeeze3A = vector.extract %slice3A[0] : i32 from vector<1xi32>
      %mul3A_308 = arith.constant 32 : i32
      %mul3A_309 = arith.muli %squeeze3A, %mul3A_308 : i32
      %multiple_of3A_310 = tpu.assume_multiple %mul3A_309, 32 : i32
      %dma_start3A_311 = tpu.memref_slice %arg15[%mul3A_302] : memref<25600xf32, #tpu.memory_space<vmem>> -> memref<32xf32, #tpu.memory_space<vmem>>
      %dma_start3A_312 = tpu.memref_slice %arg5[%multiple_of3A_310] : memref<524288xf32, #tpu.memory_space<hbm>> -> memref<32xf32, #tpu.memory_space<hbm>>
      %dma_start3A_313 = tpu.memref_slice %arg5[%multiple_of3A_310] : memref<524288xf32, #tpu.memory_space<hbm>> -> memref<32xf32, #tpu.memory_space<hbm>>
      %dma_start3A_314 = tpu.memref_slice %arg15[%mul3A_302] : memref<25600xf32, #tpu.memory_space<vmem>> -> memref<32xf32, #tpu.memory_space<vmem>>
      tpu.enqueue_dma source(%dma_start3A_314 : memref<32xf32, #tpu.memory_space<vmem>>) target(%dma_start3A_313 : memref<32xf32, #tpu.memory_space<hbm>>) target_semaphore(%arg23 : memref<!tpu.dma_semaphore, #tpu.memory_space<semaphore_mem>>)
      %add3A_315 = arith.constant 1 : i32
      %add3A_316 = arith.addi %while3A_245, %add3A_315 : i32
      scf.yield %add3A_316 : i32
    }
    %while3A_114 = arith.constant 1 : i32
    %while3A_115 = scf.for %while3A_244 = %while3A_111 to %while3A_107 step %while3A_114 iter_args(%while3A_245 = %while3A_113) -> (i32)  : i32 {
      %jit3A_246 = arith.constant 16 : i32
      %div3A_247 = arith.divsi %while3A_244, %jit3A_246 : i32
      %sign3A_248 = arith.constant 0 : i32
      %sign3A_249 = arith.cmpi sgt, %while3A_244, %sign3A_248 : i32
      %sign3A_250 = arith.extui %sign3A_249 : i1 to i32
      %sign3A_251 = arith.constant 0 : i32
      %sign3A_252 = arith.cmpi slt, %while3A_244, %sign3A_251 : i32
      %sign3A_253 = arith.extui %sign3A_252 : i1 to i32
      %sign3A_254 = arith.subi %sign3A_250, %sign3A_253 : i32
      %sign3A_255 = arith.constant 0 : i32
      %sign3A_256 = arith.cmpi sgt, %jit3A_246, %sign3A_255 : i32
      %sign3A_257 = arith.extui %sign3A_256 : i1 to i32
      %sign3A_258 = arith.constant 0 : i32
      %sign3A_259 = arith.cmpi slt, %jit3A_246, %sign3A_258 : i32
      %sign3A_260 = arith.extui %sign3A_259 : i1 to i32
      %sign3A_261 = arith.subi %sign3A_257, %sign3A_260 : i32
      %ne3A_262 = arith.cmpi ne, %sign3A_254, %sign3A_261 : i32
      %rem3A_263 = arith.remsi %while3A_244, %jit3A_246 : i32
      %ne3A_264 = arith.constant 0 : i32
      %ne3A_265 = arith.cmpi ne, %rem3A_263, %ne3A_264 : i32
      %and3A_266 = arith.andi %ne3A_262, %ne3A_265 : i1
      %sub3A_267 = arith.constant 1 : i32
      %sub3A_268 = arith.subi %div3A_247, %sub3A_267 : i32
      %select_n3A_269 = arith.select %and3A_266, %sub3A_268, %div3A_247 : i32
      %mul3A_270 = arith.constant 16 : i32
      %mul3A_271 = arith.muli %select_n3A_269, %mul3A_270 : i32
      %get3A = arith.index_cast %mul3A_271 : i32 to index
      %get3A_272 = tpu.vector_load %arg8[%get3A] {strides = array<i32>} : memref<800xi32, #tpu.memory_space<vmem>>, vector<16xi32>,
      %jit3A_273 = arith.constant 16 : i32
      %eq3A_274 = arith.constant 0 : i32
      %eq3A_275 = arith.cmpi eq, %jit3A_273, %eq3A_274 : i32
      %jit3A_276 = arith.constant 1 : i32
      %select_n3A_277 = arith.select %eq3A_275, %jit3A_276, %jit3A_273 : i32
      %rem3A_278 = arith.remsi %while3A_244, %select_n3A_277 : i32
      %ne3A_279 = arith.constant 0 : i32
      %ne3A_280 = arith.cmpi ne, %rem3A_278, %ne3A_279 : i32
      %lt3A_281 = arith.constant 0 : i32
      %lt3A_282 = arith.cmpi slt, %rem3A_278, %lt3A_281 : i32
      %lt3A_283 = arith.constant 0 : i32
      %lt3A_284 = arith.cmpi slt, %select_n3A_277, %lt3A_283 : i32
      %ne3A_285 = arith.xori %lt3A_282, %lt3A_284 : i1
      %and3A_286 = arith.andi %ne3A_285, %ne3A_280 : i1
      %add3A_287 = arith.addi %rem3A_278, %select_n3A_277 : i32
      %select_n3A_288 = arith.select %and3A_286, %add3A_287, %rem3A_278 : i32
      %broadcast_in_dim3A = vector.broadcast %select_n3A_288 : i32 to vector<16xi32>
      %reshape3A = vector.shape_cast %broadcast_in_dim3A : vector<16xi32> to vector<16x1xi32>
      %gather3A = vector.shape_cast %reshape3A : vector<16x1xi32> to vector<16xi32>
      %gather3A_289 = tpu.dynamic_gather %get3A_272[%gather3A] in [0] : vector<16xi32>, vector<16xi32> -> vector<16xi32>
      %shift_right_arithmetic3A = arith.constant 14 : i32
      %shift_right_arithmetic3A_290 = vector.broadcast %shift_right_arithmetic3A : i32 to vector<16xi32>
      %shift_right_arithmetic3A_291 = arith.shrsi %gather3A_289, %shift_right_arithmetic3A_290 : vector<16xi32>
      %mul3A_292 = arith.constant 128 : i32
      %mul3A_293 = arith.muli %sub3A, %mul3A_292 : i32
      %sub3A_294 = vector.broadcast %mul3A_293 : i32 to vector<16xi32>
      %sub3A_295 = arith.subi %shift_right_arithmetic3A_291, %sub3A_294 : vector<16xi32>
      %and3A_296 = arith.constant 16383 : i32
      %and3A_297 = vector.broadcast %and3A_296 : i32 to vector<16xi32>
      %and3A_298 = arith.andi %gather3A_289, %and3A_297 : vector<16xi32>
      %gather3A_299 = tpu.vector_load_idx %arg9[%iota3A, %sub3A_295] : memref<16x768xf32, #tpu.memory_space<vmem>>[vector<16xi32>, vector<16xi32>], vector<16xf32>,
      %gather3A_300 = tpu.vector_load_idx %arg10[%iota3A, %sub3A_295] : memref<16x768xf32, #tpu.memory_space<vmem>>[vector<16xi32>, vector<16xi32>], vector<16xf32>,
      %mul3A_301 = arith.constant 32 : i32
      %mul3A_302 = arith.muli %while3A_245, %mul3A_301 : i32
      %broadcast_in_dim3A_303 = vector.broadcast %mul3A_302 : i32 to vector<16xi32>
      %add3A_304 = arith.addi %broadcast_in_dim3A_303, %iota3A : vector<16xi32>
      tpu.vector_store_idx %arg15[%add3A_304], %gather3A_299 : memref<25600xf32, #tpu.memory_space<vmem>>[vector<16xi32>], vector<16xf32>,
      %add3A_305 = arith.constant 16 : i32
      %add3A_306 = vector.broadcast %add3A_305 : i32 to vector<16xi32>
      %add3A_307 = arith.addi %add3A_304, %add3A_306 : vector<16xi32>
      tpu.vector_store_idx %arg15[%add3A_307], %gather3A_300 : memref<25600xf32, #tpu.memory_space<vmem>>[vector<16xi32>], vector<16xf32>,
      %slice3A = vector.extract_strided_slice %and3A_298 {offsets = [0], sizes = [1], strides = [1]} : vector<16xi32> to vector<1xi32>
      %squeeze3A = vector.extract %slice3A[0] : i32 from vector<1xi32>
      %mul3A_308 = arith.constant 32 : i32
      %mul3A_309 = arith.muli %squeeze3A, %mul3A_308 : i32
      %multiple_of3A_310 = tpu.assume_multiple %mul3A_309, 32 : i32
      %dma_start3A_311 = tpu.memref_slice %arg15[%mul3A_302] : memref<25600xf32, #tpu.memory_space<vmem>> -> memref<32xf32, #tpu.memory_space<vmem>>
      %dma_start3A_312 = tpu.memref_slice %arg5[%multiple_of3A_310] : memref<524288xf32, #tpu.memory_space<hbm>> -> memref<32xf32, #tpu.memory_space<hbm>>
      %dma_start3A_313 = tpu.memref_slice %arg5[%multiple_of3A_310] : memref<524288xf32, #tpu.memory_space<hbm>> -> memref<32xf32, #tpu.memory_space<hbm>>
      %dma_start3A_314 = tpu.memref_slice %arg15[%mul3A_302] : memref<25600xf32, #tpu.memory_space<vmem>> -> memref<32xf32, #tpu.memory_space<vmem>>
      tpu.enqueue_dma source(%dma_start3A_314 : memref<32xf32, #tpu.memory_space<vmem>>) target(%dma_start3A_313 : memref<32xf32, #tpu.memory_space<hbm>>) target_semaphore(%arg23 : memref<!tpu.dma_semaphore, #tpu.memory_space<semaphore_mem>>)
      %add3A_315 = arith.constant 1 : i32
      %add3A_316 = arith.addi %while3A_245, %add3A_315 : i32
      scf.yield %add3A_316 : i32
    }
    %dma_wait3A_116 = arith.constant 0 : i32
    %dma_wait3A_117 = arith.constant 0 : i32
    %dma_wait3A_118 = tpu.memref_slice %arg3[%dma_wait3A_116, %dma_wait3A_117] : memref<16x1000000xf32, #tpu.memory_space<hbm>> -> memref<16x768xf32, #tpu.memory_space<hbm>>
    %dma_wait3A_119 = arith.constant 0 : i32
    %dma_wait3A_120 = arith.constant 0 : i32
    %dma_wait3A_121 = tpu.memref_slice %arg3[%dma_wait3A_119, %dma_wait3A_120] : memref<16x1000000xf32, #tpu.memory_space<hbm>> -> memref<16x768xf32, #tpu.memory_space<hbm>>
    tpu.wait_dma2 semaphore(%arg19 : memref<!tpu.dma_semaphore, #tpu.memory_space<semaphore_mem>>) src(%dma_wait3A_121 : memref<16x768xf32, #tpu.memory_space<hbm>>) dst(%arg11 : memref<16x768xf32, #tpu.memory_space<vmem>>)
    %dma_wait3A_122 = arith.constant 0 : i32
    %dma_wait3A_123 = arith.constant 0 : i32
    %dma_wait3A_124 = tpu.memref_slice %arg4[%dma_wait3A_122, %dma_wait3A_123] : memref<16x1000000xf32, #tpu.memory_space<hbm>> -> memref<16x768xf32, #tpu.memory_space<hbm>>
    %dma_wait3A_125 = arith.constant 0 : i32
    %dma_wait3A_126 = arith.constant 0 : i32
    %dma_wait3A_127 = tpu.memref_slice %arg4[%dma_wait3A_125, %dma_wait3A_126] : memref<16x1000000xf32, #tpu.memory_space<hbm>> -> memref<16x768xf32, #tpu.memory_space<hbm>>
    tpu.wait_dma2 semaphore(%arg20 : memref<!tpu.dma_semaphore, #tpu.memory_space<semaphore_mem>>) src(%dma_wait3A_127 : memref<16x768xf32, #tpu.memory_space<hbm>>) dst(%arg12 : memref<16x768xf32, #tpu.memory_space<vmem>>)
    %add3A_128 = arith.constant 240 : i32
    %add3A_129 = arith.addi %mul3A_2, %add3A_128 : i32
    %min3A_130 = arith.constant 7807 : i32
    %min3A_131 = arith.minsi %add3A_129, %min3A_130 : i32
    %sub3A_132 = arith.subi %min3A_131, %mul3A_2 : i32
    %add3A_133 = arith.constant 15 : i32
    %add3A_134 = arith.addi %min3A_52, %add3A_133 : i32
    %jit3A_135 = arith.constant 16 : i32
    %div3A_136 = arith.divsi %add3A_134, %jit3A_135 : i32
    %sign3A_137 = arith.constant 0 : i32
    %sign3A_138 = arith.cmpi sgt, %add3A_134, %sign3A_137 : i32
    %sign3A_139 = arith.extui %sign3A_138 : i1 to i32
    %sign3A_140 = arith.constant 0 : i32
    %sign3A_141 = arith.cmpi slt, %add3A_134, %sign3A_140 : i32
    %sign3A_142 = arith.extui %sign3A_141 : i1 to i32
    %sign3A_143 = arith.subi %sign3A_139, %sign3A_142 : i32
    %sign3A_144 = arith.constant 0 : i32
    %sign3A_145 = arith.cmpi sgt, %jit3A_135, %sign3A_144 : i32
    %sign3A_146 = arith.extui %sign3A_145 : i1 to i32
    %sign3A_147 = arith.constant 0 : i32
    %sign3A_148 = arith.cmpi slt, %jit3A_135, %sign3A_147 : i32
    %sign3A_149 = arith.extui %sign3A_148 : i1 to i32
    %sign3A_150 = arith.subi %sign3A_146, %sign3A_149 : i32
    %ne3A_151 = arith.cmpi ne, %sign3A_143, %sign3A_150 : i32
    %rem3A_152 = arith.remsi %add3A_134, %jit3A_135 : i32
    %ne3A_153 = arith.constant 0 : i32
    %ne3A_154 = arith.cmpi ne, %rem3A_152, %ne3A_153 : i32
    %and3A_155 = arith.andi %ne3A_151, %ne3A_154 : i1
    %sub3A_156 = arith.constant 1 : i32
    %sub3A_157 = arith.subi %div3A_136, %sub3A_156 : i32
    %select_n3A_158 = arith.select %and3A_155, %sub3A_157, %div3A_136 : i32
    %while3A_159 = arith.constant 0 : i32
    %while3A_160 = arith.constant 0 : i32
    %while3A_161 = arith.subi %select_n3A_158, %while3A_159 : i32
    %while3A_162 = arith.addi %while3A_159, %while3A_161 : i32
    %while3A_163 = arith.constant 1 : i32
    %while3A_164 = arith.divsi %while3A_161, %while3A_163 : i32
    %while3A_165 = arith.muli %while3A_164, %while3A_163 : i32
    %while3A_166 = arith.addi %while3A_159, %while3A_165 : i32
    %while3A_167 = arith.constant 1 : i32
    %while3A_168 = scf.for %while3A_244 = %while3A_159 to %while3A_166 step %while3A_167 iter_args(%while3A_245 = %while3A_160) -> (i32)  : i32 {
      %mul3A_246 = arith.constant 16 : i32
      %mul3A_247 = arith.muli %while3A_244, %mul3A_246 : i32
      %get3A = arith.index_cast %mul3A_247 : i32 to index
      %get3A_248 = tpu.vector_load %arg7[%get3A] {strides = array<i32>} : memref<800xi32, #tpu.memory_space<vmem>>, vector<16xi32>,
      %shift_right_arithmetic3A = arith.constant 14 : i32
      %shift_right_arithmetic3A_249 = vector.broadcast %shift_right_arithmetic3A : i32 to vector<16xi32>
      %shift_right_arithmetic3A_250 = arith.shrsi %get3A_248, %shift_right_arithmetic3A_249 : vector<16xi32>
      %mul3A_251 = arith.constant 128 : i32
      %mul3A_252 = arith.muli %sub3A_132, %mul3A_251 : i32
      %ge3A = vector.broadcast %mul3A_252 : i32 to vector<16xi32>
      %ge3A_253 = arith.cmpi sge, %shift_right_arithmetic3A_250, %ge3A : vector<16xi32>
      %add3A_254 = arith.constant 6 : i32
      %add3A_255 = arith.addi %sub3A_132, %add3A_254 : i32
      %mul3A_256 = arith.constant 128 : i32
      %mul3A_257 = arith.muli %add3A_255, %mul3A_256 : i32
      %lt3A_258 = vector.broadcast %mul3A_257 : i32 to vector<16xi32>
      %lt3A_259 = arith.cmpi slt, %shift_right_arithmetic3A_250, %lt3A_258 : vector<16xi32>
      %and3A_260 = arith.andi %ge3A_253, %lt3A_259 : vector<16xi1>
      %mul3A_261 = arith.constant 16 : i32
      %mul3A_262 = arith.muli %while3A_244, %mul3A_261 : i32
      %add3A_263 = vector.broadcast %mul3A_262 : i32 to vector<16xi32>
      %add3A_264 = arith.addi %add3A_263, %iota3A : vector<16xi32>
      %lt3A_265 = vector.broadcast %min3A_52 : i32 to vector<16xi32>
      %lt3A_266 = arith.cmpi slt, %add3A_264, %lt3A_265 : vector<16xi32>
      %and3A_267 = arith.andi %and3A_260, %lt3A_266 : vector<16xi1>
      %swap3A = arith.index_cast %while3A_245 : i32 to index
      %swap3A_268 = tpu.vector_load %arg8[%swap3A] masked %and3A_267 {strides = array<i32>} : memref<800xi32, #tpu.memory_space<vmem>>, vector<16xi32>, vector<16xi1>
      tpu.vector_store %arg8[%swap3A], %get3A_248 masked %and3A_267 {strides = array<i32>} : memref<800xi32, #tpu.memory_space<vmem>>, vector<16xi32>, vector<16xi1>
      %all_reduce_population_count3A = tpu.all_reduce %and3A_267 {dim = 0 : i64, kind = #tpu.reduction_kind<sum>} : vector<16xi1> -> vector<16xi32>
      %slice3A = vector.extract_strided_slice %all_reduce_population_count3A {offsets = [0], sizes = [1], strides = [1]} : vector<16xi32> to vector<1xi32>
      %squeeze3A = vector.extract %slice3A[0] : i32 from vector<1xi32>
      %add3A_269 = arith.addi %while3A_245, %squeeze3A : i32
      scf.yield %add3A_269 : i32
    }
    %while3A_169 = arith.constant 1 : i32
    %while3A_170 = scf.for %while3A_244 = %while3A_166 to %while3A_162 step %while3A_169 iter_args(%while3A_245 = %while3A_168) -> (i32)  : i32 {
      %mul3A_246 = arith.constant 16 : i32
      %mul3A_247 = arith.muli %while3A_244, %mul3A_246 : i32
      %get3A = arith.index_cast %mul3A_247 : i32 to index
      %get3A_248 = tpu.vector_load %arg7[%get3A] {strides = array<i32>} : memref<800xi32, #tpu.memory_space<vmem>>, vector<16xi32>,
      %shift_right_arithmetic3A = arith.constant 14 : i32
      %shift_right_arithmetic3A_249 = vector.broadcast %shift_right_arithmetic3A : i32 to vector<16xi32>
      %shift_right_arithmetic3A_250 = arith.shrsi %get3A_248, %shift_right_arithmetic3A_249 : vector<16xi32>
      %mul3A_251 = arith.constant 128 : i32
      %mul3A_252 = arith.muli %sub3A_132, %mul3A_251 : i32
      %ge3A = vector.broadcast %mul3A_252 : i32 to vector<16xi32>
      %ge3A_253 = arith.cmpi sge, %shift_right_arithmetic3A_250, %ge3A : vector<16xi32>
      %add3A_254 = arith.constant 6 : i32
      %add3A_255 = arith.addi %sub3A_132, %add3A_254 : i32
      %mul3A_256 = arith.constant 128 : i32
      %mul3A_257 = arith.muli %add3A_255, %mul3A_256 : i32
      %lt3A_258 = vector.broadcast %mul3A_257 : i32 to vector<16xi32>
      %lt3A_259 = arith.cmpi slt, %shift_right_arithmetic3A_250, %lt3A_258 : vector<16xi32>
      %and3A_260 = arith.andi %ge3A_253, %lt3A_259 : vector<16xi1>
      %mul3A_261 = arith.constant 16 : i32
      %mul3A_262 = arith.muli %while3A_244, %mul3A_261 : i32
      %add3A_263 = vector.broadcast %mul3A_262 : i32 to vector<16xi32>
      %add3A_264 = arith.addi %add3A_263, %iota3A : vector<16xi32>
      %lt3A_265 = vector.broadcast %min3A_52 : i32 to vector<16xi32>
      %lt3A_266 = arith.cmpi slt, %add3A_264, %lt3A_265 : vector<16xi32>
      %and3A_267 = arith.andi %and3A_260, %lt3A_266 : vector<16xi1>
      %swap3A = arith.index_cast %while3A_245 : i32 to index
      %swap3A_268 = tpu.vector_load %arg8[%swap3A] masked %and3A_267 {strides = array<i32>} : memref<800xi32, #tpu.memory_space<vmem>>, vector<16xi32>, vector<16xi1>
      tpu.vector_store %arg8[%swap3A], %get3A_248 masked %and3A_267 {strides = array<i32>} : memref<800xi32, #tpu.memory_space<vmem>>, vector<16xi32>, vector<16xi1>
      %all_reduce_population_count3A = tpu.all_reduce %and3A_267 {dim = 0 : i64, kind = #tpu.reduction_kind<sum>} : vector<16xi1> -> vector<16xi32>
      %slice3A = vector.extract_strided_slice %all_reduce_population_count3A {offsets = [0], sizes = [1], strides = [1]} : vector<16xi32> to vector<1xi32>
      %squeeze3A = vector.extract %slice3A[0] : i32 from vector<1xi32>
      %add3A_269 = arith.addi %while3A_245, %squeeze3A : i32
      scf.yield %add3A_269 : i32
    }
    %while3A_171 = arith.constant 0 : i32
    %while3A_172 = arith.subi %while3A_170, %while3A_171 : i32
    %while3A_173 = arith.addi %while3A_171, %while3A_172 : i32
    %while3A_174 = arith.constant 1 : i32
    %while3A_175 = arith.divsi %while3A_172, %while3A_174 : i32
    %while3A_176 = arith.muli %while3A_175, %while3A_174 : i32
    %while3A_177 = arith.addi %while3A_171, %while3A_176 : i32
    %while3A_178 = arith.constant 1 : i32
    %while3A_179 = scf.for %while3A_244 = %while3A_171 to %while3A_177 step %while3A_178 iter_args(%while3A_245 = %while3A_115) -> (i32)  : i32 {
      %jit3A_246 = arith.constant 16 : i32
      %div3A_247 = arith.divsi %while3A_244, %jit3A_246 : i32
      %sign3A_248 = arith.constant 0 : i32
      %sign3A_249 = arith.cmpi sgt, %while3A_244, %sign3A_248 : i32
      %sign3A_250 = arith.extui %sign3A_249 : i1 to i32
      %sign3A_251 = arith.constant 0 : i32
      %sign3A_252 = arith.cmpi slt, %while3A_244, %sign3A_251 : i32
      %sign3A_253 = arith.extui %sign3A_252 : i1 to i32
      %sign3A_254 = arith.subi %sign3A_250, %sign3A_253 : i32
      %sign3A_255 = arith.constant 0 : i32
      %sign3A_256 = arith.cmpi sgt, %jit3A_246, %sign3A_255 : i32
      %sign3A_257 = arith.extui %sign3A_256 : i1 to i32
      %sign3A_258 = arith.constant 0 : i32
      %sign3A_259 = arith.cmpi slt, %jit3A_246, %sign3A_258 : i32
      %sign3A_260 = arith.extui %sign3A_259 : i1 to i32
      %sign3A_261 = arith.subi %sign3A_257, %sign3A_260 : i32
      %ne3A_262 = arith.cmpi ne, %sign3A_254, %sign3A_261 : i32
      %rem3A_263 = arith.remsi %while3A_244, %jit3A_246 : i32
      %ne3A_264 = arith.constant 0 : i32
      %ne3A_265 = arith.cmpi ne, %rem3A_263, %ne3A_264 : i32
      %and3A_266 = arith.andi %ne3A_262, %ne3A_265 : i1
      %sub3A_267 = arith.constant 1 : i32
      %sub3A_268 = arith.subi %div3A_247, %sub3A_267 : i32
      %select_n3A_269 = arith.select %and3A_266, %sub3A_268, %div3A_247 : i32
      %mul3A_270 = arith.constant 16 : i32
      %mul3A_271 = arith.muli %select_n3A_269, %mul3A_270 : i32
      %get3A = arith.index_cast %mul3A_271 : i32 to index
      %get3A_272 = tpu.vector_load %arg8[%get3A] {strides = array<i32>} : memref<800xi32, #tpu.memory_space<vmem>>, vector<16xi32>,
      %jit3A_273 = arith.constant 16 : i32
      %eq3A_274 = arith.constant 0 : i32
      %eq3A_275 = arith.cmpi eq, %jit3A_273, %eq3A_274 : i32
      %jit3A_276 = arith.constant 1 : i32
      %select_n3A_277 = arith.select %eq3A_275, %jit3A_276, %jit3A_273 : i32
      %rem3A_278 = arith.remsi %while3A_244, %select_n3A_277 : i32
      %ne3A_279 = arith.constant 0 : i32
      %ne3A_280 = arith.cmpi ne, %rem3A_278, %ne3A_279 : i32
      %lt3A_281 = arith.constant 0 : i32
      %lt3A_282 = arith.cmpi slt, %rem3A_278, %lt3A_281 : i32
      %lt3A_283 = arith.constant 0 : i32
      %lt3A_284 = arith.cmpi slt, %select_n3A_277, %lt3A_283 : i32
      %ne3A_285 = arith.xori %lt3A_282, %lt3A_284 : i1
      %and3A_286 = arith.andi %ne3A_285, %ne3A_280 : i1
      %add3A_287 = arith.addi %rem3A_278, %select_n3A_277 : i32
      %select_n3A_288 = arith.select %and3A_286, %add3A_287, %rem3A_278 : i32
      %broadcast_in_dim3A = vector.broadcast %select_n3A_288 : i32 to vector<16xi32>
      %reshape3A = vector.shape_cast %broadcast_in_dim3A : vector<16xi32> to vector<16x1xi32>
      %gather3A = vector.shape_cast %reshape3A : vector<16x1xi32> to vector<16xi32>
      %gather3A_289 = tpu.dynamic_gather %get3A_272[%gather3A] in [0] : vector<16xi32>, vector<16xi32> -> vector<16xi32>
      %shift_right_arithmetic3A = arith.constant 14 : i32
      %shift_right_arithmetic3A_290 = vector.broadcast %shift_right_arithmetic3A : i32 to vector<16xi32>
      %shift_right_arithmetic3A_291 = arith.shrsi %gather3A_289, %shift_right_arithmetic3A_290 : vector<16xi32>
      %mul3A_292 = arith.constant 128 : i32
      %mul3A_293 = arith.muli %sub3A_132, %mul3A_292 : i32
      %sub3A_294 = vector.broadcast %mul3A_293 : i32 to vector<16xi32>
      %sub3A_295 = arith.subi %shift_right_arithmetic3A_291, %sub3A_294 : vector<16xi32>
      %and3A_296 = arith.constant 16383 : i32
      %and3A_297 = vector.broadcast %and3A_296 : i32 to vector<16xi32>
      %and3A_298 = arith.andi %gather3A_289, %and3A_297 : vector<16xi32>
      %gather3A_299 = tpu.vector_load_idx %arg11[%iota3A, %sub3A_295] : memref<16x768xf32, #tpu.memory_space<vmem>>[vector<16xi32>, vector<16xi32>], vector<16xf32>,
      %gather3A_300 = tpu.vector_load_idx %arg12[%iota3A, %sub3A_295] : memref<16x768xf32, #tpu.memory_space<vmem>>[vector<16xi32>, vector<16xi32>], vector<16xf32>,
      %mul3A_301 = arith.constant 32 : i32
      %mul3A_302 = arith.muli %while3A_245, %mul3A_301 : i32
      %broadcast_in_dim3A_303 = vector.broadcast %mul3A_302 : i32 to vector<16xi32>
      %add3A_304 = arith.addi %broadcast_in_dim3A_303, %iota3A : vector<16xi32>
      tpu.vector_store_idx %arg15[%add3A_304], %gather3A_299 : memref<25600xf32, #tpu.memory_space<vmem>>[vector<16xi32>], vector<16xf32>,
      %add3A_305 = arith.constant 16 : i32
      %add3A_306 = vector.broadcast %add3A_305 : i32 to vector<16xi32>
      %add3A_307 = arith.addi %add3A_304, %add3A_306 : vector<16xi32>
      tpu.vector_store_idx %arg15[%add3A_307], %gather3A_300 : memref<25600xf32, #tpu.memory_space<vmem>>[vector<16xi32>], vector<16xf32>,
      %slice3A = vector.extract_strided_slice %and3A_298 {offsets = [0], sizes = [1], strides = [1]} : vector<16xi32> to vector<1xi32>
      %squeeze3A = vector.extract %slice3A[0] : i32 from vector<1xi32>
      %mul3A_308 = arith.constant 32 : i32
      %mul3A_309 = arith.muli %squeeze3A, %mul3A_308 : i32
      %multiple_of3A_310 = tpu.assume_multiple %mul3A_309, 32 : i32
      %dma_start3A_311 = tpu.memref_slice %arg15[%mul3A_302] : memref<25600xf32, #tpu.memory_space<vmem>> -> memref<32xf32, #tpu.memory_space<vmem>>
      %dma_start3A_312 = tpu.memref_slice %arg5[%multiple_of3A_310] : memref<524288xf32, #tpu.memory_space<hbm>> -> memref<32xf32, #tpu.memory_space<hbm>>
      %dma_start3A_313 = tpu.memref_slice %arg5[%multiple_of3A_310] : memref<524288xf32, #tpu.memory_space<hbm>> -> memref<32xf32, #tpu.memory_space<hbm>>
      %dma_start3A_314 = tpu.memref_slice %arg15[%mul3A_302] : memref<25600xf32, #tpu.memory_space<vmem>> -> memref<32xf32, #tpu.memory_space<vmem>>
      tpu.enqueue_dma source(%dma_start3A_314 : memref<32xf32, #tpu.memory_space<vmem>>) target(%dma_start3A_313 : memref<32xf32, #tpu.memory_space<hbm>>) target_semaphore(%arg23 : memref<!tpu.dma_semaphore, #tpu.memory_space<semaphore_mem>>)
      %add3A_315 = arith.constant 1 : i32
      %add3A_316 = arith.addi %while3A_245, %add3A_315 : i32
      scf.yield %add3A_316 : i32
    }
    %while3A_180 = arith.constant 1 : i32
    %while3A_181 = scf.for %while3A_244 = %while3A_177 to %while3A_173 step %while3A_180 iter_args(%while3A_245 = %while3A_179) -> (i32)  : i32 {
      %jit3A_246 = arith.constant 16 : i32
      %div3A_247 = arith.divsi %while3A_244, %jit3A_246 : i32
      %sign3A_248 = arith.constant 0 : i32
      %sign3A_249 = arith.cmpi sgt, %while3A_244, %sign3A_248 : i32
      %sign3A_250 = arith.extui %sign3A_249 : i1 to i32
      %sign3A_251 = arith.constant 0 : i32
      %sign3A_252 = arith.cmpi slt, %while3A_244, %sign3A_251 : i32
      %sign3A_253 = arith.extui %sign3A_252 : i1 to i32
      %sign3A_254 = arith.subi %sign3A_250, %sign3A_253 : i32
      %sign3A_255 = arith.constant 0 : i32
      %sign3A_256 = arith.cmpi sgt, %jit3A_246, %sign3A_255 : i32
      %sign3A_257 = arith.extui %sign3A_256 : i1 to i32
      %sign3A_258 = arith.constant 0 : i32
      %sign3A_259 = arith.cmpi slt, %jit3A_246, %sign3A_258 : i32
      %sign3A_260 = arith.extui %sign3A_259 : i1 to i32
      %sign3A_261 = arith.subi %sign3A_257, %sign3A_260 : i32
      %ne3A_262 = arith.cmpi ne, %sign3A_254, %sign3A_261 : i32
      %rem3A_263 = arith.remsi %while3A_244, %jit3A_246 : i32
      %ne3A_264 = arith.constant 0 : i32
      %ne3A_265 = arith.cmpi ne, %rem3A_263, %ne3A_264 : i32
      %and3A_266 = arith.andi %ne3A_262, %ne3A_265 : i1
      %sub3A_267 = arith.constant 1 : i32
      %sub3A_268 = arith.subi %div3A_247, %sub3A_267 : i32
      %select_n3A_269 = arith.select %and3A_266, %sub3A_268, %div3A_247 : i32
      %mul3A_270 = arith.constant 16 : i32
      %mul3A_271 = arith.muli %select_n3A_269, %mul3A_270 : i32
      %get3A = arith.index_cast %mul3A_271 : i32 to index
      %get3A_272 = tpu.vector_load %arg8[%get3A] {strides = array<i32>} : memref<800xi32, #tpu.memory_space<vmem>>, vector<16xi32>,
      %jit3A_273 = arith.constant 16 : i32
      %eq3A_274 = arith.constant 0 : i32
      %eq3A_275 = arith.cmpi eq, %jit3A_273, %eq3A_274 : i32
      %jit3A_276 = arith.constant 1 : i32
      %select_n3A_277 = arith.select %eq3A_275, %jit3A_276, %jit3A_273 : i32
      %rem3A_278 = arith.remsi %while3A_244, %select_n3A_277 : i32
      %ne3A_279 = arith.constant 0 : i32
      %ne3A_280 = arith.cmpi ne, %rem3A_278, %ne3A_279 : i32
      %lt3A_281 = arith.constant 0 : i32
      %lt3A_282 = arith.cmpi slt, %rem3A_278, %lt3A_281 : i32
      %lt3A_283 = arith.constant 0 : i32
      %lt3A_284 = arith.cmpi slt, %select_n3A_277, %lt3A_283 : i32
      %ne3A_285 = arith.xori %lt3A_282, %lt3A_284 : i1
      %and3A_286 = arith.andi %ne3A_285, %ne3A_280 : i1
      %add3A_287 = arith.addi %rem3A_278, %select_n3A_277 : i32
      %select_n3A_288 = arith.select %and3A_286, %add3A_287, %rem3A_278 : i32
      %broadcast_in_dim3A = vector.broadcast %select_n3A_288 : i32 to vector<16xi32>
      %reshape3A = vector.shape_cast %broadcast_in_dim3A : vector<16xi32> to vector<16x1xi32>
      %gather3A = vector.shape_cast %reshape3A : vector<16x1xi32> to vector<16xi32>
      %gather3A_289 = tpu.dynamic_gather %get3A_272[%gather3A] in [0] : vector<16xi32>, vector<16xi32> -> vector<16xi32>
      %shift_right_arithmetic3A = arith.constant 14 : i32
      %shift_right_arithmetic3A_290 = vector.broadcast %shift_right_arithmetic3A : i32 to vector<16xi32>
      %shift_right_arithmetic3A_291 = arith.shrsi %gather3A_289, %shift_right_arithmetic3A_290 : vector<16xi32>
      %mul3A_292 = arith.constant 128 : i32
      %mul3A_293 = arith.muli %sub3A_132, %mul3A_292 : i32
      %sub3A_294 = vector.broadcast %mul3A_293 : i32 to vector<16xi32>
      %sub3A_295 = arith.subi %shift_right_arithmetic3A_291, %sub3A_294 : vector<16xi32>
      %and3A_296 = arith.constant 16383 : i32
      %and3A_297 = vector.broadcast %and3A_296 : i32 to vector<16xi32>
      %and3A_298 = arith.andi %gather3A_289, %and3A_297 : vector<16xi32>
      %gather3A_299 = tpu.vector_load_idx %arg11[%iota3A, %sub3A_295] : memref<16x768xf32, #tpu.memory_space<vmem>>[vector<16xi32>, vector<16xi32>], vector<16xf32>,
      %gather3A_300 = tpu.vector_load_idx %arg12[%iota3A, %sub3A_295] : memref<16x768xf32, #tpu.memory_space<vmem>>[vector<16xi32>, vector<16xi32>], vector<16xf32>,
      %mul3A_301 = arith.constant 32 : i32
      %mul3A_302 = arith.muli %while3A_245, %mul3A_301 : i32
      %broadcast_in_dim3A_303 = vector.broadcast %mul3A_302 : i32 to vector<16xi32>
      %add3A_304 = arith.addi %broadcast_in_dim3A_303, %iota3A : vector<16xi32>
      tpu.vector_store_idx %arg15[%add3A_304], %gather3A_299 : memref<25600xf32, #tpu.memory_space<vmem>>[vector<16xi32>], vector<16xf32>,
      %add3A_305 = arith.constant 16 : i32
      %add3A_306 = vector.broadcast %add3A_305 : i32 to vector<16xi32>
      %add3A_307 = arith.addi %add3A_304, %add3A_306 : vector<16xi32>
      tpu.vector_store_idx %arg15[%add3A_307], %gather3A_300 : memref<25600xf32, #tpu.memory_space<vmem>>[vector<16xi32>], vector<16xf32>,
      %slice3A = vector.extract_strided_slice %and3A_298 {offsets = [0], sizes = [1], strides = [1]} : vector<16xi32> to vector<1xi32>
      %squeeze3A = vector.extract %slice3A[0] : i32 from vector<1xi32>
      %mul3A_308 = arith.constant 32 : i32
      %mul3A_309 = arith.muli %squeeze3A, %mul3A_308 : i32
      %multiple_of3A_310 = tpu.assume_multiple %mul3A_309, 32 : i32
      %dma_start3A_311 = tpu.memref_slice %arg15[%mul3A_302] : memref<25600xf32, #tpu.memory_space<vmem>> -> memref<32xf32, #tpu.memory_space<vmem>>
      %dma_start3A_312 = tpu.memref_slice %arg5[%multiple_of3A_310] : memref<524288xf32, #tpu.memory_space<hbm>> -> memref<32xf32, #tpu.memory_space<hbm>>
      %dma_start3A_313 = tpu.memref_slice %arg5[%multiple_of3A_310] : memref<524288xf32, #tpu.memory_space<hbm>> -> memref<32xf32, #tpu.memory_space<hbm>>
      %dma_start3A_314 = tpu.memref_slice %arg15[%mul3A_302] : memref<25600xf32, #tpu.memory_space<vmem>> -> memref<32xf32, #tpu.memory_space<vmem>>
      tpu.enqueue_dma source(%dma_start3A_314 : memref<32xf32, #tpu.memory_space<vmem>>) target(%dma_start3A_313 : memref<32xf32, #tpu.memory_space<hbm>>) target_semaphore(%arg23 : memref<!tpu.dma_semaphore, #tpu.memory_space<semaphore_mem>>)
      %add3A_315 = arith.constant 1 : i32
      %add3A_316 = arith.addi %while3A_245, %add3A_315 : i32
      scf.yield %add3A_316 : i32
    }
    %jit3A_182 = arith.constant 8 : i32
    %div3A_183 = arith.divsi %while3A_181, %jit3A_182 : i32
    %sign3A_184 = arith.constant 0 : i32
    %sign3A_185 = arith.cmpi sgt, %while3A_181, %sign3A_184 : i32
    %sign3A_186 = arith.extui %sign3A_185 : i1 to i32
    %sign3A_187 = arith.constant 0 : i32
    %sign3A_188 = arith.cmpi slt, %while3A_181, %sign3A_187 : i32
    %sign3A_189 = arith.extui %sign3A_188 : i1 to i32
    %sign3A_190 = arith.subi %sign3A_186, %sign3A_189 : i32
    %sign3A_191 = arith.constant 0 : i32
    %sign3A_192 = arith.cmpi sgt, %jit3A_182, %sign3A_191 : i32
    %sign3A_193 = arith.extui %sign3A_192 : i1 to i32
    %sign3A_194 = arith.constant 0 : i32
    %sign3A_195 = arith.cmpi slt, %jit3A_182, %sign3A_194 : i32
    %sign3A_196 = arith.extui %sign3A_195 : i1 to i32
    %sign3A_197 = arith.subi %sign3A_193, %sign3A_196 : i32
    %ne3A_198 = arith.cmpi ne, %sign3A_190, %sign3A_197 : i32
    %rem3A_199 = arith.remsi %while3A_181, %jit3A_182 : i32
    %ne3A_200 = arith.constant 0 : i32
    %ne3A_201 = arith.cmpi ne, %rem3A_199, %ne3A_200 : i32
    %and3A_202 = arith.andi %ne3A_198, %ne3A_201 : i1
    %sub3A_203 = arith.constant 1 : i32
    %sub3A_204 = arith.subi %div3A_183, %sub3A_203 : i32
    %select_n3A_205 = arith.select %and3A_202, %sub3A_204, %div3A_183 : i32
    %while3A_206 = arith.constant 0 : i32
    %while3A_207 = arith.constant 0 : i32
    %while3A_208 = arith.subi %select_n3A_205, %while3A_206 : i32
    %while3A_209 = arith.addi %while3A_206, %while3A_208 : i32
    %while3A_210 = arith.constant 1 : i32
    %while3A_211 = arith.divsi %while3A_208, %while3A_210 : i32
    %while3A_212 = arith.muli %while3A_211, %while3A_210 : i32
    %while3A_213 = arith.addi %while3A_206, %while3A_212 : i32
    %while3A_214 = arith.constant 1 : i32
    %while3A_215 = scf.for %while3A_244 = %while3A_206 to %while3A_213 step %while3A_214 iter_args(%while3A_245 = %while3A_207) -> (i32)  : i32 {
      %dma_wait3A_246 = arith.constant 0 : i32
      %dma_wait3A_247 = tpu.memref_slice %arg5[%dma_wait3A_246] : memref<524288xf32, #tpu.memory_space<hbm>> -> memref<256xf32, #tpu.memory_space<hbm>>
      %dma_wait3A_248 = arith.constant 0 : i32
      %dma_wait3A_249 = tpu.memref_slice %arg5[%dma_wait3A_248] : memref<524288xf32, #tpu.memory_space<hbm>> -> memref<256xf32, #tpu.memory_space<hbm>>
      tpu.wait_dma2 semaphore(%arg23 : memref<!tpu.dma_semaphore, #tpu.memory_space<semaphore_mem>>) src(%dma_wait3A_249 : memref<256xf32, #tpu.memory_space<hbm>>) dst(%arg16 : memref<256xf32, #tpu.memory_space<vmem>>)
      %while3A_250 = arith.constant 0 : i32
      scf.yield %while3A_250 : i32
    }
    %while3A_216 = arith.constant 1 : i32
    %while3A_217 = scf.for %while3A_244 = %while3A_213 to %while3A_209 step %while3A_216 iter_args(%while3A_245 = %while3A_215) -> (i32)  : i32 {
      %dma_wait3A_246 = arith.constant 0 : i32
      %dma_wait3A_247 = tpu.memref_slice %arg5[%dma_wait3A_246] : memref<524288xf32, #tpu.memory_space<hbm>> -> memref<256xf32, #tpu.memory_space<hbm>>
      %dma_wait3A_248 = arith.constant 0 : i32
      %dma_wait3A_249 = tpu.memref_slice %arg5[%dma_wait3A_248] : memref<524288xf32, #tpu.memory_space<hbm>> -> memref<256xf32, #tpu.memory_space<hbm>>
      tpu.wait_dma2 semaphore(%arg23 : memref<!tpu.dma_semaphore, #tpu.memory_space<semaphore_mem>>) src(%dma_wait3A_249 : memref<256xf32, #tpu.memory_space<hbm>>) dst(%arg16 : memref<256xf32, #tpu.memory_space<vmem>>)
      %while3A_250 = arith.constant 0 : i32
      scf.yield %while3A_250 : i32
    }
    %jit3A_218 = arith.constant 8 : i32
    %eq3A = arith.constant 0 : i32
    %eq3A_219 = arith.cmpi eq, %jit3A_218, %eq3A : i32
    %jit3A_220 = arith.constant 1 : i32
    %select_n3A_221 = arith.select %eq3A_219, %jit3A_220, %jit3A_218 : i32
    %rem3A_222 = arith.remsi %while3A_181, %select_n3A_221 : i32
    %ne3A_223 = arith.constant 0 : i32
    %ne3A_224 = arith.cmpi ne, %rem3A_222, %ne3A_223 : i32
    %lt3A = arith.constant 0 : i32
    %lt3A_225 = arith.cmpi slt, %rem3A_222, %lt3A : i32
    %lt3A_226 = arith.constant 0 : i32
    %lt3A_227 = arith.cmpi slt, %select_n3A_221, %lt3A_226 : i32
    %ne3A_228 = arith.xori %lt3A_225, %lt3A_227 : i1
    %and3A_229 = arith.andi %ne3A_228, %ne3A_224 : i1
    %add3A_230 = arith.addi %rem3A_222, %select_n3A_221 : i32
    %select_n3A_231 = arith.select %and3A_229, %add3A_230, %rem3A_222 : i32
    %while3A_232 = arith.constant 0 : i32
    %while3A_233 = arith.constant 0 : i32
    %while3A_234 = arith.subi %select_n3A_231, %while3A_232 : i32
    %while3A_235 = arith.addi %while3A_232, %while3A_234 : i32
    %while3A_236 = arith.constant 1 : i32
    %while3A_237 = arith.divsi %while3A_234, %while3A_236 : i32
    %while3A_238 = arith.muli %while3A_237, %while3A_236 : i32
    %while3A_239 = arith.addi %while3A_232, %while3A_238 : i32
    %while3A_240 = arith.constant 1 : i32
    %while3A_241 = scf.for %while3A_244 = %while3A_232 to %while3A_239 step %while3A_240 iter_args(%while3A_245 = %while3A_233) -> (i32)  : i32 {
      %dma_wait3A_246 = arith.constant 0 : i32
      %dma_wait3A_247 = tpu.memref_slice %arg16[%dma_wait3A_246] : memref<256xf32, #tpu.memory_space<vmem>> -> memref<32xf32, #tpu.memory_space<vmem>>
      %dma_wait3A_248 = arith.constant 0 : i32
      %dma_wait3A_249 = tpu.memref_slice %arg5[%dma_wait3A_248] : memref<524288xf32, #tpu.memory_space<hbm>> -> memref<32xf32, #tpu.memory_space<hbm>>
      %dma_wait3A_250 = arith.constant 0 : i32
      %dma_wait3A_251 = tpu.memref_slice %arg16[%dma_wait3A_250] : memref<256xf32, #tpu.memory_space<vmem>> -> memref<32xf32, #tpu.memory_space<vmem>>
      %dma_wait3A_252 = arith.constant 0 : i32
      %dma_wait3A_253 = tpu.memref_slice %arg5[%dma_wait3A_252] : memref<524288xf32, #tpu.memory_space<hbm>> -> memref<32xf32, #tpu.memory_space<hbm>>
      tpu.wait_dma2 semaphore(%arg23 : memref<!tpu.dma_semaphore, #tpu.memory_space<semaphore_mem>>) src(%dma_wait3A_253 : memref<32xf32, #tpu.memory_space<hbm>>) dst(%dma_wait3A_251 : memref<32xf32, #tpu.memory_space<vmem>>)
      %while3A_254 = arith.constant 0 : i32
      scf.yield %while3A_254 : i32
    }
    %while3A_242 = arith.constant 1 : i32
    %while3A_243 = scf.for %while3A_244 = %while3A_239 to %while3A_235 step %while3A_242 iter_args(%while3A_245 = %while3A_241) -> (i32)  : i32 {
      %dma_wait3A_246 = arith.constant 0 : i32
      %dma_wait3A_247 = tpu.memref_slice %arg16[%dma_wait3A_246] : memref<256xf32, #tpu.memory_space<vmem>> -> memref<32xf32, #tpu.memory_space<vmem>>
      %dma_wait3A_248 = arith.constant 0 : i32
      %dma_wait3A_249 = tpu.memref_slice %arg5[%dma_wait3A_248] : memref<524288xf32, #tpu.memory_space<hbm>> -> memref<32xf32, #tpu.memory_space<hbm>>
      %dma_wait3A_250 = arith.constant 0 : i32
      %dma_wait3A_251 = tpu.memref_slice %arg16[%dma_wait3A_250] : memref<256xf32, #tpu.memory_space<vmem>> -> memref<32xf32, #tpu.memory_space<vmem>>
      %dma_wait3A_252 = arith.constant 0 : i32
      %dma_wait3A_253 = tpu.memref_slice %arg5[%dma_wait3A_252] : memref<524288xf32, #tpu.memory_space<hbm>> -> memref<32xf32, #tpu.memory_space<hbm>>
      tpu.wait_dma2 semaphore(%arg23 : memref<!tpu.dma_semaphore, #tpu.memory_space<semaphore_mem>>) src(%dma_wait3A_253 : memref<32xf32, #tpu.memory_space<hbm>>) dst(%dma_wait3A_251 : memref<32xf32, #tpu.memory_space<vmem>>)
      %while3A_254 = arith.constant 0 : i32
      scf.yield %while3A_254 : i32
    }
    return
  }
}

module attributes {stable_mosaic.version = 14 : i64} {
  func.func @_tc_combine(%arg0: i32, %arg1: memref<512x4xf32, #tpu.memory_space<vmem>>, %arg2: memref<512x128xf32, #tpu.memory_space<vmem>>, %arg3: memref<512x4xf32, #tpu.memory_space<vmem>>) attributes {dimension_semantics = [#tpu.dimension_semantics<arbitrary>], iteration_bounds = array<i64: 8>, scalar_prefetch = 0 : i64, scratch_operands = 0 : i64, tpu.core_type = #tpu.core_type<tc>, window_params = [{transform_indices = @transform_0, window_bounds = array<i64: 512, 4>}, {transform_indices = @transform_1, window_bounds = array<i64: 512, 128>}, {transform_indices = @transform_2, window_bounds = array<i64: 512, 4>}]} {
    %iota3A = tpu.iota {dimensions = array<i32: 0>} : vector<128x4xi32>
    %iota3A_0 = tpu.iota {dimensions = array<i32: 1>} : vector<128x4xi32>
    %jit3A = arith.constant 32 : i32
    %div3A = vector.broadcast %jit3A : i32 to vector<128x4xi32>
    %div3A_1 = arith.divsi %iota3A, %div3A : vector<128x4xi32>
    %sign3A = arith.constant 0 : i32
    %sign3A_2 = vector.broadcast %sign3A : i32 to vector<128x4xi32>
    %sign3A_3 = arith.cmpi sgt, %iota3A, %sign3A_2 : vector<128x4xi32>
    %sign3A_4 = arith.extui %sign3A_3 : vector<128x4xi1> to vector<128x4xi32>
    %sign3A_5 = arith.constant 0 : i32
    %sign3A_6 = vector.broadcast %sign3A_5 : i32 to vector<128x4xi32>
    %sign3A_7 = arith.cmpi slt, %iota3A, %sign3A_6 : vector<128x4xi32>
    %sign3A_8 = arith.extui %sign3A_7 : vector<128x4xi1> to vector<128x4xi32>
    %sign3A_9 = arith.subi %sign3A_4, %sign3A_8 : vector<128x4xi32>
    %sign3A_10 = arith.constant 0 : i32
    %sign3A_11 = arith.cmpi sgt, %jit3A, %sign3A_10 : i32
    %sign3A_12 = arith.extui %sign3A_11 : i1 to i32
    %sign3A_13 = arith.constant 0 : i32
    %sign3A_14 = arith.cmpi slt, %jit3A, %sign3A_13 : i32
    %sign3A_15 = arith.extui %sign3A_14 : i1 to i32
    %sign3A_16 = arith.subi %sign3A_12, %sign3A_15 : i32
    %ne3A = vector.broadcast %sign3A_16 : i32 to vector<128x4xi32>
    %ne3A_17 = arith.cmpi ne, %sign3A_9, %ne3A : vector<128x4xi32>
    %rem3A = vector.broadcast %jit3A : i32 to vector<128x4xi32>
    %rem3A_18 = arith.remsi %iota3A, %rem3A : vector<128x4xi32>
    %ne3A_19 = arith.constant 0 : i32
    %ne3A_20 = vector.broadcast %ne3A_19 : i32 to vector<128x4xi32>
    %ne3A_21 = arith.cmpi ne, %rem3A_18, %ne3A_20 : vector<128x4xi32>
    %and3A = arith.andi %ne3A_17, %ne3A_21 : vector<128x4xi1>
    %sub3A = arith.constant 1 : i32
    %sub3A_22 = vector.broadcast %sub3A : i32 to vector<128x4xi32>
    %sub3A_23 = arith.subi %div3A_1, %sub3A_22 : vector<128x4xi32>
    %select_n3A = arith.select %and3A, %sub3A_23, %div3A_1 : vector<128x4xi1>, vector<128x4xi32>
    %eq3A = arith.cmpi eq, %select_n3A, %iota3A_0 : vector<128x4xi32>
    %convert_element_type3A = arith.extui %eq3A : vector<128x4xi1> to vector<128x4xi32>
    %convert_element_type3A_24 = arith.sitofp %convert_element_type3A : vector<128x4xi32> to vector<128x4xf32>
    %iota3A_25 = tpu.iota {dimensions = array<i32: 1>} : vector<4x128xi32>
    %iota3A_26 = tpu.iota {dimensions = array<i32: 0>} : vector<4x128xi32>
    %jit3A_27 = arith.constant 32 : i32
    %div3A_28 = vector.broadcast %jit3A_27 : i32 to vector<4x128xi32>
    %div3A_29 = arith.divsi %iota3A_25, %div3A_28 : vector<4x128xi32>
    %sign3A_30 = arith.constant 0 : i32
    %sign3A_31 = vector.broadcast %sign3A_30 : i32 to vector<4x128xi32>
    %sign3A_32 = arith.cmpi sgt, %iota3A_25, %sign3A_31 : vector<4x128xi32>
    %sign3A_33 = arith.extui %sign3A_32 : vector<4x128xi1> to vector<4x128xi32>
    %sign3A_34 = arith.constant 0 : i32
    %sign3A_35 = vector.broadcast %sign3A_34 : i32 to vector<4x128xi32>
    %sign3A_36 = arith.cmpi slt, %iota3A_25, %sign3A_35 : vector<4x128xi32>
    %sign3A_37 = arith.extui %sign3A_36 : vector<4x128xi1> to vector<4x128xi32>
    %sign3A_38 = arith.subi %sign3A_33, %sign3A_37 : vector<4x128xi32>
    %sign3A_39 = arith.constant 0 : i32
    %sign3A_40 = arith.cmpi sgt, %jit3A_27, %sign3A_39 : i32
    %sign3A_41 = arith.extui %sign3A_40 : i1 to i32
    %sign3A_42 = arith.constant 0 : i32
    %sign3A_43 = arith.cmpi slt, %jit3A_27, %sign3A_42 : i32
    %sign3A_44 = arith.extui %sign3A_43 : i1 to i32
    %sign3A_45 = arith.subi %sign3A_41, %sign3A_44 : i32
    %ne3A_46 = vector.broadcast %sign3A_45 : i32 to vector<4x128xi32>
    %ne3A_47 = arith.cmpi ne, %sign3A_38, %ne3A_46 : vector<4x128xi32>
    %rem3A_48 = vector.broadcast %jit3A_27 : i32 to vector<4x128xi32>
    %rem3A_49 = arith.remsi %iota3A_25, %rem3A_48 : vector<4x128xi32>
    %ne3A_50 = arith.constant 0 : i32
    %ne3A_51 = vector.broadcast %ne3A_50 : i32 to vector<4x128xi32>
    %ne3A_52 = arith.cmpi ne, %rem3A_49, %ne3A_51 : vector<4x128xi32>
    %and3A_53 = arith.andi %ne3A_47, %ne3A_52 : vector<4x128xi1>
    %sub3A_54 = arith.constant 1 : i32
    %sub3A_55 = vector.broadcast %sub3A_54 : i32 to vector<4x128xi32>
    %sub3A_56 = arith.subi %div3A_29, %sub3A_55 : vector<4x128xi32>
    %select_n3A_57 = arith.select %and3A_53, %sub3A_56, %div3A_29 : vector<4x128xi1>, vector<4x128xi32>
    %eq3A_58 = arith.cmpi eq, %select_n3A_57, %iota3A_26 : vector<4x128xi32>
    %convert_element_type3A_59 = arith.extui %eq3A_58 : vector<4x128xi1> to vector<4x128xi32>
    %convert_element_type3A_60 = arith.sitofp %convert_element_type3A_59 : vector<4x128xi32> to vector<4x128xf32>
    %get3A = arith.constant 0 : index
    %get3A_61 = arith.constant 0 : index
    %get3A_62 = vector.load %arg1[%get3A, %get3A_61] : memref<512x4xf32, #tpu.memory_space<vmem>>, vector<512x4xf32>
    %dot_general3A = arith.constant dense<0.000000e+00> : vector<512x128xf32>
    %dot_general3A_63 = tpu.matmul %get3A_62, %convert_element_type3A_60, %dot_general3A {dimension_numbers = #tpu.dot_dimension_numbers<[1], [0], [0], [1], [0, 0, 1, 1], [], []>, transpose_lhs_hint = false} : vector<512x4xf32>, vector<4x128xf32>, vector<512x128xf32> -> vector<512x128xf32>
    %iota3A_64 = tpu.iota {dimensions = array<i32: 1>} : vector<512x128xi32>
    %jit3A_65 = arith.constant 16 : i32
    %eq3A_66 = arith.constant 0 : i32
    %eq3A_67 = arith.cmpi eq, %jit3A_65, %eq3A_66 : i32
    %jit3A_68 = arith.constant 1 : i32
    %select_n3A_69 = arith.select %eq3A_67, %jit3A_68, %jit3A_65 : i32
    %rem3A_70 = vector.broadcast %select_n3A_69 : i32 to vector<512x128xi32>
    %rem3A_71 = arith.remsi %iota3A_64, %rem3A_70 : vector<512x128xi32>
    %ne3A_72 = arith.constant 0 : i32
    %ne3A_73 = vector.broadcast %ne3A_72 : i32 to vector<512x128xi32>
    %ne3A_74 = arith.cmpi ne, %rem3A_71, %ne3A_73 : vector<512x128xi32>
    %lt3A = arith.constant 0 : i32
    %lt3A_75 = vector.broadcast %lt3A : i32 to vector<512x128xi32>
    %lt3A_76 = arith.cmpi slt, %rem3A_71, %lt3A_75 : vector<512x128xi32>
    %lt3A_77 = arith.constant 0 : i32
    %lt3A_78 = arith.cmpi slt, %select_n3A_69, %lt3A_77 : i32
    %ne3A_79 = vector.broadcast %lt3A_78 : i1 to vector<512x128xi1>
    %ne3A_80 = vector.broadcast %ne3A_79 : vector<512x128xi1> to vector<512x128xi1>
    %ne3A_81 = arith.xori %lt3A_76, %ne3A_80 : vector<512x128xi1>
    %and3A_82 = arith.andi %ne3A_81, %ne3A_74 : vector<512x128xi1>
    %add3A = vector.broadcast %select_n3A_69 : i32 to vector<512x128xi32>
    %add3A_83 = arith.addi %rem3A_71, %add3A : vector<512x128xi32>
    %select_n3A_84 = arith.select %and3A_82, %add3A_83, %rem3A_71 : vector<512x128xi1>, vector<512x128xi32>
    %add3A_85 = arith.constant 1 : i32
    %add3A_86 = vector.broadcast %add3A_85 : i32 to vector<512x128xi32>
    %add3A_87 = arith.addi %select_n3A_84, %add3A_86 : vector<512x128xi32>
    %convert_element_type3A_88 = arith.sitofp %add3A_87 : vector<512x128xi32> to vector<512x128xf32>
    %mul3A = arith.mulf %convert_element_type3A_88, %dot_general3A_63 : vector<512x128xf32>
    %mul3A_89 = arith.constant 0.0172024239 : f32
    %mul3A_90 = vector.broadcast %mul3A_89 : f32 to vector<512x128xf32>
    %mul3A_91 = arith.mulf %mul3A_90, %mul3A : vector<512x128xf32>
    %jit3A_92 = arith.constant 32 : i32
    %eq3A_93 = arith.constant 0 : i32
    %eq3A_94 = arith.cmpi eq, %jit3A_92, %eq3A_93 : i32
    %jit3A_95 = arith.constant 1 : i32
    %select_n3A_96 = arith.select %eq3A_94, %jit3A_95, %jit3A_92 : i32
    %rem3A_97 = vector.broadcast %select_n3A_96 : i32 to vector<512x128xi32>
    %rem3A_98 = arith.remsi %iota3A_64, %rem3A_97 : vector<512x128xi32>
    %ne3A_99 = arith.constant 0 : i32
    %ne3A_100 = vector.broadcast %ne3A_99 : i32 to vector<512x128xi32>
    %ne3A_101 = arith.cmpi ne, %rem3A_98, %ne3A_100 : vector<512x128xi32>
    %lt3A_102 = arith.constant 0 : i32
    %lt3A_103 = vector.broadcast %lt3A_102 : i32 to vector<512x128xi32>
    %lt3A_104 = arith.cmpi slt, %rem3A_98, %lt3A_103 : vector<512x128xi32>
    %lt3A_105 = arith.constant 0 : i32
    %lt3A_106 = arith.cmpi slt, %select_n3A_96, %lt3A_105 : i32
    %ne3A_107 = vector.broadcast %lt3A_106 : i1 to vector<512x128xi1>
    %ne3A_108 = vector.broadcast %ne3A_107 : vector<512x128xi1> to vector<512x128xi1>
    %ne3A_109 = arith.xori %lt3A_104, %ne3A_108 : vector<512x128xi1>
    %and3A_110 = arith.andi %ne3A_109, %ne3A_101 : vector<512x128xi1>
    %add3A_111 = vector.broadcast %select_n3A_96 : i32 to vector<512x128xi32>
    %add3A_112 = arith.addi %rem3A_98, %add3A_111 : vector<512x128xi32>
    %select_n3A_113 = arith.select %and3A_110, %add3A_112, %rem3A_98 : vector<512x128xi1>, vector<512x128xi32>
    %lt3A_114 = arith.constant 16 : i32
    %lt3A_115 = vector.broadcast %lt3A_114 : i32 to vector<512x128xi32>
    %lt3A_116 = arith.cmpi slt, %select_n3A_113, %lt3A_115 : vector<512x128xi32>
    %cos3A = math.cos %mul3A_91 : vector<512x128xf32>
    %sin3A = math.sin %mul3A_91 : vector<512x128xf32>
    %select_n3A_117 = arith.select %lt3A_116, %cos3A, %sin3A : vector<512x128xi1>, vector<512x128xf32>
    %get3A_118 = arith.constant 0 : index
    %get3A_119 = arith.constant 0 : index
    %get3A_120 = vector.load %arg2[%get3A_118, %get3A_119] : memref<512x128xf32, #tpu.memory_space<vmem>>, vector<512x128xf32>
    %mul3A_121 = arith.mulf %select_n3A_117, %get3A_120 : vector<512x128xf32>
    %dot_general3A_122 = arith.constant dense<0.000000e+00> : vector<512x4xf32>
    %dot_general3A_123 = tpu.matmul %mul3A_121, %convert_element_type3A_24, %dot_general3A_122 {dimension_numbers = #tpu.dot_dimension_numbers<[1], [0], [0], [1], [0, 0, 1, 1], [], []>, transpose_lhs_hint = false} : vector<512x128xf32>, vector<128x4xf32>, vector<512x4xf32> -> vector<512x4xf32>
    %swap3A = arith.constant 0 : index
    %swap3A_124 = arith.constant 0 : index
    %swap3A_125 = vector.load %arg3[%swap3A, %swap3A_124] : memref<512x4xf32, #tpu.memory_space<vmem>>, vector<512x4xf32>
    tpu.vector_store %arg3[%swap3A, %swap3A_124], %dot_general3A_123 {strides = array<i32>} : memref<512x4xf32, #tpu.memory_space<vmem>>, vector<512x4xf32>,
    return
  }
  func.func @transform_0(%arg0: i32) -> (i32, i32) {
    %c0_i32 = arith.constant 0 : i32
    %c0_i32_0 = arith.constant 0 : i32
    return %arg0, %c0_i32 : i32, i32
  }
  func.func @transform_1(%arg0: i32) -> (i32, i32) {
    %c0_i32 = arith.constant 0 : i32
    %c0_i32_0 = arith.constant 0 : i32
    return %arg0, %c0_i32 : i32, i32
  }
  func.func @transform_2(%arg0: i32) -> (i32, i32) {
    %c0_i32 = arith.constant 0 : i32
    %c0_i32_0 = arith.constant 0 : i32
    return %arg0, %c0_i32 : i32, i32
  }
}

</mosaic_0001>

<sc_bundles>
// kernel: kernel.4.cloned.1.call-start
scs
__scs_entry_jumppad:
0x0: {  	(pc) =	sbr.rel $0x88, $3  }
0x1: {  	(tag) =	ssettag $0x0;
	lr =	simm.s32 $0x1  }
0x2: {  	[smem:$0x3F9D] =	sst lr;
	_ =	strace $0xD0000000  }
0x3: {  	_ = 	snop  }
0x4: {  	_ = 	snop  }
0x5: {  	_ = 	snop  }
0x6: {  	_ = 	snop  }
0x7: {  	_ = 	snop  }
__scs_overlays_trampoline_lowered:
0x8: {  	[smem:$0x3FAC] =	sst s0  }
0x9: {  	[smem:$0x3FAD] =	sst s1  }
0xa: {  	[smem:$0x3FAE] =	sst s2  }
0xb: {  	[smem:$0x3FAF] =	sst s3  }
0xc: {  	[smem:$0x3FB0] =	sst s4  }
0xd: {  	[smem:$0x3FB1] =	sst s5  }
0xe: {  	[smem:$0x3FB2] =	sst s6  }
0xf: {  	[smem:$0x3FB3] =	sst s7  }
0x10: {  	[smem:$0x3FB4] =	sst s8  }
0x11: {  	[smem:$0x3FB5] =	sst s9;
	s0 =	simm.s32 @!p0 $0x0  }
0x12: {  	s1 =	sld [smem:$0x3F9B];
	s0 =	simm.s32 @p0 $0x1  }
0x13: {  	[smem:$0x3FB6] =	sst s0;
	s0 =	simm.s32 @!p1 $0x0  }
0x14: {  	s2 =	sld [smem:$0x3F9A];
	s0 =	simm.s32 @p1 $0x1  }
0x15: {  	[smem:$0x3FB7] =	sst s0;
	s0 =	simm.s32 @!p2 $0x0  }
0x16: {  	s3 =	sld [smem:$0x3FDB];
	s0 =	simm.s32 @p2 $0x1  }
0x17: {  	s4 =	simm.s32 $0x1BF5;
	[smem:$0x3FB9] =	sst s0  }
0x18: {  	s0 =	sld [smem:$0x3F9C];
	_ =	swait.ge [sflag:s4], $0x0  }
0x19: {  	s7 =	sld [smem:$0x3F9D]  }
0x1a: {  	s8 =	sadd.s32 $0xFFFFE003, lr  }
0x1b: {  	s9 =	sadd.s32 $0xFFFFFEF7, lr;
	s5 =	simm.s32 $0xFFFFFFFF;
	p2 =	slt.u32 s8, $0xFFFFF086  }
0x1c: {  	p1 =	slt.u32 s9, $0xF7A;
	s5 =	simm.s32 @!p2 $0x0  }
0x1d: {  	s5 =	simm.s32 @p1 $0x1;
	p0 =	seq.s32 s7, s2  }
0x1e: {  	s7 =	smul.u32 @!p0 $0xF7A, s2;
	p2 =	seq.s32 @!p0 s5, $0x0  }
0x1f: {  	s9 =	smul.u32 $0xF7A, s1;
	s8 =	simm.s32 @!p0 $0x1BF5;
	p2 =	por !p2, p0  }
0x20: {  	[sflag:s8] =	ssyncset.s32 @!p0 $0xFFFFF086;
	s6 =	sadd.s32 @!p0 s3, s7;
	s7 =	simm.s32 @!p0 $0x108  }
0x21: {  	s3 =	sadd.s32 s3, s9;
	s6 =	sadd.s32 @!p0 $0x88, s6;
	s7 =	simm.s32 @p2 $0x1082  }
0x22: {  	[simem:s7], [sflag:s8] =	dma.local @!p0 [hbm:s6], $0xF7A  }
0x23: {  	s9 =	sor.u32 $0xD0000000, s2;
	s6 =	simm.s32 $0x108;
	_ =	swait.ge @!p0 [sflag:s8], $0x0  }
0x24: {  	s3 =	sadd.s32 $0x88, s3;
	s6 =	simm.s32 @!p1 $0x1082;
	[sflag:s4] =	ssyncset.s32 $0xFFFFF086  }
0x25: {  	[simem:s6], [sflag:s4] =	dma.local [hbm:s3], $0xF7A  }
0x26: {  	[smem:$0x3F9D] =	sst s1;
	(tag) =	ssettag s2;
	_ =	strace s9  }
0x27: {  	s1 =	sld [smem:$0x3FAD]  }
0x28: {  	s2 =	sld [smem:$0x3FAE]  }
0x29: {  	s4 =	sld [smem:$0x3FB0]  }
0x2a: {  	p0 =	seq.s32 s5, $0x0;
	s5 =	sld [smem:$0x3FB1]  }
0x2b: {  	s6 =	sld [smem:$0x3FB2]  }
0x2c: {  	s7 =	sld [smem:$0x3FB3]  }
0x2d: {  	s3 =	simm.s32 $0x108;
	s8 =	sld [smem:$0x3FB4]  }
0x2e: {  	s3 =	simm.s32 @!p0 $0x1082;
	s9 =	sld [smem:$0x3FB5]  }
0x2f: {  	lr =	sadd.s32 s0, s3;
	s0 =	sld [smem:$0x3FAC]  }
0x30: {  	s3 =	sld [smem:$0x3FAF]  }
0x31: {  	[smem:$0x3FB8] =	sst s10  }
0x32: {  	s10 =	sld [smem:$0x3FB6];
	_ =	sdelay $0x3  }
0x33: {  	p0 =	seq.s32 s10, $0x1;
	s10 =	sld [smem:$0x3FB8];
	_ =	sdelay $0x3  }
0x34: {  	[smem:$0x3FB8] =	sst s10  }
0x35: {  	s10 =	sld [smem:$0x3FB7];
	_ =	sdelay $0x3  }
0x36: {  	p1 =	seq.s32 s10, $0x1;
	s10 =	sld [smem:$0x3FB8];
	_ =	sdelay $0x3  }
0x37: {  	[smem:$0x3FB8] =	sst s10  }
0x38: {  	s10 =	sld [smem:$0x3FB9]  }
0x39: {  	_ = 	snop;
	(pc) =	sbr.ind lr, $3  }
0x3a: {  	_ = 	snop  }
0x3b: {  	_ = 	snop  }
0x3c: {  	p2 =	seq.s32 s10, $0x1;
	s10 =	sld [smem:$0x3FB8]  }
0x3d: {  	_ =	shalt  }
0x3e: {  	_ =	shalt  }
0x3f: {  	_ =	shalt  }
0x40: {  	_ =	shalt  }
0x41: {  	_ =	shalt  }
0x42: {  	_ =	shalt  }
0x43: {  	_ =	shalt  }
0x44: {  	_ =	shalt  }
0x45: {  	_ =	shalt  }
0x46: {  	_ =	shalt  }
0x47: {  	_ =	shalt  }
0x48: {  	_ =	shalt  }
0x49: {  	_ =	shalt  }
0x4a: {  	_ =	shalt  }
0x4b: {  	_ =	shalt  }
0x4c: {  	_ =	shalt  }
0x4d: {  	_ =	shalt  }
0x4e: {  	_ =	shalt  }
0x4f: {  	_ =	shalt  }
0x50: {  	_ =	shalt  }
0x51: {  	_ =	shalt  }
0x52: {  	_ =	shalt  }
0x53: {  	_ =	shalt  }
0x54: {  	_ =	shalt  }
0x55: {  	_ =	shalt  }
0x56: {  	_ =	shalt  }
0x57: {  	_ =	shalt  }
0x58: {  	_ =	shalt  }
0x59: {  	_ =	shalt  }
0x5a: {  	_ =	shalt  }
0x5b: {  	_ =	shalt  }
0x5c: {  	_ =	shalt  }
0x5d: {  	_ =	shalt  }
0x5e: {  	_ =	shalt  }
0x5f: {  	_ =	shalt  }
0x60: {  	_ =	shalt  }
0x61: {  	_ =	shalt  }
0x62: {  	_ =	shalt  }
0x63: {  	_ =	shalt  }
0x64: {  	_ =	shalt  }
0x65: {  	_ =	shalt  }
0x66: {  	_ =	shalt  }
0x67: {  	_ =	shalt  }
0x68: {  	_ =	shalt  }
0x69: {  	_ =	shalt  }
0x6a: {  	_ =	shalt  }
0x6b: {  	_ =	shalt  }
0x6c: {  	_ =	shalt  }
0x6d: {  	_ =	shalt  }
0x6e: {  	_ =	shalt  }
0x6f: {  	_ =	shalt  }
0x70: {  	_ =	shalt  }
0x71: {  	_ =	shalt  }
0x72: {  	_ =	shalt  }
0x73: {  	_ =	shalt  }
0x74: {  	_ =	shalt  }
0x75: {  	_ =	shalt  }
0x76: {  	_ =	shalt  }
0x77: {  	_ =	shalt  }
0x78: {  	_ =	shalt  }
0x79: {  	_ =	shalt  }
0x7a: {  	_ =	shalt  }
0x7b: {  	_ =	shalt  }
0x7c: {  	_ =	shalt  }
0x7d: {  	_ =	shalt  }
0x7e: {  	_ =	shalt  }
0x7f: {  	_ =	shalt  }
0x80: {  	_ =	shalt  }
0x81: {  	_ =	shalt  }
0x82: {  	_ =	shalt  }
0x83: {  	_ =	shalt  }
0x84: {  	_ =	shalt  }
0x85: {  	_ =	shalt  }
0x86: {  	_ =	shalt  }
0x87: {  	_ =	shalt  }
.Lfunc_end0:
.L_simem_size_0:
called_computation_lowered:
.L_overlay_start_0:
0x88: {  	s2 =	sld [smem:$0x3FD9]  }
0x89: {  	s3 =	sld [smem:$0x3FFE];
	_ =	sdelay $0x1  }
0x8a: {  	s1 =	srdreg.scid  }
0x8b: {  	s0 =	sand.u32 $0x1, s1  }
0x8c: {  	s17 =	sshll.u32 s0, $0xA;
	s2 =	sadd.s32 s3, s2  }
0x8d: {  	s2 =	sadd.s32 s2, s17  }
0x8e: {  	[smem:$0x3FC4] =	sst s2  }
0x8f: {  	_ = 	snop  }
0x90: {  	s2 =	sld [smem:$0x3FC8]  }
0x91: {  	s18 =	sld [smem:$0x3FC7]  }
0x92: {  	s4 =	sld [smem:$0x3FC6];
	(tm) =	ssettm $0x1  }
0x93: {  	s5 =	sld [smem:$0x3FFB];
	_ =	sdelay $0x3  }
0x94: {  	_ =	strace s5  }
0x95: {  	s5 =	sld [smem:$0x3FFC];
	_ =	sdelay $0x3  }
0x96: {  	_ =	strace s5  }
0x97: {  	s5 =	sld [smem:$0x3FFD];
	_ =	sdelay $0x3  }
0x98: {  	_ =	strace s5  }
0x99: {  	_ =	strace $0x8FFFFFFF  }
0x9a: {  	s19 =	sld [smem:$0x3FDB];
	_ =	sdelay $0x1  }
0x9b: {  	s6 =	simm.s32 $_scs_section_size  }
0x9c: {  	s7 =	simm.s32 $_size__tile_overlayer_lowered;
	s8 =	simm.s32 $_tile_overlayer_lowered  }
0x9d: {  	s22 =	simm.s32 $0x1BFF;
	s21 =	sshll.u32 s8, $0x1;
	s5 =	sadd.s32 s6, s19  }
0x9e: {  	s9 =	simm.s32 $0x0;
	s20 =	sshll.u32 s7, $0x1;
	s7 =	sadd.s32 s21, s5  }
0x9f: {  	[timem:s9], [sflag:s22] =	dma.local [hbm:s7], s20  }
0xa0: {  	_ =	swait.ge [sflag:s22], s20  }
0xa1: {  	s6 =	ssub.s32 $0x0, s20;
	[sflag:s22] =	ssyncset.done $0x0  }
0xa2: {  	[sflag:s22] =	ssyncadd.s32 s6;
	_ =	sdelay $0x1  }
0xa3: {  	s23 =	simm.s32 $0x1B8B  }
0xa4: {  	_ =	swait.ge [sflag:s23], $0x1  }
0xa5: {  	[sflag:s23] =	ssyncset.done $0x0  }
0xa6: {  	s25 =	simm.s32 $0x1B8E;
	s24 =	sld [smem:$0x3FFE];
	[sflag:s23] =	ssyncadd.s32 $0xFFFFFFFF  }
0xa7: {  	s26 =	simm.s32 $execute0_lowered;
	[smem:$0x3FD2] =	sst s25  }
0xa8: {  	s7 =	sshll.u32 s26, $0x1;
	_ =	strace $0x80000046;
	[dreg:$0x1] =	wrdreg $0xFFFFFFFF  }
0xa9: {  	s28 =	simm.s32 $_size_execute0_lowered;
	s5 =	sadd.s32 s5, s7;
	[dreg:$0x0] =	wrdreg $0x0  }
0xaa: {  	s7 =	sshll.u32 s28, $0x1;
	[dreg:$0x2] =	wrdreg s5  }
0xab: {  	[dreg:$0x3] =	wrdreg s7  }
0xac: {  	[dreg:$0x4] =	wrdreg $0xC0  }
0xad: {  	_ =	task [dreg:s9], $0x5FFFF  }
0xae: {  	[dreg:$0x1] =	wrdreg $0xFFFFFFFF  }
0xaf: {  	[dreg:$0x0] =	wrdreg $0x60  }
0xb0: {  	[dreg:$0x2] =	wrdreg s2  }
0xb1: {  	[dreg:$0x3] =	wrdreg s18  }
0xb2: {  	[dreg:$0x4] =	wrdreg s4  }
0xb3: {  	[dreg:$0x5] =	wrdreg s24  }
0xb4: {  	[dreg:$0x6] =	wrdreg $0x9  }
0xb5: {  	_ =	task.clear_ibuf [dreg:s9], $0x7FFFF;
	_ =	strace $0x90000046  }
0xb6: {  	s29 =	simm.s32 $0x9;
	_ =	strace $0x80000048  }
0xb7: {  	_ =	swait.ge [sflag:s29], $0x1  }
0xb8: {  	[sflag:s29] =	ssyncadd.s32 $0xFFFFFFFF  }
0xb9: {  	_ =	strace $0x90000048  }
0xba: {  	_ =	sfence  }
0xbb: {  	s30 =	sld [smem:$0x0];
	_ =	sdelay $0x2  }
0xbc: {  	s31 =	sshll.u32 s1, $0xD;
	s1 =	sshrl.u32 s1, $0x2  }
0xbd: {  	s3 =	sand.u32 $0x4000, s31;
	s1 =	sadd.s32 s1, s30  }
0xbe: {  	s0 =	sor.u32 s3, s0;
	s1 =	sshll.u32 s1, $0x11  }
0xbf: {  	s0 =	sor.u32 s1, s0  }
0xc0: {  	s0 =	sadd.s32 $0x8F2B, s0  }
0xc1: {  	[sflag:s0] =	ssyncadd.remote.s32 $0x1  }
0xc2: {  	_ =	sfence.sel $0xFFFF  }
0xc3: {  	[dreg:$0x0] =	wrdreg $0xFFFFFFFF;
	(pc) =	sbr.abs _section_cstart, $3  }
0xc4: {  	[dreg:$0x1] =	wrdreg $0xFFFFFFFF  }
0xc5: {  	_ =	task.clear_ibuf [dreg:s9], $0x2FFFF;
	_ =	strace $0x9FFFFFFF  }
0xc6: {  	(tm) =	ssettm $0x7FFFFFFF  }
0xc7: {  	_ =	shalt  }
tec
execute0_lowered:
.L_overlay_start_1:
0x0: {  	(tag) =	ssettag $0x1  }
0x1: {  	s4 =	rddreg [dreg:$0x1]  }
0x2: {  	s18 =	rddreg [dreg:$0x2]  }
0x3: {  	s0 =	rddreg [dreg:$0x3];
	s1 =	srdreg.scid  }
0x4: {  	s2 =	stileid.u32;
	s5 =	simm.s32 $0x0;
	s28 =	simm.s32 $0x13700  }
0x5: {  	s30 =	simm.s32 $0x1;
	s1 =	sand.u32 $0x1, s1;
	s2 =	sshll.u32 s2, $0x1  }
0x6: {  	s31 =	simm.s32 $0x2;
	s3 =	ssub.s32 $0x2, s1;
	s1 =	sor.u32 s1, s2  }
0x7: {  	[smem:$0x7FF] =	sst s5;
	s6 =	sadd.s32 $0x400, s0;
	s8 =	smul.u32 $0x7A80, s1  }
0x8: {  	_ =	strace $0x80000047;
	s10 =	sshrl.u32 s3, $0x1;
	s7 =	smul.u32 $0xF5, s1  }
0x9: {  	s1 =	smul.u32 $0xFFFF8580, s1;
	s11 =	ssub.s32 s3, s10;
	s10 =	simm.s32 $0x7  }
0xa: {  	v0 =	vimm.s32 $0x1B80;
	vm0 =	vcmask $0x300;
	s12 =	sadd.s32 s4, s8;
	s13 =	sadd.s32 $0x300, s8;
	s14 =	sadd.s32 s18, s8  }
0xb: {  	vm14 =	vcmask $0x704;
	v0 =	vsel vm0, $0x0, v0;
	s16 =	sadd.s32 $0x600, s8;
	s20 =	sadd.s32 $0x12, s7;
	[dreg:$0x5] =	wrdreg s12  }
0xc: {  	vm15 =	vcmask $0xB08;
	v0 =	vsel vm14, $0x80, v0;
	s21 =	sadd.s32 $0x6, s7;
	s22 =	sadd.s32 $0x18, s7;
	[dreg:$0x6] =	wrdreg s14  }
0xd: {  	vm4 =	vcmask $0xF0C;
	v0 =	vsel vm15, $0x100, v0;
	s23 =	sadd.s32 $0xC, s7;
	s24 =	smax.u32 s7, $0x1D95;
	[dreg:$0xb] =	wrdreg s20  }
0xe: {  	vm5 =	vcmask $0x1310;
	v0 =	vsel vm4, $0x180, v0;
	s25 =	sadd.s32 $0x1E, s7;
	s26 =	smax.u32 s7, $0x1D8F;
	[dreg:$0xc] =	wrdreg s21  }
0xf: {  	vm6 =	vcmask $0x1714;
	v0 =	vsel vm5, $0x200, v0;
	s0 =	smax.u32 s11, $0x1;
	s8 =	smov.u32 s4;
	[dreg:$0xd] =	wrdreg s22  }
0x10: {  	vm7 =	vcmask $0x1B18;
	s11 =	simm.s32 $0x0;
	s15 =	sadd.s32 s4, s13;
	[dreg:$0xe] =	wrdreg s23;
	v0 =	vsel vm6, $0x280, v0  }
0x11: {  	vm8 =	vcmask $0x1F1C;
	s2 =	sadd.s32 s18, s13;
	s17 =	sadd.s32 s4, s16;
	[dreg:$0xf] =	wrdreg s25;
	v0 =	vsel vm7, $0x300, v0  }
0x12: {  	vm9 =	vcmask $0x2320;
	s19 =	sadd.s32 s18, s16;
	s3 =	sshll.u32 s26, $0x7;
	[dreg:$0x10] =	wrdreg s0;
	v0 =	vsel vm8, $0x380, v0  }
0x13: {  	vm10 =	vcmask $0x2724;
	s20 =	simm.s32 $0x1800;
	s21 =	simm.s32 $0x7A1400;
	s22 =	simm.s32 $0x4700;
	v1 =	vsel vm9, $0x1800, v0  }
0x14: {  	vm11 =	vcmask $0x2B28;
	vm12 =	vcmask $0x2F2C;
	s23 =	simm.s32 $0x7700;
	s25 =	simm.s32 $0xD700;
	s26 =	simm.s32 $0x10700;
	v2 =	vsel vm10, $0x1880, v1  }
.Ltmp0:
0x15: {  	vm13 =	vcmask $0x3330;
	vm14 =	vcmask $0x3734;
	[dreg:$0x8] =	wrdreg s2;
	s2 =	sshll.u32 s24, $0x7;
	v3 =	vsel vm11, $0x1900, v2;
	(pc) =	sbr.rel .LBB2_1-.Ltmp0, $4  }
0x16: {  	vm15 =	vcmask $0x3B38;
	[dreg:$0x7] =	wrdreg s15;
	s29 =	ssub.s32 $0xF3F80, s2;
	s2 =	ssub.s32 $0xF4280, s2;
	v0 =	vmov s1;
	v4 =	vsel vm12, $0x1980, v3  }
0x17: {  	s0 =	simm.s32 $0x16700;
	[dreg:$0x9] =	wrdreg s17;
	s9 =	ssub.s32 $0xF3F80, s3;
	v1 =	vmov s29;
	v2 =	vmov s2;
	v5 =	vsel vm13, $0x1A00, v4  }
0x18: {  	[dreg:$0xa] =	wrdreg s19;
	s3 =	ssub.s32 $0xF4280, s3;
	s24 =	simm.s32 $0xA700;
	v3 =	vmov s9;
	v4 =	vlaneseq.u32;
	v6 =	vsel vm14, $0x1A80, v5  }
0x19: {  	s1 =	simm.s32 $0x4;
	s2 =	simm.s32 $0x3;
	s9 =	simm.s32 $0x6;
	v5 =	vmov s3;
	v7 =	vor.u32 $0x10, v4;
	v6 =	vsel vm15, $0x1B00, v6  }
.LBB2_91:
0x1a: {  	[sflag:s10] =	ssyncadd.s32 $0xFFFFFFE0  }
.LBB2_92:
0x1b: {  	s11 =	sadd.s32 $0x1, s11;
	s3 =	rddreg [dreg:$0x10]  }
0x1c: {  	p0 =	sne.s32 s11, s3  }
.Ltmp1:
0x1d: {  	_ = 	snop;
	(pc) =	sbr.rel @!p0 .LBB2_93-.Ltmp1, $1  }
0x1e: {  	_ =	sdelay $0x3  }
.LBB2_1:
0x1f: {  	[dreg:$0x11] =	wrdreg s11  }
0x20: {  	s3 =	rddreg [dreg:$0x5]  }
0x21: {  	[tilespmem:s22], [sflag:$0x1] =	stream.strided.gather [hbm4b:s3+s20], $0x3000, s21, s20, $0x38;
	[tilespmem:$0x1CB00] =	vst v63  }
0x22: {  	s13 =	rddreg [dreg:$0x6]  }
0x23: {  	[tilespmem:s23], [sflag:$0x2] =	stream.strided.gather [hbm4b:s13+s20], $0x3000, s21, s20, $0x38;
	[tilespmem:$0x1CB00] =	vst v63  }
0x24: {  	s14 =	rddreg [dreg:$0x7]  }
0x25: {  	[tilespmem:s24], [sflag:$0x3] =	stream.strided.gather [hbm4b:s14+s20], $0x3000, s21, s20, $0x38;
	[tilespmem:$0x1CB00] =	vst v63  }
0x26: {  	s15 =	rddreg [dreg:$0x8]  }
0x27: {  	[tilespmem:s25], [sflag:$0x4] =	stream.strided.gather [hbm4b:s15+s20], $0x3000, s21, s20, $0x38;
	[tilespmem:$0x1CB00] =	vst v63  }
0x28: {  	s16 =	rddreg [dreg:$0x9]  }
0x29: {  	[tilespmem:s26], [sflag:$0x5] =	stream.strided.gather [hbm4b:s16+s20], $0x3000, s21, s20, $0x38;
	[tilespmem:$0x1CB00] =	vst v63  }
0x2a: {  	s17 =	rddreg [dreg:$0xa]  }
0x2b: {  	[tilespmem:s28], [sflag:$0x6] =	stream.strided.gather [hbm4b:s17+s20], $0x3000, s21, s20, $0x38;
	[tilespmem:$0x1CB00] =	vst v63  }
0x2c: {  	s19 =	rddreg [dreg:$0x0];
	s29 =	simm.s32 $0x8  }
0x2d: {  	[tilespmem:s5], [sflag:$0x8] =	stream.linear.gather [hbm4b:s19+s5], $0x4000, $0x38;
	[tilespmem:$0x1CB00] =	vst v63  }
0x2e: {  	_ =	swait.ge [sflag:s29], $0x4000  }
0x2f: {  	[sflag:s29] =	ssyncset.done $0x0  }
0x30: {  	[sflag:s29] =	ssyncadd.s32 $0xFFFFC000  }
0x31: {  	v8 =	vld [tilespmem:s5+$0x0];
	_ =	sdelay $0x4  }
0x32: {  	v8 =	vadd.s32 v0, v8  }
0x33: {  	v9 =	vshll.u32 v8, $0xE;
	vm0 =	vlt.u32 v8, $0x7A80  }
0x34: {  	v8 =	vadd.s32 s5, v9;
	v9 =	vmpcnt.ones.xlane vm0;
	_ =	sdelay $0x1  }
0x35: {  	(v2sf) =	vpush v9, $0x0;
	_ =	sdelay $0x3  }
0x36: {  	p0 =	por $0x1, $0x1;
	s3 =	simm.s32 $0x0  }
0x37: {  	s3 =	simm.s32 @!p0 $0x310;
	v8 =	vadd.s32 v4, v8  }
0x38: {  	s11 =	simm.s32 $0x10;
	[tilespmem:s3+$0x4000] =	vst.msk vm0, v8  }
0x39: {  	s12 =	simm.s32 $0x0;
	s13 =	simm.s32 $0x20;
	s14 =	simm.s32 $0x10;
	v8 =	vld [tilespmem:s11+$0x0]  }
.LBB2_2:
0x3a: {  	p0 =	sne.s32 s13, $0x3FF0;
	_ =	sdelay $0x3  }
0x3b: {  	v8 =	vadd.s32 v0, v8  }
0x3c: {  	vm0 =	vlt.u32 v8, $0x7A80;
	v8 =	vshll.u32 v8, $0xE  }
0x3d: {  	v9 =	vmpcnt.ones.xlane vm0  }
0x3e: {  	s3 =	spop (v2sf)  }
0x3f: {  	(v2sf) =	vpush v9, $0x0;
	s12 =	sadd.s32 s12, s3  }
0x40: {  	v8 =	vadd.s32 s11, v8;
	s11 =	smov.u32 s13;
	p1 =	slt.s32 s12, $0x310;
	s3 =	smov.u32 s12  }
0x41: {  	v8 =	vadd.s32 v4, v8;
	s3 =	simm.s32 @!p1 $0x310  }
.Ltmp2:
0x42: {  	[tilespmem:s3+$0x4000] =	vst.msk vm0, v8;
	(pc) =	sbr.rel @p0 .LBB2_2-.Ltmp2, $3  }
0x43: {  	_ =	sdelay $0x1  }
0x44: {  	s14 =	sadd.s32 $0x10, s14  }
0x45: {  	s13 =	sadd.s32 $0x10, s13;
	v8 =	vld [tilespmem:s14+$0x0]  }
0x46: {  	_ =	sdelay $0x3  }
0x47: {  	v8 =	vadd.s32 v0, v8  }
0x48: {  	vm0 =	vlt.u32 v8, $0x7A80  }
0x49: {  	v9 =	vmpcnt.ones.xlane vm0;
	_ =	sdelay $0x1  }
0x4a: {  	(v2sf) =	vpush v9, $0x0;
	_ =	sdelay $0xd  }
0x4b: {  	s3 =	spop (v2sf)  }
0x4c: {  	s3 =	sadd.s32 s12, s3;
	s17 =	spop (v2sf)  }
0x4d: {  	s12 =	sadd.s32 s3, s17  }
0x4e: {  	p0 =	slt.s32 s12, $0x310  }
0x4f: {  	p1 =	slt.s32 s12, $0xFFFFFFF2;
	s12 =	simm.s32 @!p0 $0x310  }
0x50: {  	s13 =	sadd.s32 $0xF, s12  }
0x51: {  	s14 =	sand.u32 $0xF, s13  }
0x52: {  	s19 =	sshra.s32 s13, $0x1F;
	p6 =	sne.s32 s14, $0x0  }
0x53: {  	s14 =	sshrl.u32 s19, $0x1C;
	p0 =	por !p1, !p6  }
0x54: {  	v8 =	vshll.u32 v8, $0xE;
	s13 =	sadd.s32 s14, s13;
	s14 =	simm.s32 $0x1;
	p0 =	por !p0, !p0  }
0x55: {  	v8 =	vadd.s32 s11, v8;
	p1 =	slt.s32 s3, $0x310;
	s29 =	sshra.s32 s13, $0x4;
	s14 =	simm.s32 @!p0 $0x0  }
0x56: {  	v8 =	vadd.s32 v4, v8;
	s3 =	simm.s32 @!p1 $0x310;
	s13 =	ssub.s32 s29, s14  }
0x57: {  	s19 =	simm.s32 $0x0;
	[tilespmem:s3+$0x4000] =	vst.msk vm0, v8;
	v8 =	vmov s12;
	s12 =	simm.s32 $0x0;
	p0 =	slt.s32 s13, $0x1  }
.LBB2_4:
0x58: {  	_ =	swait.ge [sflag:s30], $0x3000  }
.Ltmp3:
0x59: {  	[sflag:s30] =	ssyncset.done $0x0;
	(pc) =	sbr.rel @p0 .LBB2_20-.Ltmp3, $4  }
0x5a: {  	[sflag:s30] =	ssyncadd.s32 $0xFFFFD000  }
0x5b: {  	_ =	swait.ge [sflag:s31], $0x3000  }
0x5c: {  	[sflag:s31] =	ssyncset.done $0x0  }
0x5d: {  	s29 =	smul.u32 $0x12, s19;
	[sflag:s31] =	ssyncadd.s32 $0xFFFFD000  }
0x5e: {  	_ = 	snop  }
0x5f: {  	s3 =	sadd.s32 s7, s29  }
0x60: {  	p2 =	seq.s32 s13, $0x1;
	p1 =	slt.s32 s3, $0x1E7F  }
.Ltmp4:
0x61: {  	s3 =	simm.s32 @!p1 $0x1E7F;
	(pc) =	sbr.rel @p2 .LBB2_6-.Ltmp4, $4  }
0x62: {  	s3 =	ssub.s32 s3, s7  }
0x63: {  	s3 =	sshll.u32 s3, $0x7  }
0x64: {  	s18 =	simm.s32 $0x4000;
	s11 =	sadd.s32 $0x300, s3  }
0x65: {  	v11 =	vld [tilespmem:s18+$0x0];
	p1 =	por $0x0, $0x0;
	v9 =	vmov s3;
	s3 =	sadd.s32 $0xFFFFFFFF, s13;
	v10 =	vmov s11;
	s11 =	simm.s32 $0x0  }
0x66: {  	_ =	sdelay $0x3  }
0x67: {  	v13 =	vor.u32 s11, v4;
	v12 =	vshra.s32 v11, $0xE  }
0x68: {  	vm1 =	vlt.s32 v13, v8;
	vm0 =	vlt.s32 v12, v10  }
0x69: {  	vm2 =	vge.s32 v12, v9;
	vm0 =	vmand vm0, vm1  }
0x6a: {  	vm0 =	vmand vm0, vm2  }
0x6b: {  	v63 =	vmpcnt.ones.xlane vm0;
	_ =	sdelay $0x1  }
0x6c: {  	p2 =	seq.s32 s3, $0x1;
	(v2sf) =	vpush v63, $0x0  }
.Ltmp5:
0x6d: {  	_ = 	snop;
	(pc) =	sbr.rel @p2 .LBB2_10-.Ltmp5, $3  }
0x6e: {  	_ =	sdelay $0x1  }
0x6f: {  	s16 =	simm.s32 $0x4010;
	s17 =	sadd.s32 $0xFFFFFFFF, s3;
	[tilespmem:s11+$0x4380] =	vst.msk vm0, v11  }
0x70: {  	p1 =	por $0x1, $0x1;
	s15 =	simm.s32 $0x0;
	s14 =	simm.s32 $0x0;
	v11 =	vld [tilespmem:s16+$0x0]  }
.LBB2_11:
0x71: {  	p2 =	seq.s32 s17, $0x1;
	_ =	sdelay $0x2  }
0x72: {  	s15 =	sadd.s32 $0x10, s15  }
0x73: {  	v13 =	vor.u32 s15, v4;
	v12 =	vshra.s32 v11, $0xE  }
0x74: {  	vm1 =	vlt.s32 v13, v8;
	vm0 =	vlt.s32 v12, v10  }
0x75: {  	vm2 =	vge.s32 v12, v9;
	vm0 =	vmand vm0, vm1  }
0x76: {  	vm0 =	vmand vm0, vm2  }
0x77: {  	v12 =	vmpcnt.ones.xlane vm0  }
0x78: {  	s3 =	spop (v2sf)  }
0x79: {  	(v2sf) =	vpush v12, $0x0;
	s14 =	sadd.s32 s14, s3  }
.Ltmp6:
0x7a: {  	[tilespmem:s14+$0x4380] =	vst.msk vm0, v11;
	(pc) =	sbr.rel @!p2 .LBB2_11-.Ltmp6, $3  }
0x7b: {  	_ =	sdelay $0x1  }
0x7c: {  	s16 =	sadd.s32 $0x10, s16  }
0x7d: {  	s17 =	sadd.s32 $0xFFFFFFFF, s17;
	v11 =	vld [tilespmem:s16+$0x0]  }
.LBB2_12:
0x7e: {  	_ =	sdelay $0x1  }
0x7f: {  	s3 =	sadd.s32 @p1 $0x10, s15;
	s15 =	simm.s32 $0x0  }
0x80: {  	s15 =	smov.u32 @p1 s3  }
0x81: {  	v13 =	vor.u32 s15, v4;
	v12 =	vshra.s32 v11, $0xE  }
0x82: {  	vm1 =	vlt.s32 v13, v8;
	vm0 =	vlt.s32 v12, v10  }
0x83: {  	vm2 =	vge.s32 v12, v9;
	vm0 =	vmand vm0, vm1  }
0x84: {  	vm0 =	vmand vm0, vm2  }
0x85: {  	v10 =	vmpcnt.ones.xlane vm0;
	_ =	sdelay $0x1  }
0x86: {  	(v2sf) =	vpush v10, $0x0;
	_ =	sdelay $0xc  }
0x87: {  	s3 =	spop @p1 (v2sf)  }
0x88: {  	s3 =	sadd.s32 @p1 s14, s3  }
0x89: {  	s11 =	smov.u32 @p1 s3;
	s18 =	spop (v2sf)  }
0x8a: {  	[tilespmem:s11+$0x4380] =	vst.msk vm0, v11;
	s15 =	sadd.s32 s11, s18  }
0x8b: {  	p1 =	slt.s32 s15, $0x1  }
.Ltmp7:
0x8c: {  	_ = 	snop;
	(pc) =	sbr.rel @p1 .LBB2_8-.Ltmp7, $1  }
0x8d: {  	_ =	sdelay $0x3  }
0x8e: {  	s4 =	simm.s32 $0x0  }
0x8f: {  	s14 =	sand.u32 $0xFFFFFFC0, s4  }
0x90: {  	s14 =	sshra.s32 s14, $0x2  }
0x91: {  	v10 =	vld [tilespmem:s14+$0x4380];
	_ =	sdelay $0x3  }
0x92: {  	v11 =	vmov s4  }
0x93: {  	v10 =	vperm.xlane v10, v11;
	_ =	sdelay $0x1  }
0x94: {  	(v2sf) =	vpush v10, $0x0;
	_ =	sdelay $0x4  }
0x95: {  	v10 =	vshra.s32 v10, $0xE  }
0x96: {  	v11 =	vsub.s32 v10, v9  }
0x97: {  	v11 =	vshll.u32 v11, $0x3  }
0x98: {  	v10 =	vand.u32 $0x7F, v10;
	v11 =	vand.u32 $0xFFFFFC00, v11  }
0x99: {  	v10 =	vor.u32 v10, v11  }
0x9a: {  	v10 =	vadd.s32 v6, v10  }
0x9b: {  	p2 =	sne.s32 s15, $0x1  }
.Ltmp8:
0x9c: {  	_ = 	snop;
	(pc) =	sbr.rel @!p2 .LBB2_14-.Ltmp8, $4  }
0x9d: {  	_ = 	snop  }
0x9e: {  	s3 =	sshll.u32 s12, $0x7;
	s11 =	sshll.u32 s12, $0x5;
	s17 =	simm.s32 $0x1  }
0x9f: {  	p1 =	por $0x0, $0x0;
	s3 =	sshra.s32 s3, $0x2;
	v11 =	vld.idx.msk [tilespmem:v10+s22+$0x0], $0xffff;
	s16 =	spop (v2sf)  }
0xa0: {  	v13 =	vor.u32 s11, v4;
	v12 =	vor.u32 s11, v7;
	s18 =	sadd.s32 $0x16700, s3;
	s14 =	simm.s32 $0x4;
	v10 =	vld.idx.msk [tilespmem:v10+s23+$0x0], $0xffff;
	s3 =	sshll.u32 s16, $0x2  }
0xa1: {  	_ =	sdelay $0x3  }
0xa2: {  	s14 =	sand.u32 $0xFFFFFFC0, s14;
	s3 =	sand.u32 $0xFFFC, s3;
	[tilespmem:v13+s0+$0x0] =	vst.idx.msk $0xffff, v11  }
0xa3: {  	s14 =	sshra.s32 s14, $0x2;
	s3 =	sadd.s32 s6, s3;
	[tilespmem:v12+s0+$0x0] =	vst.idx.msk $0xffff, v10  }
0xa4: {  	[hbm4b:s3+s5] =	stream.linear.scatter [tilespmem:s18], [sflag:$0x7], $0x20, $0x38;
	[tilespmem:$0x1CB00] =	vst v63  }
0xa5: {  	v10 =	vld [tilespmem:s14+$0x4380];
	_ =	sdelay $0x3  }
0xa6: {  	v11 =	vmov s17  }
0xa7: {  	v10 =	vperm.xlane v10, v11;
	_ =	sdelay $0x1  }
0xa8: {  	(v2sf) =	vpush v10, $0x0;
	_ =	sdelay $0x2  }
0xa9: {  	v10 =	vshra.s32 v10, $0xE  }
0xaa: {  	v11 =	vsub.s32 v10, v9  }
0xab: {  	v11 =	vshll.u32 v11, $0x3  }
0xac: {  	v10 =	vand.u32 $0x7F, v10;
	v11 =	vand.u32 $0xFFFFFC00, v11  }
0xad: {  	v10 =	vor.u32 v10, v11  }
0xae: {  	v10 =	vadd.s32 v6, v10;
	_ =	sdelay $0x2  }
0xaf: {  	p2 =	sne.s32 s15, $0x2  }
.Ltmp9:
0xb0: {  	s14 =	sadd.s32 $0x20, s11;
	(pc) =	sbr.rel @!p2 .LBB2_16-.Ltmp9, $4  }
0xb1: {  	v13 =	vor.u32 s14, v4;
	v11 =	vld.idx.msk [tilespmem:v10+s22+$0x0], $0xffff  }
0xb2: {  	v12 =	vor.u32 s14, v7;
	v10 =	vld.idx.msk [tilespmem:v10+s23+$0x0], $0xffff  }
0xb3: {  	p1 =	por $0x1, $0x1;
	s17 =	simm.s32 $0x2;
	s16 =	spop (v2sf)  }
0xb4: {  	s11 =	smov.u32 s18;
	s3 =	sshll.u32 s16, $0x2;
	s16 =	simm.s32 $0x8  }
.LBB2_17:
0xb5: {  	s4 =	sand.u32 $0xFFFFFFC0, s16;
	s3 =	sand.u32 $0xFFFC, s3;
	s8 =	smov.u32 s17  }
0xb6: {  	s11 =	sadd.s32 $0x20, s11;
	s4 =	sshra.s32 s4, $0x2;
	[tilespmem:v13+s0+$0x0] =	vst.idx.msk $0xffff, v11;
	s3 =	sadd.s32 s6, s3  }
0xb7: {  	[tilespmem:v12+s0+$0x0] =	vst.idx.msk $0xffff, v10;
	[hbm4b:s3+s5] =	stream.linear.scatter [tilespmem:s11], [sflag:$0x7], $0x20, $0x38  }
0xb8: {  	s17 =	sadd.s32 $0x1, s17;
	v10 =	vld [tilespmem:s4+$0x4380]  }
0xb9: {  	p2 =	sne.s32 s15, s17;
	_ =	sdelay $0x2  }
0xba: {  	v11 =	vmov s8  }
0xbb: {  	v10 =	vperm.xlane v10, v11;
	_ =	sdelay $0x1  }
0xbc: {  	(v2sf) =	vpush v10, $0x0;
	_ =	sdelay $0x1  }
0xbd: {  	v10 =	vshra.s32 v10, $0xE  }
0xbe: {  	v11 =	vsub.s32 v10, v9  }
0xbf: {  	v11 =	vshll.u32 v11, $0x3  }
0xc0: {  	v10 =	vand.u32 $0x7F, v10;
	v11 =	vand.u32 $0xFFFFFC00, v11  }
0xc1: {  	v10 =	vor.u32 v10, v11  }
0xc2: {  	v10 =	vadd.s32 v6, v10;
	_ =	sdelay $0x4  }
.Ltmp10:
0xc3: {  	s14 =	sadd.s32 $0x20, s14;
	v11 =	vld.idx.msk [tilespmem:v10+s22+$0x0], $0xffff;
	(pc) =	sbr.rel @p2 .LBB2_17-.Ltmp10, $4  }
0xc4: {  	v13 =	vor.u32 s14, v4;
	v10 =	vld.idx.msk [tilespmem:v10+s23+$0x0], $0xffff  }
0xc5: {  	v12 =	vor.u32 s14, v7  }
0xc6: {  	s3 =	spop (v2sf)  }
0xc7: {  	s16 =	sadd.s32 $0x4, s16;
	s3 =	sshll.u32 s3, $0x2  }
0xc8: {  	s8 =	rddreg [dreg:$0x1]  }
.LBB2_19:
0xc9: {  	_ =	sdelay $0x2  }
.Ltmp11:
0xca: {  	_ = 	snop;
	(pc) =	sbr.rel .LBB2_20-.Ltmp11, $4  }
0xcb: {  	s3 =	sand.u32 $0xFFFC, s3;
	[tilespmem:v13+s0+$0x0] =	vst.idx.msk $0xffff, v11;
	s4 =	sadd.s32 @p1 $0x20, s11  }
0xcc: {  	s3 =	sadd.s32 s6, s3;
	[tilespmem:v12+s0+$0x0] =	vst.idx.msk $0xffff, v10;
	s18 =	smov.u32 @p1 s4  }
0xcd: {  	[hbm4b:s3+s5] =	stream.linear.scatter [tilespmem:s18], [sflag:$0x7], $0x20, $0x38;
	[tilespmem:$0x1CB00] =	vst v63  }
0xce: {  	s12 =	sadd.s32 s17, s12;
	s18 =	rddreg [dreg:$0x2]  }
.LBB2_8:
0xcf: {  	s18 =	rddreg [dreg:$0x2]  }
.LBB2_20:
0xd0: {  	s3 =	rddreg [dreg:$0xb]  }
0xd1: {  	s3 =	sadd.s32 s29, s3  }
0xd2: {  	p1 =	slt.s32 s3, $0x1E7F  }
0xd3: {  	s3 =	simm.s32 @!p1 $0x1E7F  }
0xd4: {  	s3 =	sshll.u32 s3, $0x7  }
0xd5: {  	s4 =	sadd.s32 s8, s3  }
0xd6: {  	[tilespmem:s22], [sflag:$0x1] =	stream.strided.gather [hbm4b:s4+s20], $0x3000, s21, s20, $0x38;
	[tilespmem:$0x1CB00] =	vst v63  }
0xd7: {  	s3 =	sadd.s32 s18, s3  }
0xd8: {  	[tilespmem:s23], [sflag:$0x2] =	stream.strided.gather [hbm4b:s3+s20], $0x3000, s21, s20, $0x38;
	[tilespmem:$0x1CB00] =	vst v63  }
0xd9: {  	_ =	swait.ge [sflag:s2], $0x3000  }
.Ltmp12:
0xda: {  	[sflag:s2] =	ssyncset.done $0x0;
	(pc) =	sbr.rel @p0 .LBB2_35-.Ltmp12, $4  }
0xdb: {  	[sflag:s2] =	ssyncadd.s32 $0xFFFFD000  }
0xdc: {  	_ =	swait.ge [sflag:s1], $0x3000  }
0xdd: {  	[sflag:s1] =	ssyncset.done $0x0  }
0xde: {  	[sflag:s1] =	ssyncadd.s32 $0xFFFFD000  }
0xdf: {  	s3 =	rddreg [dreg:$0xc]  }
0xe0: {  	s3 =	sadd.s32 s29, s3  }
0xe1: {  	p2 =	seq.s32 s13, $0x1;
	p1 =	slt.s32 s3, $0x1E7F  }
.Ltmp13:
0xe2: {  	s3 =	simm.s32 @!p1 $0x1E7F;
	(pc) =	sbr.rel @p2 .LBB2_22-.Ltmp13, $4  }
0xe3: {  	s3 =	ssub.s32 s3, s7  }
0xe4: {  	s3 =	sshll.u32 s3, $0x7  }
0xe5: {  	s17 =	simm.s32 $0x4000;
	s4 =	sadd.s32 $0x300, s3  }
0xe6: {  	s11 =	simm.s32 $0x0;
	v11 =	vld [tilespmem:s17+$0x0];
	p1 =	por $0x0, $0x0;
	v9 =	vmov s3;
	s3 =	sadd.s32 $0xFFFFFFFF, s13;
	v10 =	vmov s4  }
0xe7: {  	_ =	sdelay $0x3  }
0xe8: {  	v13 =	vor.u32 s11, v4;
	v12 =	vshra.s32 v11, $0xE  }
0xe9: {  	vm1 =	vlt.s32 v13, v8;
	vm0 =	vlt.s32 v12, v10  }
0xea: {  	vm2 =	vge.s32 v12, v9;
	vm0 =	vmand vm0, vm1  }
0xeb: {  	vm0 =	vmand vm0, vm2  }
0xec: {  	v63 =	vmpcnt.ones.xlane vm0;
	_ =	sdelay $0x1  }
0xed: {  	p2 =	seq.s32 s3, $0x1;
	(v2sf) =	vpush v63, $0x0  }
.Ltmp14:
0xee: {  	_ = 	snop;
	(pc) =	sbr.rel @p2 .LBB2_27-.Ltmp14, $3  }
0xef: {  	_ =	sdelay $0x1  }
0xf0: {  	s16 =	simm.s32 $0x4010;
	s17 =	sadd.s32 $0xFFFFFFFF, s3;
	[tilespmem:s11+$0x4380] =	vst.msk vm0, v11  }
0xf1: {  	p1 =	por $0x1, $0x1;
	s15 =	simm.s32 $0x0;
	s14 =	simm.s32 $0x0;
	v11 =	vld [tilespmem:s16+$0x0]  }
.LBB2_28:
0xf2: {  	p2 =	seq.s32 s17, $0x1;
	_ =	sdelay $0x2  }
0xf3: {  	s15 =	sadd.s32 $0x10, s15  }
0xf4: {  	v13 =	vor.u32 s15, v4;
	v12 =	vshra.s32 v11, $0xE  }
0xf5: {  	vm1 =	vlt.s32 v13, v8;
	vm0 =	vlt.s32 v12, v10  }
0xf6: {  	vm2 =	vge.s32 v12, v9;
	vm0 =	vmand vm0, vm1  }
0xf7: {  	vm0 =	vmand vm0, vm2  }
0xf8: {  	v12 =	vmpcnt.ones.xlane vm0  }
0xf9: {  	s3 =	spop (v2sf)  }
0xfa: {  	(v2sf) =	vpush v12, $0x0;
	s14 =	sadd.s32 s14, s3  }
.Ltmp15:
0xfb: {  	[tilespmem:s14+$0x4380] =	vst.msk vm0, v11;
	(pc) =	sbr.rel @!p2 .LBB2_28-.Ltmp15, $3  }
0xfc: {  	_ =	sdelay $0x1  }
0xfd: {  	s16 =	sadd.s32 $0x10, s16  }
0xfe: {  	s17 =	sadd.s32 $0xFFFFFFFF, s17;
	v11 =	vld [tilespmem:s16+$0x0]  }
.LBB2_29:
0xff: {  	_ =	sdelay $0x1  }
0x100: {  	s3 =	sadd.s32 @p1 $0x10, s15;
	s4 =	simm.s32 $0x0  }
0x101: {  	s4 =	smov.u32 @p1 s3  }
0x102: {  	v13 =	vor.u32 s4, v4;
	v12 =	vshra.s32 v11, $0xE  }
0x103: {  	vm1 =	vlt.s32 v13, v8;
	vm0 =	vlt.s32 v12, v10  }
0x104: {  	vm2 =	vge.s32 v12, v9;
	vm0 =	vmand vm0, vm1  }
0x105: {  	vm0 =	vmand vm0, vm2  }
0x106: {  	v10 =	vmpcnt.ones.xlane vm0;
	_ =	sdelay $0x1  }
0x107: {  	(v2sf) =	vpush v10, $0x0;
	_ =	sdelay $0xc  }
0x108: {  	s3 =	spop @p1 (v2sf)  }
0x109: {  	s3 =	sadd.s32 @p1 s14, s3  }
0x10a: {  	s11 =	smov.u32 @p1 s3;
	s17 =	spop (v2sf)  }
0x10b: {  	[tilespmem:s11+$0x4380] =	vst.msk vm0, v11;
	s15 =	sadd.s32 s11, s17  }
0x10c: {  	p1 =	slt.s32 s15, $0x1  }
.Ltmp16:
0x10d: {  	_ = 	snop;
	(pc) =	sbr.rel @p1 .LBB2_35-.Ltmp16, $1  }
0x10e: {  	_ =	sdelay $0x3  }
0x10f: {  	s17 =	simm.s32 $0x0  }
0x110: {  	s4 =	sand.u32 $0xFFFFFFC0, s17  }
0x111: {  	s4 =	sshra.s32 s4, $0x2  }
0x112: {  	v10 =	vld [tilespmem:s4+$0x4380];
	_ =	sdelay $0x3  }
0x113: {  	v11 =	vmov s17  }
0x114: {  	v10 =	vperm.xlane v10, v11;
	_ =	sdelay $0x1  }
0x115: {  	(v2sf) =	vpush v10, $0x0;
	_ =	sdelay $0x4  }
0x116: {  	v10 =	vshra.s32 v10, $0xE  }
0x117: {  	v11 =	vsub.s32 v10, v9  }
0x118: {  	v11 =	vshll.u32 v11, $0x3  }
0x119: {  	v10 =	vand.u32 $0x7F, v10;
	v11 =	vand.u32 $0xFFFFFC00, v11  }
0x11a: {  	v10 =	vor.u32 v10, v11  }
0x11b: {  	v10 =	vadd.s32 v6, v10  }
0x11c: {  	p2 =	sne.s32 s15, $0x1  }
.Ltmp17:
0x11d: {  	_ = 	snop;
	(pc) =	sbr.rel @!p2 .LBB2_25-.Ltmp17, $4  }
0x11e: {  	_ = 	snop  }
0x11f: {  	s3 =	sshll.u32 s12, $0x7;
	s14 =	sshll.u32 s12, $0x5;
	s16 =	simm.s32 $0x4  }
0x120: {  	p1 =	por $0x0, $0x0;
	s3 =	sshra.s32 s3, $0x2;
	v11 =	vld.idx.msk [tilespmem:v10+s24+$0x0], $0xffff;
	s18 =	spop (v2sf)  }
0x121: {  	s17 =	simm.s32 $0x1;
	v13 =	vor.u32 s14, v4;
	v12 =	vor.u32 s14, v7;
	s11 =	sadd.s32 $0x16700, s3;
	v10 =	vld.idx.msk [tilespmem:v10+s25+$0x0], $0xffff;
	s3 =	sshll.u32 s18, $0x2  }
0x122: {  	_ =	sdelay $0x3  }
0x123: {  	s4 =	sand.u32 $0xFFFFFFC0, s16;
	s3 =	sand.u32 $0xFFFC, s3;
	[tilespmem:v13+s0+$0x0] =	vst.idx.msk $0xffff, v11  }
0x124: {  	s4 =	sshra.s32 s4, $0x2;
	s3 =	sadd.s32 s6, s3;
	[tilespmem:v12+s0+$0x0] =	vst.idx.msk $0xffff, v10  }
0x125: {  	[hbm4b:s3+s5] =	stream.linear.scatter [tilespmem:s11], [sflag:$0x7], $0x20, $0x38;
	[tilespmem:$0x1CB00] =	vst v63  }
0x126: {  	v10 =	vld [tilespmem:s4+$0x4380];
	_ =	sdelay $0x3  }
0x127: {  	v11 =	vmov s17  }
0x128: {  	v10 =	vperm.xlane v10, v11;
	_ =	sdelay $0x1  }
0x129: {  	(v2sf) =	vpush v10, $0x0;
	_ =	sdelay $0x2  }
0x12a: {  	v10 =	vshra.s32 v10, $0xE  }
0x12b: {  	v11 =	vsub.s32 v10, v9  }
0x12c: {  	v11 =	vshll.u32 v11, $0x3  }
0x12d: {  	v10 =	vand.u32 $0x7F, v10;
	v11 =	vand.u32 $0xFFFFFC00, v11  }
0x12e: {  	v10 =	vor.u32 v10, v11  }
0x12f: {  	v10 =	vadd.s32 v6, v10;
	_ =	sdelay $0x2  }
0x130: {  	p2 =	sne.s32 s15, $0x2  }
.Ltmp18:
0x131: {  	s14 =	sadd.s32 $0x20, s14;
	(pc) =	sbr.rel @!p2 .LBB2_31-.Ltmp18, $4  }
0x132: {  	v13 =	vor.u32 s14, v4;
	v11 =	vld.idx.msk [tilespmem:v10+s24+$0x0], $0xffff  }
0x133: {  	v12 =	vor.u32 s14, v7;
	v10 =	vld.idx.msk [tilespmem:v10+s25+$0x0], $0xffff  }
0x134: {  	s16 =	simm.s32 $0x8;
	p1 =	por $0x1, $0x1;
	s18 =	spop (v2sf)  }
0x135: {  	s17 =	simm.s32 $0x2;
	s3 =	sshll.u32 s18, $0x2;
	s18 =	smov.u32 s11  }
.LBB2_32:
0x136: {  	s4 =	sand.u32 $0xFFFFFFC0, s16;
	s3 =	sand.u32 $0xFFFC, s3;
	s8 =	smov.u32 s17  }
0x137: {  	s18 =	sadd.s32 $0x20, s18;
	s4 =	sshra.s32 s4, $0x2;
	[tilespmem:v13+s0+$0x0] =	vst.idx.msk $0xffff, v11;
	s3 =	sadd.s32 s6, s3  }
0x138: {  	[tilespmem:v12+s0+$0x0] =	vst.idx.msk $0xffff, v10;
	[hbm4b:s3+s5] =	stream.linear.scatter [tilespmem:s18], [sflag:$0x7], $0x20, $0x38  }
0x139: {  	s17 =	sadd.s32 $0x1, s17;
	v10 =	vld [tilespmem:s4+$0x4380]  }
0x13a: {  	p2 =	sne.s32 s15, s17;
	_ =	sdelay $0x2  }
0x13b: {  	v11 =	vmov s8  }
0x13c: {  	v10 =	vperm.xlane v10, v11;
	_ =	sdelay $0x1  }
0x13d: {  	(v2sf) =	vpush v10, $0x0;
	_ =	sdelay $0x1  }
0x13e: {  	v10 =	vshra.s32 v10, $0xE  }
0x13f: {  	v11 =	vsub.s32 v10, v9  }
0x140: {  	v11 =	vshll.u32 v11, $0x3  }
0x141: {  	v10 =	vand.u32 $0x7F, v10;
	v11 =	vand.u32 $0xFFFFFC00, v11  }
0x142: {  	v10 =	vor.u32 v10, v11  }
0x143: {  	v10 =	vadd.s32 v6, v10;
	_ =	sdelay $0x4  }
.Ltmp19:
0x144: {  	s14 =	sadd.s32 $0x20, s14;
	v11 =	vld.idx.msk [tilespmem:v10+s24+$0x0], $0xffff;
	(pc) =	sbr.rel @p2 .LBB2_32-.Ltmp19, $4  }
0x145: {  	v13 =	vor.u32 s14, v4;
	v10 =	vld.idx.msk [tilespmem:v10+s25+$0x0], $0xffff  }
0x146: {  	v12 =	vor.u32 s14, v7  }
0x147: {  	s3 =	spop (v2sf)  }
0x148: {  	s16 =	sadd.s32 $0x4, s16;
	s3 =	sshll.u32 s3, $0x2  }
0x149: {  	s8 =	rddreg [dreg:$0x1]  }
.LBB2_34:
0x14a: {  	_ =	sdelay $0x3  }
0x14b: {  	s3 =	sand.u32 $0xFFFC, s3;
	[tilespmem:v13+s0+$0x0] =	vst.idx.msk $0xffff, v11;
	s4 =	sadd.s32 @p1 $0x20, s18;
	s12 =	sadd.s32 s17, s12  }
0x14c: {  	s18 =	rddreg [dreg:$0x2];
	s3 =	sadd.s32 s6, s3;
	[tilespmem:v12+s0+$0x0] =	vst.idx.msk $0xffff, v10;
	s11 =	smov.u32 @p1 s4  }
0x14d: {  	[hbm4b:s3+s5] =	stream.linear.scatter [tilespmem:s11], [sflag:$0x7], $0x20, $0x38;
	[tilespmem:$0x1CB00] =	vst v63  }
.LBB2_35:
0x14e: {  	s3 =	rddreg [dreg:$0xd]  }
0x14f: {  	s3 =	sadd.s32 s29, s3  }
0x150: {  	p1 =	slt.s32 s3, $0x1E7F  }
0x151: {  	s3 =	simm.s32 @!p1 $0x1E7F  }
0x152: {  	s3 =	sshll.u32 s3, $0x7  }
0x153: {  	s4 =	sadd.s32 s8, s3  }
0x154: {  	[tilespmem:s24], [sflag:$0x3] =	stream.strided.gather [hbm4b:s4+s20], $0x3000, s21, s20, $0x38;
	[tilespmem:$0x1CB00] =	vst v63  }
0x155: {  	s17 =	simm.s32 $0x5;
	s3 =	sadd.s32 s18, s3  }
0x156: {  	[tilespmem:s25], [sflag:$0x4] =	stream.strided.gather [hbm4b:s3+s20], $0x3000, s21, s20, $0x38;
	[tilespmem:$0x1CB00] =	vst v63  }
0x157: {  	_ =	swait.ge [sflag:s17], $0x3000  }
.Ltmp20:
0x158: {  	[sflag:s17] =	ssyncset.done $0x0;
	(pc) =	sbr.rel @p0 .LBB2_50-.Ltmp20, $4  }
0x159: {  	[sflag:s17] =	ssyncadd.s32 $0xFFFFD000  }
0x15a: {  	_ =	swait.ge [sflag:s9], $0x3000  }
0x15b: {  	[sflag:s9] =	ssyncset.done $0x0  }
0x15c: {  	[sflag:s9] =	ssyncadd.s32 $0xFFFFD000  }
0x15d: {  	s3 =	rddreg [dreg:$0xe]  }
0x15e: {  	s3 =	sadd.s32 s29, s3  }
0x15f: {  	p2 =	seq.s32 s13, $0x1;
	p1 =	slt.s32 s3, $0x1E7F  }
.Ltmp21:
0x160: {  	s3 =	simm.s32 @!p1 $0x1E7F;
	(pc) =	sbr.rel @p2 .LBB2_37-.Ltmp21, $4  }
0x161: {  	s3 =	ssub.s32 s3, s7  }
0x162: {  	s3 =	sshll.u32 s3, $0x7  }
0x163: {  	s17 =	simm.s32 $0x4000;
	s4 =	sadd.s32 $0x300, s3  }
0x164: {  	s11 =	simm.s32 $0x0;
	v11 =	vld [tilespmem:s17+$0x0];
	p1 =	por $0x0, $0x0;
	v9 =	vmov s3;
	s3 =	sadd.s32 $0xFFFFFFFF, s13;
	v10 =	vmov s4  }
0x165: {  	_ =	sdelay $0x3  }
0x166: {  	v13 =	vor.u32 s11, v4;
	v12 =	vshra.s32 v11, $0xE  }
0x167: {  	vm1 =	vlt.s32 v13, v8;
	vm0 =	vlt.s32 v12, v10  }
0x168: {  	vm2 =	vge.s32 v12, v9;
	vm0 =	vmand vm0, vm1  }
0x169: {  	vm0 =	vmand vm0, vm2  }
0x16a: {  	v63 =	vmpcnt.ones.xlane vm0;
	_ =	sdelay $0x1  }
0x16b: {  	p2 =	seq.s32 s3, $0x1;
	(v2sf) =	vpush v63, $0x0  }
.Ltmp22:
0x16c: {  	_ = 	snop;
	(pc) =	sbr.rel @p2 .LBB2_42-.Ltmp22, $3  }
0x16d: {  	_ =	sdelay $0x1  }
0x16e: {  	s16 =	simm.s32 $0x4010;
	s17 =	sadd.s32 $0xFFFFFFFF, s3;
	[tilespmem:s11+$0x4380] =	vst.msk vm0, v11  }
0x16f: {  	p1 =	por $0x1, $0x1;
	s15 =	simm.s32 $0x0;
	s14 =	simm.s32 $0x0;
	v11 =	vld [tilespmem:s16+$0x0]  }
.LBB2_43:
0x170: {  	p2 =	seq.s32 s17, $0x1;
	_ =	sdelay $0x2  }
0x171: {  	s15 =	sadd.s32 $0x10, s15  }
0x172: {  	v13 =	vor.u32 s15, v4;
	v12 =	vshra.s32 v11, $0xE  }
0x173: {  	vm1 =	vlt.s32 v13, v8;
	vm0 =	vlt.s32 v12, v10  }
0x174: {  	vm2 =	vge.s32 v12, v9;
	vm0 =	vmand vm0, vm1  }
0x175: {  	vm0 =	vmand vm0, vm2  }
0x176: {  	v12 =	vmpcnt.ones.xlane vm0  }
0x177: {  	s3 =	spop (v2sf)  }
0x178: {  	(v2sf) =	vpush v12, $0x0;
	s14 =	sadd.s32 s14, s3  }
.Ltmp23:
0x179: {  	[tilespmem:s14+$0x4380] =	vst.msk vm0, v11;
	(pc) =	sbr.rel @!p2 .LBB2_43-.Ltmp23, $3  }
0x17a: {  	_ =	sdelay $0x1  }
0x17b: {  	s16 =	sadd.s32 $0x10, s16  }
0x17c: {  	s17 =	sadd.s32 $0xFFFFFFFF, s17;
	v11 =	vld [tilespmem:s16+$0x0]  }
.LBB2_44:
0x17d: {  	_ =	sdelay $0x1  }
0x17e: {  	s3 =	sadd.s32 @p1 $0x10, s15;
	s4 =	simm.s32 $0x0  }
0x17f: {  	s4 =	smov.u32 @p1 s3  }
0x180: {  	v13 =	vor.u32 s4, v4;
	v12 =	vshra.s32 v11, $0xE  }
0x181: {  	vm1 =	vlt.s32 v13, v8;
	vm0 =	vlt.s32 v12, v10  }
0x182: {  	vm2 =	vge.s32 v12, v9;
	vm0 =	vmand vm0, vm1  }
0x183: {  	vm0 =	vmand vm0, vm2  }
0x184: {  	v10 =	vmpcnt.ones.xlane vm0;
	_ =	sdelay $0x1  }
0x185: {  	(v2sf) =	vpush v10, $0x0;
	_ =	sdelay $0xc  }
0x186: {  	s3 =	spop @p1 (v2sf)  }
0x187: {  	s3 =	sadd.s32 @p1 s14, s3  }
0x188: {  	s11 =	smov.u32 @p1 s3;
	s17 =	spop (v2sf)  }
0x189: {  	[tilespmem:s11+$0x4380] =	vst.msk vm0, v11;
	s15 =	sadd.s32 s11, s17  }
0x18a: {  	p1 =	slt.s32 s15, $0x1  }
.Ltmp24:
0x18b: {  	_ = 	snop;
	(pc) =	sbr.rel @p1 .LBB2_50-.Ltmp24, $1  }
0x18c: {  	_ =	sdelay $0x3  }
0x18d: {  	s17 =	simm.s32 $0x0  }
0x18e: {  	s4 =	sand.u32 $0xFFFFFFC0, s17  }
0x18f: {  	s4 =	sshra.s32 s4, $0x2  }
0x190: {  	v10 =	vld [tilespmem:s4+$0x4380];
	_ =	sdelay $0x3  }
0x191: {  	v11 =	vmov s17  }
0x192: {  	v10 =	vperm.xlane v10, v11;
	_ =	sdelay $0x1  }
0x193: {  	(v2sf) =	vpush v10, $0x0;
	_ =	sdelay $0x4  }
0x194: {  	v10 =	vshra.s32 v10, $0xE  }
0x195: {  	v11 =	vsub.s32 v10, v9  }
0x196: {  	v11 =	vshll.u32 v11, $0x3  }
0x197: {  	v10 =	vand.u32 $0x7F, v10;
	v11 =	vand.u32 $0xFFFFFC00, v11  }
0x198: {  	v10 =	vor.u32 v10, v11  }
0x199: {  	v10 =	vadd.s32 v6, v10  }
0x19a: {  	p2 =	sne.s32 s15, $0x1  }
.Ltmp25:
0x19b: {  	_ = 	snop;
	(pc) =	sbr.rel @!p2 .LBB2_40-.Ltmp25, $4  }
0x19c: {  	_ = 	snop  }
0x19d: {  	s3 =	sshll.u32 s12, $0x7;
	s14 =	sshll.u32 s12, $0x5;
	s16 =	simm.s32 $0x4  }
0x19e: {  	p1 =	por $0x0, $0x0;
	s3 =	sshra.s32 s3, $0x2;
	v11 =	vld.idx.msk [tilespmem:v10+s26+$0x0], $0xffff;
	s18 =	spop (v2sf)  }
0x19f: {  	s17 =	simm.s32 $0x1;
	v13 =	vor.u32 s14, v4;
	v12 =	vor.u32 s14, v7;
	s11 =	sadd.s32 $0x16700, s3;
	v10 =	vld.idx.msk [tilespmem:v10+s28+$0x0], $0xffff;
	s3 =	sshll.u32 s18, $0x2  }
0x1a0: {  	_ =	sdelay $0x3  }
0x1a1: {  	s4 =	sand.u32 $0xFFFFFFC0, s16;
	s3 =	sand.u32 $0xFFFC, s3;
	[tilespmem:v13+s0+$0x0] =	vst.idx.msk $0xffff, v11  }
0x1a2: {  	s4 =	sshra.s32 s4, $0x2;
	s3 =	sadd.s32 s6, s3;
	[tilespmem:v12+s0+$0x0] =	vst.idx.msk $0xffff, v10  }
0x1a3: {  	[hbm4b:s3+s5] =	stream.linear.scatter [tilespmem:s11], [sflag:$0x7], $0x20, $0x38;
	[tilespmem:$0x1CB00] =	vst v63  }
0x1a4: {  	v10 =	vld [tilespmem:s4+$0x4380];
	_ =	sdelay $0x3  }
0x1a5: {  	v11 =	vmov s17  }
0x1a6: {  	v10 =	vperm.xlane v10, v11;
	_ =	sdelay $0x1  }
0x1a7: {  	(v2sf) =	vpush v10, $0x0;
	_ =	sdelay $0x2  }
0x1a8: {  	v10 =	vshra.s32 v10, $0xE  }
0x1a9: {  	v11 =	vsub.s32 v10, v9  }
0x1aa: {  	v11 =	vshll.u32 v11, $0x3  }
0x1ab: {  	v10 =	vand.u32 $0x7F, v10;
	v11 =	vand.u32 $0xFFFFFC00, v11  }
0x1ac: {  	v10 =	vor.u32 v10, v11  }
0x1ad: {  	v10 =	vadd.s32 v6, v10;
	_ =	sdelay $0x2  }
0x1ae: {  	p2 =	sne.s32 s15, $0x2  }
.Ltmp26:
0x1af: {  	s14 =	sadd.s32 $0x20, s14;
	(pc) =	sbr.rel @!p2 .LBB2_46-.Ltmp26, $4  }
0x1b0: {  	v13 =	vor.u32 s14, v4;
	v11 =	vld.idx.msk [tilespmem:v10+s26+$0x0], $0xffff  }
0x1b1: {  	v12 =	vor.u32 s14, v7;
	v10 =	vld.idx.msk [tilespmem:v10+s28+$0x0], $0xffff  }
0x1b2: {  	s16 =	simm.s32 $0x8;
	p1 =	por $0x1, $0x1;
	s18 =	spop (v2sf)  }
0x1b3: {  	s17 =	simm.s32 $0x2;
	s3 =	sshll.u32 s18, $0x2;
	s18 =	smov.u32 s11  }
.LBB2_47:
0x1b4: {  	s4 =	sand.u32 $0xFFFFFFC0, s16;
	s3 =	sand.u32 $0xFFFC, s3;
	s8 =	smov.u32 s17  }
0x1b5: {  	s18 =	sadd.s32 $0x20, s18;
	s4 =	sshra.s32 s4, $0x2;
	[tilespmem:v13+s0+$0x0] =	vst.idx.msk $0xffff, v11;
	s3 =	sadd.s32 s6, s3  }
0x1b6: {  	[tilespmem:v12+s0+$0x0] =	vst.idx.msk $0xffff, v10;
	[hbm4b:s3+s5] =	stream.linear.scatter [tilespmem:s18], [sflag:$0x7], $0x20, $0x38  }
0x1b7: {  	s17 =	sadd.s32 $0x1, s17;
	v10 =	vld [tilespmem:s4+$0x4380]  }
0x1b8: {  	p2 =	sne.s32 s15, s17;
	_ =	sdelay $0x2  }
0x1b9: {  	v11 =	vmov s8  }
0x1ba: {  	v10 =	vperm.xlane v10, v11;
	_ =	sdelay $0x1  }
0x1bb: {  	(v2sf) =	vpush v10, $0x0;
	_ =	sdelay $0x1  }
0x1bc: {  	v10 =	vshra.s32 v10, $0xE  }
0x1bd: {  	v11 =	vsub.s32 v10, v9  }
0x1be: {  	v11 =	vshll.u32 v11, $0x3  }
0x1bf: {  	v10 =	vand.u32 $0x7F, v10;
	v11 =	vand.u32 $0xFFFFFC00, v11  }
0x1c0: {  	v10 =	vor.u32 v10, v11  }
0x1c1: {  	v10 =	vadd.s32 v6, v10;
	_ =	sdelay $0x4  }
.Ltmp27:
0x1c2: {  	s14 =	sadd.s32 $0x20, s14;
	v11 =	vld.idx.msk [tilespmem:v10+s26+$0x0], $0xffff;
	(pc) =	sbr.rel @p2 .LBB2_47-.Ltmp27, $4  }
0x1c3: {  	v13 =	vor.u32 s14, v4;
	v10 =	vld.idx.msk [tilespmem:v10+s28+$0x0], $0xffff  }
0x1c4: {  	v12 =	vor.u32 s14, v7  }
0x1c5: {  	s3 =	spop (v2sf)  }
0x1c6: {  	s16 =	sadd.s32 $0x4, s16;
	s3 =	sshll.u32 s3, $0x2  }
0x1c7: {  	s8 =	rddreg [dreg:$0x1]  }
.LBB2_49:
0x1c8: {  	_ =	sdelay $0x3  }
0x1c9: {  	s3 =	sand.u32 $0xFFFC, s3;
	[tilespmem:v13+s0+$0x0] =	vst.idx.msk $0xffff, v11;
	s4 =	sadd.s32 @p1 $0x20, s18;
	s12 =	sadd.s32 s17, s12  }
0x1ca: {  	s18 =	rddreg [dreg:$0x2];
	s3 =	sadd.s32 s6, s3;
	[tilespmem:v12+s0+$0x0] =	vst.idx.msk $0xffff, v10;
	s11 =	smov.u32 @p1 s4  }
0x1cb: {  	[hbm4b:s3+s5] =	stream.linear.scatter [tilespmem:s11], [sflag:$0x7], $0x20, $0x38;
	[tilespmem:$0x1CB00] =	vst v63  }
.LBB2_50:
0x1cc: {  	p1 =	seq.s32 s19, $0xC  }
.Ltmp28:
0x1cd: {  	_ = 	snop;
	(pc) =	sbr.rel @p1 .LBB2_52-.Ltmp28, $1  }
0x1ce: {  	_ =	sdelay $0x3  }
0x1cf: {  	s3 =	rddreg [dreg:$0xf]  }
0x1d0: {  	s3 =	sadd.s32 s29, s3  }
0x1d1: {  	p1 =	slt.s32 s3, $0x1E7F  }
0x1d2: {  	s3 =	simm.s32 @!p1 $0x1E7F  }
.Ltmp29:
0x1d3: {  	s3 =	sshll.u32 s3, $0x7;
	(pc) =	sbr.rel .LBB2_4-.Ltmp29, $4  }
0x1d4: {  	s4 =	sadd.s32 s8, s3  }
0x1d5: {  	[tilespmem:s26], [sflag:$0x5] =	stream.strided.gather [hbm4b:s4+s20], $0x3000, s21, s20, $0x38;
	[tilespmem:$0x1CB00] =	vst v63  }
0x1d6: {  	s19 =	sadd.s32 $0x1, s19;
	s3 =	sadd.s32 s18, s3  }
0x1d7: {  	[tilespmem:s28], [sflag:$0x6] =	stream.strided.gather [hbm4b:s3+s20], $0x3000, s21, s20, $0x38;
	[tilespmem:$0x1CB00] =	vst v63  }
.LBB2_6:
.Ltmp30:
0x1d8: {  	(pc) =	sbr.rel .LBB2_12-.Ltmp30, $2  }
0x1d9: {  	_ =	sdelay $0x2  }
0x1da: {  	s15 =	simm.s32 $0x0;
	s14 =	simm.s32 $0x0  }
.LBB2_22:
.Ltmp31:
0x1db: {  	(pc) =	sbr.rel .LBB2_29-.Ltmp31, $2  }
0x1dc: {  	_ =	sdelay $0x2  }
0x1dd: {  	s15 =	simm.s32 $0x0;
	s14 =	simm.s32 $0x0  }
.LBB2_37:
.Ltmp32:
0x1de: {  	(pc) =	sbr.rel .LBB2_44-.Ltmp32, $2  }
0x1df: {  	_ =	sdelay $0x2  }
0x1e0: {  	s15 =	simm.s32 $0x0;
	s14 =	simm.s32 $0x0  }
.LBB2_10:
.Ltmp33:
0x1e1: {  	(pc) =	sbr.rel .LBB2_12-.Ltmp33, $2  }
0x1e2: {  	_ =	sdelay $0x2  }
0x1e3: {  	s15 =	simm.s32 $0x0;
	s14 =	simm.s32 $0x0  }
.LBB2_27:
.Ltmp34:
0x1e4: {  	(pc) =	sbr.rel .LBB2_29-.Ltmp34, $2  }
0x1e5: {  	_ =	sdelay $0x2  }
0x1e6: {  	s15 =	simm.s32 $0x0;
	s14 =	simm.s32 $0x0  }
.LBB2_42:
.Ltmp35:
0x1e7: {  	(pc) =	sbr.rel .LBB2_44-.Ltmp35, $2  }
0x1e8: {  	_ =	sdelay $0x2  }
0x1e9: {  	s15 =	simm.s32 $0x0;
	s14 =	simm.s32 $0x0  }
.LBB2_14:
.Ltmp36:
0x1ea: {  	(pc) =	sbr.rel .LBB2_19-.Ltmp36, $2  }
0x1eb: {  	_ =	sdelay $0x2  }
0x1ec: {  	s11 =	smov.u32 s18  }
.LBB2_25:
.Ltmp37:
0x1ed: {  	(pc) =	sbr.rel .LBB2_34-.Ltmp37, $2  }
0x1ee: {  	_ =	sdelay $0x2  }
0x1ef: {  	s18 =	smov.u32 s11  }
.LBB2_40:
.Ltmp38:
0x1f0: {  	(pc) =	sbr.rel .LBB2_49-.Ltmp38, $2  }
0x1f1: {  	_ =	sdelay $0x2  }
0x1f2: {  	s18 =	smov.u32 s11  }
.LBB2_16:
.Ltmp39:
0x1f3: {  	(pc) =	sbr.rel .LBB2_19-.Ltmp39, $2  }
0x1f4: {  	_ =	sdelay $0x2  }
0x1f5: {  	s17 =	simm.s32 $0x2;
	s11 =	smov.u32 s18;
	s8 =	rddreg [dreg:$0x1]  }
.LBB2_31:
.Ltmp40:
0x1f6: {  	(pc) =	sbr.rel .LBB2_34-.Ltmp40, $2  }
0x1f7: {  	_ =	sdelay $0x2  }
0x1f8: {  	s17 =	simm.s32 $0x2;
	s18 =	smov.u32 s11;
	s8 =	rddreg [dreg:$0x1]  }
.LBB2_46:
.Ltmp41:
0x1f9: {  	(pc) =	sbr.rel .LBB2_49-.Ltmp41, $2  }
0x1fa: {  	_ =	sdelay $0x2  }
0x1fb: {  	s17 =	simm.s32 $0x2;
	s18 =	smov.u32 s11;
	s8 =	rddreg [dreg:$0x1]  }
.LBB2_52:
0x1fc: {  	_ =	swait.ge [sflag:s30], $0x3000;
	p0 =	sgt.s32 s13, $0x0  }
.Ltmp42:
0x1fd: {  	[sflag:s30] =	ssyncset.done $0x0;
	(pc) =	sbr.rel @!p0 .LBB2_67-.Ltmp42, $4  }
0x1fe: {  	[sflag:s30] =	ssyncadd.s32 $0xFFFFD000  }
0x1ff: {  	_ =	swait.ge [sflag:s31], $0x3000  }
0x200: {  	[sflag:s31] =	ssyncset.done $0x0  }
0x201: {  	[sflag:s31] =	ssyncadd.s32 $0xFFFFD000  }
0x202: {  	p2 =	seq.s32 s13, $0x1  }
.Ltmp43:
0x203: {  	_ = 	snop;
	(pc) =	sbr.rel @p2 .LBB2_54-.Ltmp43, $3  }
0x204: {  	_ =	sdelay $0x1  }
0x205: {  	s3 =	simm.s32 $0x4000  }
0x206: {  	s11 =	simm.s32 $0x0;
	p1 =	por $0x0, $0x0;
	v9 =	vld [tilespmem:s3+$0x0];
	s3 =	sadd.s32 $0xFFFFFFFF, s13  }
0x207: {  	_ =	sdelay $0x3  }
0x208: {  	v11 =	vor.u32 s11, v4;
	v10 =	vshra.s32 v9, $0xE  }
0x209: {  	vm1 =	vlt.s32 v11, v8;
	vm0 =	vlt.s32 v10, v2  }
0x20a: {  	vm2 =	vge.s32 v10, v1;
	vm0 =	vmand vm0, vm1  }
0x20b: {  	vm0 =	vmand vm0, vm2  }
0x20c: {  	v10 =	vmpcnt.ones.xlane vm0;
	_ =	sdelay $0x1  }
0x20d: {  	p2 =	seq.s32 s3, $0x1;
	(v2sf) =	vpush v10, $0x0  }
.Ltmp44:
0x20e: {  	_ = 	snop;
	(pc) =	sbr.rel @p2 .LBB2_59-.Ltmp44, $3  }
0x20f: {  	_ =	sdelay $0x1  }
0x210: {  	s16 =	simm.s32 $0x4010;
	s17 =	sadd.s32 $0xFFFFFFFF, s3;
	[tilespmem:s11+$0x4380] =	vst.msk vm0, v9  }
0x211: {  	p1 =	por $0x1, $0x1;
	s15 =	simm.s32 $0x0;
	s14 =	simm.s32 $0x0;
	v9 =	vld [tilespmem:s16+$0x0]  }
.LBB2_60:
0x212: {  	p2 =	seq.s32 s17, $0x1;
	_ =	sdelay $0x2  }
0x213: {  	s15 =	sadd.s32 $0x10, s15  }
0x214: {  	v11 =	vor.u32 s15, v4;
	v10 =	vshra.s32 v9, $0xE  }
0x215: {  	vm1 =	vlt.s32 v11, v8;
	vm0 =	vlt.s32 v10, v2  }
0x216: {  	vm2 =	vge.s32 v10, v1;
	vm0 =	vmand vm0, vm1  }
0x217: {  	vm0 =	vmand vm0, vm2  }
0x218: {  	v10 =	vmpcnt.ones.xlane vm0  }
0x219: {  	s3 =	spop (v2sf)  }
0x21a: {  	(v2sf) =	vpush v10, $0x0;
	s14 =	sadd.s32 s14, s3  }
.Ltmp45:
0x21b: {  	[tilespmem:s14+$0x4380] =	vst.msk vm0, v9;
	(pc) =	sbr.rel @!p2 .LBB2_60-.Ltmp45, $3  }
0x21c: {  	_ =	sdelay $0x1  }
0x21d: {  	s16 =	sadd.s32 $0x10, s16  }
0x21e: {  	s17 =	sadd.s32 $0xFFFFFFFF, s17;
	v9 =	vld [tilespmem:s16+$0x0]  }
.LBB2_61:
0x21f: {  	_ =	sdelay $0x1  }
0x220: {  	s3 =	sadd.s32 @p1 $0x10, s15;
	s4 =	simm.s32 $0x0  }
0x221: {  	s4 =	smov.u32 @p1 s3  }
0x222: {  	v11 =	vor.u32 s4, v4;
	v10 =	vshra.s32 v9, $0xE  }
0x223: {  	vm1 =	vlt.s32 v11, v8;
	vm0 =	vlt.s32 v10, v2  }
0x224: {  	vm2 =	vge.s32 v10, v1;
	vm0 =	vmand vm0, vm1  }
0x225: {  	vm0 =	vmand vm0, vm2  }
0x226: {  	v10 =	vmpcnt.ones.xlane vm0;
	_ =	sdelay $0x1  }
0x227: {  	(v2sf) =	vpush v10, $0x0;
	_ =	sdelay $0xc  }
0x228: {  	s3 =	spop @p1 (v2sf)  }
0x229: {  	s3 =	sadd.s32 @p1 s14, s3  }
0x22a: {  	s11 =	smov.u32 @p1 s3;
	s29 =	spop (v2sf)  }
0x22b: {  	[tilespmem:s11+$0x4380] =	vst.msk vm0, v9;
	s15 =	sadd.s32 s11, s29  }
0x22c: {  	p1 =	slt.s32 s15, $0x1  }
.Ltmp46:
0x22d: {  	_ = 	snop;
	(pc) =	sbr.rel @p1 .LBB2_67-.Ltmp46, $1  }
0x22e: {  	_ =	sdelay $0x3  }
0x22f: {  	s19 =	simm.s32 $0x0  }
0x230: {  	s4 =	sand.u32 $0xFFFFFFC0, s19  }
0x231: {  	s4 =	sshra.s32 s4, $0x2  }
0x232: {  	v9 =	vld [tilespmem:s4+$0x4380];
	_ =	sdelay $0x3  }
0x233: {  	v10 =	vmov s19  }
0x234: {  	v9 =	vperm.xlane v9, v10;
	_ =	sdelay $0x1  }
0x235: {  	(v2sf) =	vpush v9, $0x0;
	_ =	sdelay $0x4  }
0x236: {  	v9 =	vshra.s32 v9, $0xE  }
0x237: {  	v10 =	vsub.s32 v9, v1  }
0x238: {  	v10 =	vshll.u32 v10, $0x3  }
0x239: {  	v9 =	vand.u32 $0x7F, v9;
	v10 =	vand.u32 $0xFFFFFC00, v10  }
0x23a: {  	v9 =	vor.u32 v9, v10  }
0x23b: {  	v9 =	vadd.s32 v6, v9  }
0x23c: {  	p2 =	sne.s32 s15, $0x1  }
.Ltmp47:
0x23d: {  	_ = 	snop;
	(pc) =	sbr.rel @!p2 .LBB2_57-.Ltmp47, $4  }
0x23e: {  	_ = 	snop  }
0x23f: {  	s3 =	sshll.u32 s12, $0x7;
	s14 =	sshll.u32 s12, $0x5;
	s17 =	simm.s32 $0x1  }
0x240: {  	s16 =	simm.s32 $0x4;
	s3 =	sshra.s32 s3, $0x2;
	v10 =	vld.idx.msk [tilespmem:v9+s22+$0x0], $0xffff;
	s29 =	spop (v2sf)  }
0x241: {  	p1 =	por $0x0, $0x0;
	v12 =	vor.u32 s14, v4;
	v11 =	vor.u32 s14, v7;
	s11 =	sadd.s32 $0x16700, s3;
	v9 =	vld.idx.msk [tilespmem:v9+s23+$0x0], $0xffff;
	s3 =	sshll.u32 s29, $0x2  }
0x242: {  	_ =	sdelay $0x3  }
0x243: {  	s4 =	sand.u32 $0xFFFFFFC0, s16;
	s3 =	sand.u32 $0xFFFC, s3;
	[tilespmem:v12+s0+$0x0] =	vst.idx.msk $0xffff, v10  }
0x244: {  	s4 =	sshra.s32 s4, $0x2;
	s3 =	sadd.s32 s6, s3;
	[tilespmem:v11+s0+$0x0] =	vst.idx.msk $0xffff, v9  }
0x245: {  	[hbm4b:s3+s5] =	stream.linear.scatter [tilespmem:s11], [sflag:$0x7], $0x20, $0x38;
	[tilespmem:$0x1CB00] =	vst v63  }
0x246: {  	v9 =	vld [tilespmem:s4+$0x4380];
	_ =	sdelay $0x3  }
0x247: {  	v10 =	vmov s17  }
0x248: {  	v9 =	vperm.xlane v9, v10;
	_ =	sdelay $0x1  }
0x249: {  	(v2sf) =	vpush v9, $0x0;
	_ =	sdelay $0x2  }
0x24a: {  	v9 =	vshra.s32 v9, $0xE  }
0x24b: {  	v10 =	vsub.s32 v9, v1  }
0x24c: {  	v10 =	vshll.u32 v10, $0x3  }
0x24d: {  	v9 =	vand.u32 $0x7F, v9;
	v10 =	vand.u32 $0xFFFFFC00, v10  }
0x24e: {  	v9 =	vor.u32 v9, v10  }
0x24f: {  	v9 =	vadd.s32 v6, v9;
	_ =	sdelay $0x2  }
0x250: {  	p2 =	sne.s32 s15, $0x2  }
.Ltmp48:
0x251: {  	s14 =	sadd.s32 $0x20, s14;
	(pc) =	sbr.rel @!p2 .LBB2_63-.Ltmp48, $4  }
0x252: {  	v12 =	vor.u32 s14, v4;
	v10 =	vld.idx.msk [tilespmem:v9+s22+$0x0], $0xffff  }
0x253: {  	v11 =	vor.u32 s14, v7;
	v9 =	vld.idx.msk [tilespmem:v9+s23+$0x0], $0xffff  }
0x254: {  	s16 =	simm.s32 $0x8;
	p1 =	por $0x1, $0x1;
	s29 =	spop (v2sf)  }
0x255: {  	s18 =	smov.u32 s11;
	s17 =	simm.s32 $0x2;
	s3 =	sshll.u32 s29, $0x2  }
.LBB2_64:
0x256: {  	s4 =	sand.u32 $0xFFFFFFC0, s16;
	s3 =	sand.u32 $0xFFFC, s3;
	s8 =	smov.u32 s17  }
0x257: {  	s18 =	sadd.s32 $0x20, s18;
	s4 =	sshra.s32 s4, $0x2;
	[tilespmem:v12+s0+$0x0] =	vst.idx.msk $0xffff, v10;
	s3 =	sadd.s32 s6, s3  }
0x258: {  	[tilespmem:v11+s0+$0x0] =	vst.idx.msk $0xffff, v9;
	[hbm4b:s3+s5] =	stream.linear.scatter [tilespmem:s18], [sflag:$0x7], $0x20, $0x38  }
0x259: {  	s17 =	sadd.s32 $0x1, s17;
	v9 =	vld [tilespmem:s4+$0x4380]  }
0x25a: {  	p2 =	sne.s32 s15, s17;
	_ =	sdelay $0x2  }
0x25b: {  	v10 =	vmov s8  }
0x25c: {  	v9 =	vperm.xlane v9, v10;
	_ =	sdelay $0x1  }
0x25d: {  	(v2sf) =	vpush v9, $0x0;
	_ =	sdelay $0x1  }
0x25e: {  	v9 =	vshra.s32 v9, $0xE  }
0x25f: {  	v10 =	vsub.s32 v9, v1  }
0x260: {  	v10 =	vshll.u32 v10, $0x3  }
0x261: {  	v9 =	vand.u32 $0x7F, v9;
	v10 =	vand.u32 $0xFFFFFC00, v10  }
0x262: {  	v9 =	vor.u32 v9, v10  }
0x263: {  	v9 =	vadd.s32 v6, v9;
	_ =	sdelay $0x4  }
.Ltmp49:
0x264: {  	s14 =	sadd.s32 $0x20, s14;
	v10 =	vld.idx.msk [tilespmem:v9+s22+$0x0], $0xffff;
	(pc) =	sbr.rel @p2 .LBB2_64-.Ltmp49, $4  }
0x265: {  	v12 =	vor.u32 s14, v4;
	v9 =	vld.idx.msk [tilespmem:v9+s23+$0x0], $0xffff  }
0x266: {  	v11 =	vor.u32 s14, v7  }
0x267: {  	s3 =	spop (v2sf)  }
0x268: {  	s16 =	sadd.s32 $0x4, s16;
	s3 =	sshll.u32 s3, $0x2  }
0x269: {  	s8 =	rddreg [dreg:$0x1]  }
.LBB2_66:
0x26a: {  	_ =	sdelay $0x3  }
0x26b: {  	s3 =	sand.u32 $0xFFFC, s3;
	[tilespmem:v12+s0+$0x0] =	vst.idx.msk $0xffff, v10;
	s4 =	sadd.s32 @p1 $0x20, s18;
	s12 =	sadd.s32 s17, s12  }
0x26c: {  	s18 =	rddreg [dreg:$0x2];
	s3 =	sadd.s32 s6, s3;
	[tilespmem:v11+s0+$0x0] =	vst.idx.msk $0xffff, v9;
	s11 =	smov.u32 @p1 s4  }
0x26d: {  	[hbm4b:s3+s5] =	stream.linear.scatter [tilespmem:s11], [sflag:$0x7], $0x20, $0x38;
	[tilespmem:$0x1CB00] =	vst v63  }
.LBB2_67:
0x26e: {  	_ =	swait.ge [sflag:s2], $0x3000  }
.Ltmp50:
0x26f: {  	[sflag:s2] =	ssyncset.done $0x0;
	(pc) =	sbr.rel @!p0 .LBB2_68-.Ltmp50, $4  }
0x270: {  	[sflag:s2] =	ssyncadd.s32 $0xFFFFD000  }
0x271: {  	_ =	swait.ge [sflag:s1], $0x3000  }
0x272: {  	[sflag:s1] =	ssyncset.done $0x0  }
0x273: {  	[sflag:s1] =	ssyncadd.s32 $0xFFFFD000  }
0x274: {  	p1 =	seq.s32 s13, $0x1  }
.Ltmp51:
0x275: {  	_ = 	snop;
	(pc) =	sbr.rel @p1 .LBB2_72-.Ltmp51, $3  }
0x276: {  	_ =	sdelay $0x1  }
0x277: {  	s3 =	simm.s32 $0x4000  }
0x278: {  	s11 =	simm.s32 $0x0;
	p0 =	por $0x0, $0x0;
	v9 =	vld [tilespmem:s3+$0x0];
	s3 =	sadd.s32 $0xFFFFFFFF, s13  }
0x279: {  	_ =	sdelay $0x3  }
0x27a: {  	v11 =	vor.u32 s11, v4;
	v10 =	vshra.s32 v9, $0xE  }
0x27b: {  	vm1 =	vlt.s32 v11, v8;
	vm0 =	vlt.s32 v10, v5  }
0x27c: {  	vm2 =	vge.s32 v10, v3;
	vm0 =	vmand vm0, vm1  }
0x27d: {  	vm0 =	vmand vm0, vm2  }
0x27e: {  	v10 =	vmpcnt.ones.xlane vm0;
	_ =	sdelay $0x1  }
0x27f: {  	p1 =	seq.s32 s3, $0x1;
	(v2sf) =	vpush v10, $0x0  }
.Ltmp52:
0x280: {  	_ = 	snop;
	(pc) =	sbr.rel @p1 .LBB2_74-.Ltmp52, $3  }
0x281: {  	_ =	sdelay $0x1  }
0x282: {  	s15 =	simm.s32 $0x4010;
	s16 =	sadd.s32 $0xFFFFFFFF, s3;
	[tilespmem:s11+$0x4380] =	vst.msk vm0, v9  }
0x283: {  	p0 =	por $0x1, $0x1;
	s14 =	simm.s32 $0x0;
	s13 =	simm.s32 $0x0;
	v9 =	vld [tilespmem:s15+$0x0]  }
.LBB2_75:
0x284: {  	p1 =	seq.s32 s16, $0x1;
	_ =	sdelay $0x2  }
0x285: {  	s14 =	sadd.s32 $0x10, s14  }
0x286: {  	v11 =	vor.u32 s14, v4;
	v10 =	vshra.s32 v9, $0xE  }
0x287: {  	vm1 =	vlt.s32 v11, v8;
	vm0 =	vlt.s32 v10, v5  }
0x288: {  	vm2 =	vge.s32 v10, v3;
	vm0 =	vmand vm0, vm1  }
0x289: {  	vm0 =	vmand vm0, vm2  }
0x28a: {  	v10 =	vmpcnt.ones.xlane vm0  }
0x28b: {  	s3 =	spop (v2sf)  }
0x28c: {  	(v2sf) =	vpush v10, $0x0;
	s13 =	sadd.s32 s13, s3  }
.Ltmp53:
0x28d: {  	[tilespmem:s13+$0x4380] =	vst.msk vm0, v9;
	(pc) =	sbr.rel @!p1 .LBB2_75-.Ltmp53, $3  }
0x28e: {  	_ =	sdelay $0x1  }
0x28f: {  	s15 =	sadd.s32 $0x10, s15  }
0x290: {  	s16 =	sadd.s32 $0xFFFFFFFF, s16;
	v9 =	vld [tilespmem:s15+$0x0]  }
.LBB2_76:
0x291: {  	_ =	sdelay $0x1  }
0x292: {  	s3 =	sadd.s32 @p0 $0x10, s14;
	s4 =	simm.s32 $0x0  }
0x293: {  	s4 =	smov.u32 @p0 s3  }
0x294: {  	v11 =	vor.u32 s4, v4;
	v10 =	vshra.s32 v9, $0xE  }
0x295: {  	vm1 =	vlt.s32 v11, v8;
	vm0 =	vlt.s32 v10, v5  }
0x296: {  	vm2 =	vge.s32 v10, v3;
	vm0 =	vmand vm0, vm1  }
0x297: {  	vm0 =	vmand vm0, vm2  }
0x298: {  	v8 =	vmpcnt.ones.xlane vm0;
	_ =	sdelay $0x1  }
0x299: {  	(v2sf) =	vpush v8, $0x0;
	_ =	sdelay $0xc  }
0x29a: {  	s3 =	spop @p0 (v2sf)  }
0x29b: {  	s3 =	sadd.s32 @p0 s13, s3  }
0x29c: {  	s11 =	smov.u32 @p0 s3;
	s29 =	spop (v2sf)  }
0x29d: {  	[tilespmem:s11+$0x4380] =	vst.msk vm0, v9;
	s13 =	sadd.s32 s11, s29  }
0x29e: {  	p0 =	slt.s32 s13, $0x1  }
.Ltmp54:
0x29f: {  	_ = 	snop;
	(pc) =	sbr.rel @p0 .LBB2_70-.Ltmp54, $1  }
0x2a0: {  	_ =	sdelay $0x3  }
0x2a1: {  	s19 =	simm.s32 $0x0  }
0x2a2: {  	s4 =	sand.u32 $0xFFFFFFC0, s19  }
0x2a3: {  	s4 =	sshra.s32 s4, $0x2  }
0x2a4: {  	v8 =	vld [tilespmem:s4+$0x4380];
	_ =	sdelay $0x3  }
0x2a5: {  	v9 =	vmov s19  }
0x2a6: {  	v8 =	vperm.xlane v8, v9;
	_ =	sdelay $0x1  }
0x2a7: {  	(v2sf) =	vpush v8, $0x0;
	_ =	sdelay $0x4  }
0x2a8: {  	v8 =	vshra.s32 v8, $0xE  }
0x2a9: {  	v9 =	vsub.s32 v8, v3  }
0x2aa: {  	v9 =	vshll.u32 v9, $0x3  }
0x2ab: {  	v8 =	vand.u32 $0x7F, v8;
	v9 =	vand.u32 $0xFFFFFC00, v9  }
0x2ac: {  	v8 =	vor.u32 v8, v9  }
0x2ad: {  	v8 =	vadd.s32 v6, v8  }
0x2ae: {  	p1 =	sne.s32 s13, $0x1  }
.Ltmp55:
0x2af: {  	_ = 	snop;
	(pc) =	sbr.rel @!p1 .LBB2_78-.Ltmp55, $4  }
0x2b0: {  	_ = 	snop  }
0x2b1: {  	s3 =	sshll.u32 s12, $0x7;
	s14 =	sshll.u32 s12, $0x5;
	s15 =	simm.s32 $0x1  }
0x2b2: {  	s16 =	simm.s32 $0x4;
	s3 =	sshra.s32 s3, $0x2;
	v9 =	vld.idx.msk [tilespmem:v8+s24+$0x0], $0xffff;
	s29 =	spop (v2sf)  }
0x2b3: {  	p0 =	por $0x0, $0x0;
	v11 =	vor.u32 s14, v4;
	v10 =	vor.u32 s14, v7;
	s11 =	sadd.s32 $0x16700, s3;
	v8 =	vld.idx.msk [tilespmem:v8+s25+$0x0], $0xffff;
	s3 =	sshll.u32 s29, $0x2  }
0x2b4: {  	_ =	sdelay $0x3  }
0x2b5: {  	s4 =	sand.u32 $0xFFFFFFC0, s16;
	s3 =	sand.u32 $0xFFFC, s3;
	[tilespmem:v11+s0+$0x0] =	vst.idx.msk $0xffff, v9  }
0x2b6: {  	s4 =	sshra.s32 s4, $0x2;
	s3 =	sadd.s32 s6, s3;
	[tilespmem:v10+s0+$0x0] =	vst.idx.msk $0xffff, v8  }
0x2b7: {  	[hbm4b:s3+s5] =	stream.linear.scatter [tilespmem:s11], [sflag:$0x7], $0x20, $0x38;
	[tilespmem:$0x1CB00] =	vst v63  }
0x2b8: {  	v8 =	vld [tilespmem:s4+$0x4380];
	_ =	sdelay $0x3  }
0x2b9: {  	v9 =	vmov s15  }
0x2ba: {  	v8 =	vperm.xlane v8, v9;
	_ =	sdelay $0x1  }
0x2bb: {  	(v2sf) =	vpush v8, $0x0;
	_ =	sdelay $0x2  }
0x2bc: {  	v8 =	vshra.s32 v8, $0xE  }
0x2bd: {  	v9 =	vsub.s32 v8, v3  }
0x2be: {  	v9 =	vshll.u32 v9, $0x3  }
0x2bf: {  	v8 =	vand.u32 $0x7F, v8;
	v9 =	vand.u32 $0xFFFFFC00, v9  }
0x2c0: {  	v8 =	vor.u32 v8, v9  }
0x2c1: {  	v8 =	vadd.s32 v6, v8;
	_ =	sdelay $0x2  }
0x2c2: {  	p1 =	sne.s32 s13, $0x2  }
.Ltmp56:
0x2c3: {  	s14 =	sadd.s32 $0x20, s14;
	(pc) =	sbr.rel @!p1 .LBB2_80-.Ltmp56, $4  }
0x2c4: {  	v11 =	vor.u32 s14, v4;
	v9 =	vld.idx.msk [tilespmem:v8+s24+$0x0], $0xffff  }
0x2c5: {  	v10 =	vor.u32 s14, v7;
	v8 =	vld.idx.msk [tilespmem:v8+s25+$0x0], $0xffff  }
0x2c6: {  	s16 =	simm.s32 $0x8;
	p0 =	por $0x1, $0x1;
	s29 =	spop (v2sf)  }
0x2c7: {  	s17 =	smov.u32 s11;
	s15 =	simm.s32 $0x2;
	s3 =	sshll.u32 s29, $0x2  }
.LBB2_81:
0x2c8: {  	s4 =	sand.u32 $0xFFFFFFC0, s16;
	s3 =	sand.u32 $0xFFFC, s3;
	s8 =	smov.u32 s15  }
0x2c9: {  	s17 =	sadd.s32 $0x20, s17;
	s4 =	sshra.s32 s4, $0x2;
	[tilespmem:v11+s0+$0x0] =	vst.idx.msk $0xffff, v9;
	s3 =	sadd.s32 s6, s3  }
0x2ca: {  	[tilespmem:v10+s0+$0x0] =	vst.idx.msk $0xffff, v8;
	[hbm4b:s3+s5] =	stream.linear.scatter [tilespmem:s17], [sflag:$0x7], $0x20, $0x38  }
0x2cb: {  	s15 =	sadd.s32 $0x1, s15;
	v8 =	vld [tilespmem:s4+$0x4380]  }
0x2cc: {  	p1 =	sne.s32 s13, s15;
	_ =	sdelay $0x2  }
0x2cd: {  	v9 =	vmov s8  }
0x2ce: {  	v8 =	vperm.xlane v8, v9;
	_ =	sdelay $0x1  }
0x2cf: {  	(v2sf) =	vpush v8, $0x0;
	_ =	sdelay $0x1  }
0x2d0: {  	v8 =	vshra.s32 v8, $0xE  }
0x2d1: {  	v9 =	vsub.s32 v8, v3  }
0x2d2: {  	v9 =	vshll.u32 v9, $0x3  }
0x2d3: {  	v8 =	vand.u32 $0x7F, v8;
	v9 =	vand.u32 $0xFFFFFC00, v9  }
0x2d4: {  	v8 =	vor.u32 v8, v9  }
0x2d5: {  	v8 =	vadd.s32 v6, v8;
	_ =	sdelay $0x4  }
.Ltmp57:
0x2d6: {  	s14 =	sadd.s32 $0x20, s14;
	v9 =	vld.idx.msk [tilespmem:v8+s24+$0x0], $0xffff;
	(pc) =	sbr.rel @p1 .LBB2_81-.Ltmp57, $4  }
0x2d7: {  	v11 =	vor.u32 s14, v4;
	v8 =	vld.idx.msk [tilespmem:v8+s25+$0x0], $0xffff  }
0x2d8: {  	v10 =	vor.u32 s14, v7  }
0x2d9: {  	s3 =	spop (v2sf)  }
0x2da: {  	s16 =	sadd.s32 $0x4, s16;
	s3 =	sshll.u32 s3, $0x2  }
0x2db: {  	s8 =	rddreg [dreg:$0x1]  }
.LBB2_83:
0x2dc: {  	_ =	sdelay $0x2  }
.Ltmp58:
0x2dd: {  	_ = 	snop;
	(pc) =	sbr.rel .LBB2_84-.Ltmp58, $4  }
0x2de: {  	s3 =	sand.u32 $0xFFFC, s3;
	[tilespmem:v11+s0+$0x0] =	vst.idx.msk $0xffff, v9;
	s4 =	sadd.s32 @p0 $0x20, s17  }
0x2df: {  	s3 =	sadd.s32 s6, s3;
	[tilespmem:v10+s0+$0x0] =	vst.idx.msk $0xffff, v8;
	s11 =	smov.u32 @p0 s4  }
0x2e0: {  	[hbm4b:s3+s5] =	stream.linear.scatter [tilespmem:s11], [sflag:$0x7], $0x20, $0x38;
	[tilespmem:$0x1CB00] =	vst v63  }
0x2e1: {  	s12 =	sadd.s32 s15, s12;
	s11 =	rddreg [dreg:$0x11]  }
.LBB2_68:
.Ltmp59:
0x2e2: {  	(pc) =	sbr.rel .LBB2_84-.Ltmp59, $2  }
0x2e3: {  	_ =	sdelay $0x2  }
0x2e4: {  	s11 =	rddreg [dreg:$0x11]  }
.LBB2_70:
0x2e5: {  	s11 =	rddreg [dreg:$0x11]  }
.LBB2_84:
0x2e6: {  	s3 =	sshra.s32 s12, $0x1F  }
0x2e7: {  	s3 =	sshrl.u32 s3, $0x1D  }
0x2e8: {  	s3 =	sadd.s32 s3, s12  }
0x2e9: {  	s4 =	sand.u32 $0xFFFFFFF8, s3  }
0x2ea: {  	p0 =	slt.s32 s12, $0x1;
	p1 =	sne.s32 s12, s4  }
0x2eb: {  	p0 =	por !p0, !p1  }
0x2ec: {  	s4 =	simm.s32 $0x1;
	p0 =	por !p0, !p0  }
0x2ed: {  	s3 =	sshra.s32 s3, $0x3;
	s4 =	simm.s32 @!p0 $0x0  }
0x2ee: {  	s3 =	ssub.s32 s3, s4  }
0x2ef: {  	p0 =	slt.s32 s3, $0x1  }
.Ltmp60:
0x2f0: {  	_ = 	snop;
	(pc) =	sbr.rel @p0 .LBB2_88-.Ltmp60, $1  }
0x2f1: {  	_ =	sdelay $0x3  }
0x2f2: {  	p0 =	sne.s32 s3, $0x1  }
.Ltmp61:
0x2f3: {  	_ = 	snop;
	(pc) =	sbr.rel @!p0 .LBB2_87-.Ltmp61, $3  }
0x2f4: {  	_ =	sdelay $0x1  }
0x2f5: {  	_ =	swait.ge [sflag:s10], $0x100  }
0x2f6: {  	s3 =	sadd.s32 $0xFFFFFFFF, s3;
	[sflag:s10] =	ssyncset.done $0x0  }
.LBB2_86:
0x2f7: {  	p0 =	sne.s32 s3, $0x1;
	s3 =	sadd.s32 $0xFFFFFFFF, s3;
	[sflag:s10] =	ssyncadd.s32 $0xFFFFFF00  }
.Ltmp62:
0x2f8: {  	(pc) =	sbr.rel @p0 .LBB2_86-.Ltmp62, $3  }
0x2f9: {  	_ =	sdelay $0x1  }
0x2fa: {  	_ =	swait.ge [sflag:s10], $0x100  }
0x2fb: {  	[sflag:s10] =	ssyncset.done $0x0  }
.LBB2_87:
0x2fc: {  	[sflag:s10] =	ssyncadd.s32 $0xFFFFFF00  }
.LBB2_88:
0x2fd: {  	s3 =	sand.u32 $0x7, s12  }
0x2fe: {  	p0 =	seq.s32 s3, $0x0  }
.Ltmp63:
0x2ff: {  	_ = 	snop;
	(pc) =	sbr.rel @p0 .LBB2_92-.Ltmp63, $1  }
0x300: {  	_ =	sdelay $0x3  }
0x301: {  	p0 =	sne.s32 s3, $0x1  }
.Ltmp64:
0x302: {  	_ = 	snop;
	(pc) =	sbr.rel @!p0 .LBB2_91-.Ltmp64, $3  }
0x303: {  	_ =	sdelay $0x1  }
0x304: {  	_ =	swait.ge [sflag:s10], $0x20  }
0x305: {  	s3 =	sadd.s32 $0xFFFFFFFF, s3;
	[sflag:s10] =	ssyncset.done $0x0  }
.LBB2_90:
0x306: {  	p0 =	sne.s32 s3, $0x1;
	s3 =	sadd.s32 $0xFFFFFFFF, s3;
	[sflag:s10] =	ssyncadd.s32 $0xFFFFFFE0  }
.Ltmp65:
0x307: {  	(pc) =	sbr.rel @p0 .LBB2_90-.Ltmp65, $3  }
0x308: {  	_ =	sdelay $0x1  }
0x309: {  	_ =	swait.ge [sflag:s10], $0x20  }
0x30a: {  	[sflag:s10] =	ssyncset.done $0x0  }
.Ltmp66:
0x30b: {  	_ = 	snop;
	(pc) =	sbr.rel .LBB2_91-.Ltmp66, $1  }
0x30c: {  	_ =	sdelay $0x3  }
.LBB2_54:
.Ltmp67:
0x30d: {  	(pc) =	sbr.rel .LBB2_61-.Ltmp67, $2  }
0x30e: {  	_ =	sdelay $0x2  }
0x30f: {  	s15 =	simm.s32 $0x0;
	s14 =	simm.s32 $0x0  }
.LBB2_72:
.Ltmp68:
0x310: {  	(pc) =	sbr.rel .LBB2_76-.Ltmp68, $2  }
0x311: {  	_ =	sdelay $0x2  }
0x312: {  	s14 =	simm.s32 $0x0;
	s13 =	simm.s32 $0x0  }
.LBB2_59:
.Ltmp69:
0x313: {  	(pc) =	sbr.rel .LBB2_61-.Ltmp69, $2  }
0x314: {  	_ =	sdelay $0x2  }
0x315: {  	s15 =	simm.s32 $0x0;
	s14 =	simm.s32 $0x0  }
.LBB2_74:
.Ltmp70:
0x316: {  	(pc) =	sbr.rel .LBB2_76-.Ltmp70, $2  }
0x317: {  	_ =	sdelay $0x2  }
0x318: {  	s14 =	simm.s32 $0x0;
	s13 =	simm.s32 $0x0  }
.LBB2_57:
.Ltmp71:
0x319: {  	(pc) =	sbr.rel .LBB2_66-.Ltmp71, $2  }
0x31a: {  	_ =	sdelay $0x2  }
0x31b: {  	s18 =	smov.u32 s11  }
.LBB2_78:
.Ltmp72:
0x31c: {  	(pc) =	sbr.rel .LBB2_83-.Ltmp72, $2  }
0x31d: {  	_ =	sdelay $0x2  }
0x31e: {  	s17 =	smov.u32 s11  }
.LBB2_63:
.Ltmp73:
0x31f: {  	(pc) =	sbr.rel .LBB2_66-.Ltmp73, $2  }
0x320: {  	_ =	sdelay $0x2  }
0x321: {  	s17 =	simm.s32 $0x2;
	s18 =	smov.u32 s11;
	s8 =	rddreg [dreg:$0x1]  }
.LBB2_80:
.Ltmp74:
0x322: {  	(pc) =	sbr.rel .LBB2_83-.Ltmp74, $2  }
0x323: {  	_ =	sdelay $0x2  }
0x324: {  	s15 =	simm.s32 $0x2;
	s17 =	smov.u32 s11;
	s8 =	rddreg [dreg:$0x1]  }
.LBB2_93:
0x325: {  	_ =	sfence.sel $0x180000  }
0x326: {  	[bflag:$0x0] =	sbarrier.arrive $0xFFFF  }
0x327: {  	_ =	strace $0x90000047  }
0x328: {  	s0 =	stileid.u32;
	[bflag:$0x2] =	sbarrier.arrive $0xFFFF  }
0x329: {  	p0 =	sne.s32 s0, $0x0;
	s0 =	rddreg [dreg:$0x4]  }
0x32a: {  	s0 =	sadd.s32 @!p0 $0x100000, s0  }
0x32b: {  	[sflag:s0] =	ssyncadd.tile.s32 @!p0 $0x1;
	_ =	shalt  }
.Lfunc_end2:
_tile_overlayer_lowered:
.L_overlay_start_2:
0x32c: {  	(tag) =	ssettag $0x2  }
0x32d: {  	s0 =	rddreg [dreg:$0x0];
	s2 =	stileid.u32  }
0x32e: {  	s1 =	rddreg [dreg:$0x1];
	p0 =	sne.s32 s2, $0x0  }
0x32f: {  	s3 =	rddreg [dreg:$0x2];
	[bflag:$0x3] =	sbarrier.arrive $0xFFFF;
	s2 =	simm.s32 @!p0 $0x1C08  }
0x330: {  	[timem:s3], [sflag:s2] =	dma.local @!p0 [hbm:s0], s1  }
0x331: {  	s0 =	simm.s32 @!p0 $0x8  }
0x332: {  	_ =	swait.ge @!p0 [sflag:s0], s1  }
0x333: {  	s1 =	ssub.s32 @!p0 $0x0, s1;
	[sflag:s0] =	ssyncset.done @!p0 $0x0  }
0x334: {  	[sflag:s0] =	ssyncadd.s32 @!p0 s1  }
0x335: {  	[bflag:$0x3] =	sbarrier.arrive $0xFFFF  }
0x336: {  	_ =	shalt  }

</sc_bundles>
